<compile_context>
chip_gen: v7x
topology: tpu7x:2x2x1
jax: 0.10.2.dev20260603
libtpu: 0.0.44.dev20260713+nightly
codegen_flags: <defaults>
</compile_context>

<pallas_src>
import functools

import jax
import jax.numpy as jnp
from jax import lax
from jax.experimental import pallas as pl
from jax.experimental.pallas import tpu as pltpu
from jax.experimental.pallas import tpu_sc as plsc

N = 10000
E = 320000
D = 128
H = 32
CP = 8

NW = 32
CK = 128
CHUNKS = 79
EPW = CHUNKS * CK
EPAD = NW * EPW
NP = 10240
RPT = NP // 16


def _make_edge_pass(feat):
    mesh = plsc.VectorSubcoreMesh(core_axis_name="c", subcore_axis_name="s")

    @functools.partial(
        pl.kernel,
        out_type=jax.ShapeDtypeStruct((2, NP, feat), jnp.float32),
        mesh=mesh,
        compiler_params=pltpu.CompilerParams(use_tc_tiling_on_sc=False),
        scratch_types=[
            pltpu.VMEM((CHUNKS, CK), jnp.int32),
            pltpu.VMEM((CHUNKS, CK), jnp.int32),
            [pltpu.VMEM((CK, feat), jnp.float32) for _ in range(4)],
            [pltpu.SemaphoreType.DMA for _ in range(4)],
            pltpu.VMEM_SHARED((NP, feat), jnp.float32),
        ],
    )
    def edge_pass(rows_hbm, edges_hbm, zeros_hbm, out_hbm,
                  src_v, dst_v, bufs, sems, acc):
        cid = lax.axis_index("c")
        sid = lax.axis_index("s")
        wid = sid * 2 + cid
        r0 = sid * RPT
        pltpu.sync_copy(zeros_hbm.at[pl.ds(r0, RPT)], acc.at[pl.ds(r0, RPT)])
        pltpu.sync_copy(edges_hbm.at[0, wid], src_v)
        pltpu.sync_copy(edges_hbm.at[1, wid], dst_v)
        plsc.subcore_barrier()

        NB = 4
        for b in range(NB):
            pltpu.async_copy(rows_hbm.at[src_v.at[b]], bufs[b], sems[b])

        def step(j, b):
            pltpu.make_async_copy(
                rows_hbm.at[src_v.at[j]], bufs[b], sems[b]).wait()
            pltpu.sync_copy(bufs[b], acc.at[dst_v.at[j]], add=True)

            @pl.when(j + NB < CHUNKS)
            def _():
                pltpu.async_copy(
                    rows_hbm.at[src_v.at[j + NB]], bufs[b], sems[b])

        def body(i, carry):
            for b in range(NB):
                step(i * NB + b, b)
            return carry

        lax.fori_loop(0, CHUNKS // NB, body, 0)
        for j in range(CHUNKS - CHUNKS % NB, CHUNKS):
            step(j, j % NB)
        plsc.subcore_barrier()
        pltpu.sync_copy(acc.at[pl.ds(r0, RPT)],
                        out_hbm.at[cid, pl.ds(r0, RPT)])

    return edge_pass


_edge_pass_h = _make_edge_pass(H)


def _make_layer2_pass():
    mesh = plsc.VectorSubcoreMesh(core_axis_name="c", subcore_axis_name="s")
    NBLK = RPT // 16

    @functools.partial(
        pl.kernel,
        out_type=jax.ShapeDtypeStruct((2, 2, NP), jnp.float32),
        mesh=mesh,
        compiler_params=pltpu.CompilerParams(
            use_tc_tiling_on_sc=False, needs_layout_passes=False),
        scratch_types=[
            pltpu.VMEM((CHUNKS, CK), jnp.int32),
            pltpu.VMEM((CHUNKS, CK), jnp.int32),
            pltpu.VMEM((RPT * H,), jnp.float32),
            pltpu.VMEM((RPT * H,), jnp.float32),
            pltpu.VMEM((H * 2 * 16,), jnp.float32),
            [pltpu.VMEM((RPT,), jnp.float32) for _ in range(2)],
            [[pltpu.VMEM((CK,), jnp.float32) for _ in range(4)]
             for _ in range(2)],
            [[pltpu.SemaphoreType.DMA for _ in range(4)] for _ in range(2)],
            [pltpu.VMEM_SHARED((NP,), jnp.float32) for _ in range(2)],
            [pltpu.VMEM_SHARED((NP,), jnp.float32) for _ in range(2)],
        ],
    )
    def layer2_pass(p1_hbm, edges_hbm, w2b_hbm, zeros_hbm, out_hbm,
                    src_v, dst_v, a_v, b_v, w2v, s2v, vals, sems,
                    s2_sh, acc):
        cid = lax.axis_index("c")
        sid = lax.axis_index("s")
        wid = sid * 2 + cid
        r0 = sid * RPT
        for c in range(2):
            pltpu.sync_copy(zeros_hbm.at[c, pl.ds(r0, RPT)],
                            acc[c].at[pl.ds(r0, RPT)])
        pltpu.sync_copy(edges_hbm.at[0, wid], src_v)
        pltpu.sync_copy(edges_hbm.at[1, wid], dst_v)
        pltpu.sync_copy(p1_hbm.at[0, pl.ds(r0 * H, RPT * H)], a_v)
        pltpu.sync_copy(p1_hbm.at[1, pl.ds(r0 * H, RPT * H)], b_v)
        pltpu.sync_copy(w2b_hbm, w2v)

        lanes = lax.iota(jnp.int32, 16)
        zero16 = jnp.zeros((16,), jnp.int32)
        one16 = jnp.ones((16,), jnp.int32)
        w2vals = [[w2v[pl.ds((d * 2 + c) * 16, 16)] for c in range(2)]
                  for d in range(H)]

        def s2blk(blk, carry):
            base = blk * (16 * H) + lanes * H
            acc0 = jnp.zeros((16,), jnp.float32)
            acc1 = jnp.zeros((16,), jnp.float32)
            for d in range(H):
                idx = base + d
                col = jnp.maximum(
                    plsc.load_gather(a_v, [idx]) + plsc.load_gather(b_v, [idx]),
                    0.0)
                acc0 = acc0 + col * w2vals[d][0]
                acc1 = acc1 + col * w2vals[d][1]
            rows = blk * 16 + lanes
            plsc.store_scatter(s2v[0], [rows], acc0)
            plsc.store_scatter(s2v[1], [rows], acc1)
            return carry

        lax.fori_loop(0, NBLK, s2blk, 0)
        for c in range(2):
            pltpu.sync_copy(s2v[c], s2_sh[c].at[pl.ds(r0, RPT)])
        plsc.subcore_barrier()

        NB = 4
        GS, SS = sems[0], sems[1]

        def issue_gather(j, b):
            for c in range(2):
                pltpu.async_copy(s2_sh[c].at[src_v.at[j]], vals[c][b], GS[b])

        def wait_gather(j, b):
            for c in range(2):
                pltpu.make_async_copy(
                    s2_sh[c].at[src_v.at[j]], vals[c][b], GS[b]).wait()

        def issue_scatter(j, b):
            for c in range(2):
                pltpu.async_copy(vals[c][b], acc[c].at[dst_v.at[j]], SS[b],
                                 add=True)

        def wait_scatter(j, b):
            for c in range(2):
                pltpu.make_async_copy(
                    vals[c][b], acc[c].at[dst_v.at[j]], SS[b]).wait()

        issue_gather(0, 0)
        issue_gather(1, 1)

        def step(j, b):
            wait_gather(j, b)
            issue_scatter(j, b)

            bb = (b + 2) % NB

            @pl.when(j + 2 < CHUNKS)
            def _():
                @pl.when(j >= 2)
                def _():
                    wait_scatter(j - 2, bb)
                issue_gather(j + 2, bb)

        def body(i, carry):
            for b in range(NB):
                step(i * NB + b, b)
            return carry

        lax.fori_loop(0, CHUNKS // NB, body, 0)
        for j in range(CHUNKS - CHUNKS % NB, CHUNKS):
            step(j, j % NB)
        for j in range(CHUNKS - NB, CHUNKS):
            wait_scatter(j, j % NB)
        plsc.subcore_barrier()
        for c in range(2):
            pltpu.sync_copy(acc[c].at[pl.ds(r0, RPT)],
                            out_hbm.at[cid, c, pl.ds(r0, RPT)])

    return layer2_pass


_layer2_pass = _make_layer2_pass()


def _matmul1(x, W1):
    def body(x_ref, w_ref, o_ref):
        o_ref[...] = jnp.dot(x_ref[...], w_ref[...],
                             preferred_element_type=jnp.float32)

    return pl.pallas_call(
        body,
        grid=(10,),
        in_specs=[pl.BlockSpec((N // 10, D), lambda i: (i, 0)),
                  pl.BlockSpec((D, H), lambda i: (0, 0))],
        out_specs=pl.BlockSpec((N // 10, H), lambda i: (i, 0)),
        out_shape=jax.ShapeDtypeStruct((N, H), jnp.float32),
    )(x, W1)


def _softmax2(p):
    def body(p_ref, o_ref):
        a = p_ref[0] + p_ref[1]
        m = jnp.max(a, axis=0, keepdims=True)
        e = jnp.exp(a - m)
        sm = e / jnp.sum(e, axis=0, keepdims=True)
        o_ref[...] = jnp.stack([sm[0, :N], sm[1, :N]], axis=1)

    return pl.pallas_call(
        body,
        in_specs=[pl.BlockSpec((2, 2, NP), lambda: (0, 0, 0))],
        out_specs=pl.BlockSpec((N, 2), lambda: (0, 0)),
        out_shape=jax.ShapeDtypeStruct((N, 2), jnp.float32),
    )(p)


def kernel(x, edge_index, W1, W2):
    npad = EPAD - E
    ar = jnp.arange(npad, dtype=jnp.int32)
    pad_cols = jnp.stack([ar % N, N + ar % (NP - N)])
    edges = jnp.concatenate([edge_index, pad_cols], axis=1)
    edges = edges.reshape(2, NW, CHUNKS, CK)
    zeros_h = jnp.zeros((NP, H), jnp.float32)
    zeros_c = jnp.zeros((2, NP), jnp.float32)
    w2b = jnp.broadcast_to(W2[:, :, None], (H, 2, 16)).reshape(-1)

    s1 = _matmul1(x, W1)
    p1 = _edge_pass_h(s1, edges, zeros_h)
    p2 = _layer2_pass(p1.reshape(2, NP * H), edges, w2b, zeros_c)
    return _softmax2(p2)

# --- scband reference (transcript-rebuilt; emitter-appended) ---
"""Pipeline reference for scband-gcn-80479097192975 (READ-ONLY COPY).

The authoritative reference and input builder live on the scoring server;
editing this copy changes nothing except your own understanding.
"""

import jax, jax.numpy as jnp
import numpy as np

N = 10000
E = 320000
D = 128
H = 32
C = 2


def setup_inputs(seed: int = 0) -> dict:
    key = jax.random.key(seed)
    k1, k2, k3, k4 = jax.random.split(key, 4)
    x = jax.random.normal(k1, (N, D), dtype=jnp.float32)
    edge_index = jax.random.randint(k2, (2, E), 0, N, dtype=jnp.int32)
    # Learned parameters (GraphConvolution weight matrices), sized per init_kwargs
    W1 = jax.random.normal(k3, (D, H), dtype=jnp.float32) * 0.05
    W2 = jax.random.normal(k4, (H, C), dtype=jnp.float32) * 0.05
    return {"x": x, "edge_index": edge_index, "W1": W1, "W2": W2}


def reference(x, edge_index, W1, W2):
    # GraphConvolution layer 1: support = x @ W1; output = A @ support; relu
    # Sparse adjacency A is represented by edge_index (src -> dst);
    # A @ support is a gather along src followed by scatter-add into dst.
    src = edge_index[0]
    dst = edge_index[1]
    s1 = x @ W1                                            # [N, H]
    agg1 = jax.ops.segment_sum(jnp.take(s1, src, axis=0), dst, num_segments=N)
    h1 = jax.nn.relu(agg1)                                 # [N, H]
    # GraphConvolution layer 2: support = h1 @ W2; output = A @ support; softmax
    s2 = h1 @ W2                                           # [N, C]
    agg2 = jax.ops.segment_sum(jnp.take(s2, src, axis=0), dst, num_segments=N)
    out = jax.nn.softmax(agg2, axis=-1)                    # [N, C]
    return out

if __name__ == "__main__":
    import jax
    _d = setup_inputs()
    print(jax.jit(kernel)(*tuple(_d.values())))

</pallas_src>

<mosaic_0001>
#map = affine_map<(d0, d1) -> (0, 0)>
#map1 = affine_map<(d0, d1) -> (0, 0, 0, 0)>
#map2 = affine_map<(d0, d1) -> (0, 0, 0)>
module attributes {stable_mosaic.version = 14 : i64} {
  func.func @edge_pass(%arg0: i32, %arg1: i32, %arg2: memref<10000x32xf32, #tpu.memory_space<hbm>>, %arg3: memref<2x32x79x128xi32, #tpu.memory_space<hbm>>, %arg4: memref<10240x32xf32, #tpu.memory_space<hbm>>, %arg5: memref<2x10240x32xf32, #tpu.memory_space<hbm>>, %arg6: memref<79x128xi32, #tpu.memory_space<vmem>>, %arg7: memref<79x128xi32, #tpu.memory_space<vmem>>, %arg8: memref<128x32xf32, #tpu.memory_space<vmem>>, %arg9: memref<128x32xf32, #tpu.memory_space<vmem>>, %arg10: memref<128x32xf32, #tpu.memory_space<vmem>>, %arg11: memref<128x32xf32, #tpu.memory_space<vmem>>, %arg12: memref<!tpu.dma_semaphore, #tpu.memory_space<semaphore_mem>>, %arg13: memref<!tpu.dma_semaphore, #tpu.memory_space<semaphore_mem>>, %arg14: memref<!tpu.dma_semaphore, #tpu.memory_space<semaphore_mem>>, %arg15: memref<!tpu.dma_semaphore, #tpu.memory_space<semaphore_mem>>, %arg16: memref<10240x32xf32, #tpu.memory_space<vmem_shared>>) attributes {dimension_semantics = [#tpu.dimension_semantics<core_parallel>, #tpu.dimension_semantics<subcore_parallel>], iteration_bounds = array<i64: 2, 16>, scalar_prefetch = 0 : i64, scratch_operands = 11 : i64, tpu.core_type = #tpu.core_type<sc_vector_subcore>, window_params = [{transform_indices = #map}, {transform_indices = #map1}, {transform_indices = #map}, {transform_indices = #map2}]} {
    %mul3A = arith.constant 2 : i32
    %mul3A_0 = arith.muli %arg1, %mul3A : i32
    %add3A = arith.addi %mul3A_0, %arg0 : i32
    %mul3A_1 = arith.constant 640 : i32
    %mul3A_2 = arith.muli %arg1, %mul3A_1 : i32
    "tpu.region"() ({
      %run_scoped3A_60 = tpu.sem_alloc : memref<!tpu.dma_semaphore, #tpu.memory_space<semaphore_mem>>
      %dma_start3A_61 = arith.constant 0 : i32
      %dma_start3A_62 = tpu.memref_slice %arg16[%mul3A_2, %dma_start3A_61] : memref<10240x32xf32, #tpu.memory_space<vmem_shared>> -> memref<640x32xf32, #tpu.memory_space<vmem_shared>>
      %dma_start3A_63 = arith.constant 0 : i32
      %dma_start3A_64 = tpu.memref_slice %arg4[%mul3A_2, %dma_start3A_63] : memref<10240x32xf32, #tpu.memory_space<hbm>> -> memref<640x32xf32, #tpu.memory_space<hbm>>
      tpu.enqueue_dma source(%dma_start3A_64 : memref<640x32xf32, #tpu.memory_space<hbm>>) target(%dma_start3A_62 : memref<640x32xf32, #tpu.memory_space<vmem_shared>>) target_semaphore(%run_scoped3A_60 : memref<!tpu.dma_semaphore, #tpu.memory_space<semaphore_mem>>)
      %dma_wait3A_65 = arith.constant 0 : i32
      %dma_wait3A_66 = tpu.memref_slice %arg16[%mul3A_2, %dma_wait3A_65] : memref<10240x32xf32, #tpu.memory_space<vmem_shared>> -> memref<640x32xf32, #tpu.memory_space<vmem_shared>>
      %dma_wait3A_67 = arith.constant 0 : i32
      %dma_wait3A_68 = tpu.memref_slice %arg4[%mul3A_2, %dma_wait3A_67] : memref<10240x32xf32, #tpu.memory_space<hbm>> -> memref<640x32xf32, #tpu.memory_space<hbm>>
      tpu.wait_dma2 semaphore(%run_scoped3A_60 : memref<!tpu.dma_semaphore, #tpu.memory_space<semaphore_mem>>) src(%dma_wait3A_68 : memref<640x32xf32, #tpu.memory_space<hbm>>) dst(%dma_wait3A_66 : memref<640x32xf32, #tpu.memory_space<vmem_shared>>)
      tpu.yield
    }) : () -> ()
    %run_scoped3A = arith.constant 0 : i32
    "tpu.region"() ({
      %run_scoped3A_60 = tpu.sem_alloc : memref<!tpu.dma_semaphore, #tpu.memory_space<semaphore_mem>>
      %dma_start3A_61 = arith.constant 0 : i32
      %dma_start3A_62 = arith.constant 0 : i32
      %dma_start3A_63 = tpu.memref_slice %arg3[%run_scoped3A, %add3A, %dma_start3A_61, %dma_start3A_62] : memref<2x32x79x128xi32, #tpu.memory_space<hbm>> -> memref<1x1x79x128xi32, #tpu.memory_space<hbm>>
      %dma_start3A_64 = tpu.memref_squeeze %dma_start3A_63 : memref<1x1x79x128xi32, #tpu.memory_space<hbm>> -> memref<79x128xi32, #tpu.memory_space<hbm>>
      %dma_start3A_65 = arith.constant 0 : i32
      %dma_start3A_66 = arith.constant 0 : i32
      %dma_start3A_67 = tpu.memref_slice %arg3[%run_scoped3A, %add3A, %dma_start3A_65, %dma_start3A_66] : memref<2x32x79x128xi32, #tpu.memory_space<hbm>> -> memref<1x1x79x128xi32, #tpu.memory_space<hbm>>
      %dma_start3A_68 = tpu.memref_squeeze %dma_start3A_67 : memref<1x1x79x128xi32, #tpu.memory_space<hbm>> -> memref<79x128xi32, #tpu.memory_space<hbm>>
      tpu.enqueue_dma source(%dma_start3A_68 : memref<79x128xi32, #tpu.memory_space<hbm>>) target(%arg6 : memref<79x128xi32, #tpu.memory_space<vmem>>) target_semaphore(%run_scoped3A_60 : memref<!tpu.dma_semaphore, #tpu.memory_space<semaphore_mem>>)
      %dma_wait3A_69 = arith.constant 0 : i32
      %dma_wait3A_70 = arith.constant 0 : i32
      %dma_wait3A_71 = tpu.memref_slice %arg3[%run_scoped3A, %add3A, %dma_wait3A_69, %dma_wait3A_70] : memref<2x32x79x128xi32, #tpu.memory_space<hbm>> -> memref<1x1x79x128xi32, #tpu.memory_space<hbm>>
      %dma_wait3A_72 = tpu.memref_squeeze %dma_wait3A_71 : memref<1x1x79x128xi32, #tpu.memory_space<hbm>> -> memref<79x128xi32, #tpu.memory_space<hbm>>
      %dma_wait3A_73 = arith.constant 0 : i32
      %dma_wait3A_74 = arith.constant 0 : i32
      %dma_wait3A_75 = tpu.memref_slice %arg3[%run_scoped3A, %add3A, %dma_wait3A_73, %dma_wait3A_74] : memref<2x32x79x128xi32, #tpu.memory_space<hbm>> -> memref<1x1x79x128xi32, #tpu.memory_space<hbm>>
      %dma_wait3A_76 = tpu.memref_squeeze %dma_wait3A_75 : memref<1x1x79x128xi32, #tpu.memory_space<hbm>> -> memref<79x128xi32, #tpu.memory_space<hbm>>
      tpu.wait_dma2 semaphore(%run_scoped3A_60 : memref<!tpu.dma_semaphore, #tpu.memory_space<semaphore_mem>>) src(%dma_wait3A_76 : memref<79x128xi32, #tpu.memory_space<hbm>>) dst(%arg6 : memref<79x128xi32, #tpu.memory_space<vmem>>)
      tpu.yield
    }) : () -> ()
    %run_scoped3A_3 = arith.constant 1 : i32
    "tpu.region"() ({
      %run_scoped3A_60 = tpu.sem_alloc : memref<!tpu.dma_semaphore, #tpu.memory_space<semaphore_mem>>
      %dma_start3A_61 = arith.constant 0 : i32
      %dma_start3A_62 = arith.constant 0 : i32
      %dma_start3A_63 = tpu.memref_slice %arg3[%run_scoped3A_3, %add3A, %dma_start3A_61, %dma_start3A_62] : memref<2x32x79x128xi32, #tpu.memory_space<hbm>> -> memref<1x1x79x128xi32, #tpu.memory_space<hbm>>
      %dma_start3A_64 = tpu.memref_squeeze %dma_start3A_63 : memref<1x1x79x128xi32, #tpu.memory_space<hbm>> -> memref<79x128xi32, #tpu.memory_space<hbm>>
      %dma_start3A_65 = arith.constant 0 : i32
      %dma_start3A_66 = arith.constant 0 : i32
      %dma_start3A_67 = tpu.memref_slice %arg3[%run_scoped3A_3, %add3A, %dma_start3A_65, %dma_start3A_66] : memref<2x32x79x128xi32, #tpu.memory_space<hbm>> -> memref<1x1x79x128xi32, #tpu.memory_space<hbm>>
      %dma_start3A_68 = tpu.memref_squeeze %dma_start3A_67 : memref<1x1x79x128xi32, #tpu.memory_space<hbm>> -> memref<79x128xi32, #tpu.memory_space<hbm>>
      tpu.enqueue_dma source(%dma_start3A_68 : memref<79x128xi32, #tpu.memory_space<hbm>>) target(%arg7 : memref<79x128xi32, #tpu.memory_space<vmem>>) target_semaphore(%run_scoped3A_60 : memref<!tpu.dma_semaphore, #tpu.memory_space<semaphore_mem>>)
      %dma_wait3A_69 = arith.constant 0 : i32
      %dma_wait3A_70 = arith.constant 0 : i32
      %dma_wait3A_71 = tpu.memref_slice %arg3[%run_scoped3A_3, %add3A, %dma_wait3A_69, %dma_wait3A_70] : memref<2x32x79x128xi32, #tpu.memory_space<hbm>> -> memref<1x1x79x128xi32, #tpu.memory_space<hbm>>
      %dma_wait3A_72 = tpu.memref_squeeze %dma_wait3A_71 : memref<1x1x79x128xi32, #tpu.memory_space<hbm>> -> memref<79x128xi32, #tpu.memory_space<hbm>>
      %dma_wait3A_73 = arith.constant 0 : i32
      %dma_wait3A_74 = arith.constant 0 : i32
      %dma_wait3A_75 = tpu.memref_slice %arg3[%run_scoped3A_3, %add3A, %dma_wait3A_73, %dma_wait3A_74] : memref<2x32x79x128xi32, #tpu.memory_space<hbm>> -> memref<1x1x79x128xi32, #tpu.memory_space<hbm>>
      %dma_wait3A_76 = tpu.memref_squeeze %dma_wait3A_75 : memref<1x1x79x128xi32, #tpu.memory_space<hbm>> -> memref<79x128xi32, #tpu.memory_space<hbm>>
      tpu.wait_dma2 semaphore(%run_scoped3A_60 : memref<!tpu.dma_semaphore, #tpu.memory_space<semaphore_mem>>) src(%dma_wait3A_76 : memref<79x128xi32, #tpu.memory_space<hbm>>) dst(%arg7 : memref<79x128xi32, #tpu.memory_space<vmem>>)
      tpu.yield
    }) : () -> ()
    %barrier3A = arith.constant 0 : index
    tpu.barrier barrier_id(%barrier3A)
    %dma_start3A = arith.constant 0 : i32
    %dma_start3A_4 = arith.constant 0 : i32
    %dma_start3A_5 = tpu.memref_slice %arg6[%dma_start3A, %dma_start3A_4] : memref<79x128xi32, #tpu.memory_space<vmem>> -> memref<1x128xi32, #tpu.memory_space<vmem>>
    %dma_start3A_6 = tpu.memref_squeeze %dma_start3A_5 : memref<1x128xi32, #tpu.memory_space<vmem>> -> memref<128xi32, #tpu.memory_space<vmem>>
    %dma_start3A_7 = arith.constant 0 : i32
    %dma_start3A_8 = arith.constant 0 : i32
    %dma_start3A_9 = tpu.memref_slice %arg2[%dma_start3A_7, %dma_start3A_8] : memref<10000x32xf32, #tpu.memory_space<hbm>> -> memref<10000x32xf32, #tpu.memory_space<hbm>>
    tpu.enqueue_indirect_dma source(%dma_start3A_9 : memref<10000x32xf32, #tpu.memory_space<hbm>>) target(%arg8 : memref<128x32xf32, #tpu.memory_space<vmem>>) offsets(%dma_start3A_6 : memref<128xi32, #tpu.memory_space<vmem>>) semaphore(%arg12 : memref<!tpu.dma_semaphore, #tpu.memory_space<semaphore_mem>>)
    %dma_start3A_10 = arith.constant 1 : i32
    %dma_start3A_11 = arith.constant 0 : i32
    %dma_start3A_12 = tpu.memref_slice %arg6[%dma_start3A_10, %dma_start3A_11] : memref<79x128xi32, #tpu.memory_space<vmem>> -> memref<1x128xi32, #tpu.memory_space<vmem>>
    %dma_start3A_13 = tpu.memref_squeeze %dma_start3A_12 : memref<1x128xi32, #tpu.memory_space<vmem>> -> memref<128xi32, #tpu.memory_space<vmem>>
    %dma_start3A_14 = arith.constant 0 : i32
    %dma_start3A_15 = arith.constant 0 : i32
    %dma_start3A_16 = tpu.memref_slice %arg2[%dma_start3A_14, %dma_start3A_15] : memref<10000x32xf32, #tpu.memory_space<hbm>> -> memref<10000x32xf32, #tpu.memory_space<hbm>>
    tpu.enqueue_indirect_dma source(%dma_start3A_16 : memref<10000x32xf32, #tpu.memory_space<hbm>>) target(%arg9 : memref<128x32xf32, #tpu.memory_space<vmem>>) offsets(%dma_start3A_13 : memref<128xi32, #tpu.memory_space<vmem>>) semaphore(%arg13 : memref<!tpu.dma_semaphore, #tpu.memory_space<semaphore_mem>>)
    %dma_start3A_17 = arith.constant 2 : i32
    %dma_start3A_18 = arith.constant 0 : i32
    %dma_start3A_19 = tpu.memref_slice %arg6[%dma_start3A_17, %dma_start3A_18] : memref<79x128xi32, #tpu.memory_space<vmem>> -> memref<1x128xi32, #tpu.memory_space<vmem>>
    %dma_start3A_20 = tpu.memref_squeeze %dma_start3A_19 : memref<1x128xi32, #tpu.memory_space<vmem>> -> memref<128xi32, #tpu.memory_space<vmem>>
    %dma_start3A_21 = arith.constant 0 : i32
    %dma_start3A_22 = arith.constant 0 : i32
    %dma_start3A_23 = tpu.memref_slice %arg2[%dma_start3A_21, %dma_start3A_22] : memref<10000x32xf32, #tpu.memory_space<hbm>> -> memref<10000x32xf32, #tpu.memory_space<hbm>>
    tpu.enqueue_indirect_dma source(%dma_start3A_23 : memref<10000x32xf32, #tpu.memory_space<hbm>>) target(%arg10 : memref<128x32xf32, #tpu.memory_space<vmem>>) offsets(%dma_start3A_20 : memref<128xi32, #tpu.memory_space<vmem>>) semaphore(%arg14 : memref<!tpu.dma_semaphore, #tpu.memory_space<semaphore_mem>>)
    %dma_start3A_24 = arith.constant 3 : i32
    %dma_start3A_25 = arith.constant 0 : i32
    %dma_start3A_26 = tpu.memref_slice %arg6[%dma_start3A_24, %dma_start3A_25] : memref<79x128xi32, #tpu.memory_space<vmem>> -> memref<1x128xi32, #tpu.memory_space<vmem>>
    %dma_start3A_27 = tpu.memref_squeeze %dma_start3A_26 : memref<1x128xi32, #tpu.memory_space<vmem>> -> memref<128xi32, #tpu.memory_space<vmem>>
    %dma_start3A_28 = arith.constant 0 : i32
    %dma_start3A_29 = arith.constant 0 : i32
    %dma_start3A_30 = tpu.memref_slice %arg2[%dma_start3A_28, %dma_start3A_29] : memref<10000x32xf32, #tpu.memory_space<hbm>> -> memref<10000x32xf32, #tpu.memory_space<hbm>>
    tpu.enqueue_indirect_dma source(%dma_start3A_30 : memref<10000x32xf32, #tpu.memory_space<hbm>>) target(%arg11 : memref<128x32xf32, #tpu.memory_space<vmem>>) offsets(%dma_start3A_27 : memref<128xi32, #tpu.memory_space<vmem>>) semaphore(%arg15 : memref<!tpu.dma_semaphore, #tpu.memory_space<semaphore_mem>>)
    %scan3A = arith.constant 0 : i32
    %scan3A_31 = arith.constant 0 : i32
    %scan3A_32 = arith.constant 19 : i32
    %scan3A_33 = arith.addi %scan3A_31, %scan3A_32 : i32
    %scan3A_34 = arith.constant 1 : i32
    scf.for %scan3A_60 = %scan3A_31 to %scan3A_33 step %scan3A_34  : i32 {
      %mul3A_61 = arith.constant 4 : i32
      %mul3A_62 = arith.muli %scan3A_60, %mul3A_61 : i32
      %add3A_63 = arith.constant 0 : i32
      %add3A_64 = arith.addi %mul3A_62, %add3A_63 : i32
      %dma_wait3A_65 = arith.constant 0 : i32
      %dma_wait3A_66 = tpu.memref_slice %arg6[%add3A_64, %dma_wait3A_65] : memref<79x128xi32, #tpu.memory_space<vmem>> -> memref<1x128xi32, #tpu.memory_space<vmem>>
      %dma_wait3A_67 = tpu.memref_squeeze %dma_wait3A_66 : memref<1x128xi32, #tpu.memory_space<vmem>> -> memref<128xi32, #tpu.memory_space<vmem>>
      %dma_wait3A_68 = arith.constant 0 : i32
      %dma_wait3A_69 = arith.constant 0 : i32
      %dma_wait3A_70 = tpu.memref_slice %arg2[%dma_wait3A_68, %dma_wait3A_69] : memref<10000x32xf32, #tpu.memory_space<hbm>> -> memref<10000x32xf32, #tpu.memory_space<hbm>>
      tpu.wait_indirect_dma semaphore(%arg12 : memref<!tpu.dma_semaphore, #tpu.memory_space<semaphore_mem>>) src(%dma_wait3A_70 : memref<10000x32xf32, #tpu.memory_space<hbm>>) dst(%arg8 : memref<128x32xf32, #tpu.memory_space<vmem>>)
      "tpu.region"() ({
        %run_scoped3A_126 = tpu.sem_alloc : memref<!tpu.dma_semaphore, #tpu.memory_space<semaphore_mem>>
        %dma_start3A_127 = arith.constant 0 : i32
        %dma_start3A_128 = tpu.memref_slice %arg7[%add3A_64, %dma_start3A_127] : memref<79x128xi32, #tpu.memory_space<vmem>> -> memref<1x128xi32, #tpu.memory_space<vmem>>
        %dma_start3A_129 = tpu.memref_squeeze %dma_start3A_128 : memref<1x128xi32, #tpu.memory_space<vmem>> -> memref<128xi32, #tpu.memory_space<vmem>>
        %dma_start3A_130 = arith.constant 0 : i32
        %dma_start3A_131 = arith.constant 0 : i32
        %dma_start3A_132 = tpu.memref_slice %arg16[%dma_start3A_130, %dma_start3A_131] : memref<10240x32xf32, #tpu.memory_space<vmem_shared>> -> memref<10240x32xf32, #tpu.memory_space<vmem_shared>>
        tpu.enqueue_indirect_dma source(%arg8 : memref<128x32xf32, #tpu.memory_space<vmem>>) target(%dma_start3A_132 : memref<10240x32xf32, #tpu.memory_space<vmem_shared>>) offsets(%dma_start3A_129 : memref<128xi32, #tpu.memory_space<vmem>>) semaphore(%run_scoped3A_126 : memref<!tpu.dma_semaphore, #tpu.memory_space<semaphore_mem>>) {add = true}
        %dma_wait3A_133 = arith.constant 0 : i32
        %dma_wait3A_134 = tpu.memref_slice %arg7[%add3A_64, %dma_wait3A_133] : memref<79x128xi32, #tpu.memory_space<vmem>> -> memref<1x128xi32, #tpu.memory_space<vmem>>
        %dma_wait3A_135 = tpu.memref_squeeze %dma_wait3A_134 : memref<1x128xi32, #tpu.memory_space<vmem>> -> memref<128xi32, #tpu.memory_space<vmem>>
        %dma_wait3A_136 = arith.constant 0 : i32
        %dma_wait3A_137 = arith.constant 0 : i32
        %dma_wait3A_138 = tpu.memref_slice %arg16[%dma_wait3A_136, %dma_wait3A_137] : memref<10240x32xf32, #tpu.memory_space<vmem_shared>> -> memref<10240x32xf32, #tpu.memory_space<vmem_shared>>
        tpu.wait_indirect_dma semaphore(%run_scoped3A_126 : memref<!tpu.dma_semaphore, #tpu.memory_space<semaphore_mem>>) src(%arg8 : memref<128x32xf32, #tpu.memory_space<vmem>>) dst(%dma_wait3A_138 : memref<10240x32xf32, #tpu.memory_space<vmem_shared>>)
        tpu.yield
      }) : () -> ()
      %add3A_71 = arith.constant 4 : i32
      %add3A_72 = arith.addi %add3A_64, %add3A_71 : i32
      %lt3A = arith.constant 79 : i32
      %lt3A_73 = arith.cmpi slt, %add3A_72, %lt3A : i32
      %convert_element_type3A = arith.extui %lt3A_73 : i1 to i32
      %cond3A = arith.constant 0 : i32
      %cond3A_74 = arith.cmpi ne, %convert_element_type3A, %cond3A : i32
      scf.if %cond3A_74 {
        %add3A_126 = arith.constant 4 : i32
        %add3A_127 = arith.addi %add3A_64, %add3A_126 : i32
        %dma_start3A_128 = arith.constant 0 : i32
        %dma_start3A_129 = tpu.memref_slice %arg6[%add3A_127, %dma_start3A_128] : memref<79x128xi32, #tpu.memory_space<vmem>> -> memref<1x128xi32, #tpu.memory_space<vmem>>
        %dma_start3A_130 = tpu.memref_squeeze %dma_start3A_129 : memref<1x128xi32, #tpu.memory_space<vmem>> -> memref<128xi32, #tpu.memory_space<vmem>>
        %dma_start3A_131 = arith.constant 0 : i32
        %dma_start3A_132 = arith.constant 0 : i32
        %dma_start3A_133 = tpu.memref_slice %arg2[%dma_start3A_131, %dma_start3A_132] : memref<10000x32xf32, #tpu.memory_space<hbm>> -> memref<10000x32xf32, #tpu.memory_space<hbm>>
        tpu.enqueue_indirect_dma source(%dma_start3A_133 : memref<10000x32xf32, #tpu.memory_space<hbm>>) target(%arg8 : memref<128x32xf32, #tpu.memory_space<vmem>>) offsets(%dma_start3A_130 : memref<128xi32, #tpu.memory_space<vmem>>) semaphore(%arg12 : memref<!tpu.dma_semaphore, #tpu.memory_space<semaphore_mem>>)
      } else {
      }
      %mul3A_75 = arith.constant 4 : i32
      %mul3A_76 = arith.muli %scan3A_60, %mul3A_75 : i32
      %add3A_77 = arith.constant 1 : i32
      %add3A_78 = arith.addi %mul3A_76, %add3A_77 : i32
      %dma_wait3A_79 = arith.constant 0 : i32
      %dma_wait3A_80 = tpu.memref_slice %arg6[%add3A_78, %dma_wait3A_79] : memref<79x128xi32, #tpu.memory_space<vmem>> -> memref<1x128xi32, #tpu.memory_space<vmem>>
      %dma_wait3A_81 = tpu.memref_squeeze %dma_wait3A_80 : memref<1x128xi32, #tpu.memory_space<vmem>> -> memref<128xi32, #tpu.memory_space<vmem>>
      %dma_wait3A_82 = arith.constant 0 : i32
      %dma_wait3A_83 = arith.constant 0 : i32
      %dma_wait3A_84 = tpu.memref_slice %arg2[%dma_wait3A_82, %dma_wait3A_83] : memref<10000x32xf32, #tpu.memory_space<hbm>> -> memref<10000x32xf32, #tpu.memory_space<hbm>>
      tpu.wait_indirect_dma semaphore(%arg13 : memref<!tpu.dma_semaphore, #tpu.memory_space<semaphore_mem>>) src(%dma_wait3A_84 : memref<10000x32xf32, #tpu.memory_space<hbm>>) dst(%arg9 : memref<128x32xf32, #tpu.memory_space<vmem>>)
      "tpu.region"() ({
        %run_scoped3A_126 = tpu.sem_alloc : memref<!tpu.dma_semaphore, #tpu.memory_space<semaphore_mem>>
        %dma_start3A_127 = arith.constant 0 : i32
        %dma_start3A_128 = tpu.memref_slice %arg7[%add3A_78, %dma_start3A_127] : memref<79x128xi32, #tpu.memory_space<vmem>> -> memref<1x128xi32, #tpu.memory_space<vmem>>
        %dma_start3A_129 = tpu.memref_squeeze %dma_start3A_128 : memref<1x128xi32, #tpu.memory_space<vmem>> -> memref<128xi32, #tpu.memory_space<vmem>>
        %dma_start3A_130 = arith.constant 0 : i32
        %dma_start3A_131 = arith.constant 0 : i32
        %dma_start3A_132 = tpu.memref_slice %arg16[%dma_start3A_130, %dma_start3A_131] : memref<10240x32xf32, #tpu.memory_space<vmem_shared>> -> memref<10240x32xf32, #tpu.memory_space<vmem_shared>>
        tpu.enqueue_indirect_dma source(%arg9 : memref<128x32xf32, #tpu.memory_space<vmem>>) target(%dma_start3A_132 : memref<10240x32xf32, #tpu.memory_space<vmem_shared>>) offsets(%dma_start3A_129 : memref<128xi32, #tpu.memory_space<vmem>>) semaphore(%run_scoped3A_126 : memref<!tpu.dma_semaphore, #tpu.memory_space<semaphore_mem>>) {add = true}
        %dma_wait3A_133 = arith.constant 0 : i32
        %dma_wait3A_134 = tpu.memref_slice %arg7[%add3A_78, %dma_wait3A_133] : memref<79x128xi32, #tpu.memory_space<vmem>> -> memref<1x128xi32, #tpu.memory_space<vmem>>
        %dma_wait3A_135 = tpu.memref_squeeze %dma_wait3A_134 : memref<1x128xi32, #tpu.memory_space<vmem>> -> memref<128xi32, #tpu.memory_space<vmem>>
        %dma_wait3A_136 = arith.constant 0 : i32
        %dma_wait3A_137 = arith.constant 0 : i32
        %dma_wait3A_138 = tpu.memref_slice %arg16[%dma_wait3A_136, %dma_wait3A_137] : memref<10240x32xf32, #tpu.memory_space<vmem_shared>> -> memref<10240x32xf32, #tpu.memory_space<vmem_shared>>
        tpu.wait_indirect_dma semaphore(%run_scoped3A_126 : memref<!tpu.dma_semaphore, #tpu.memory_space<semaphore_mem>>) src(%arg9 : memref<128x32xf32, #tpu.memory_space<vmem>>) dst(%dma_wait3A_138 : memref<10240x32xf32, #tpu.memory_space<vmem_shared>>)
        tpu.yield
      }) : () -> ()
      %add3A_85 = arith.constant 4 : i32
      %add3A_86 = arith.addi %add3A_78, %add3A_85 : i32
      %lt3A_87 = arith.constant 79 : i32
      %lt3A_88 = arith.cmpi slt, %add3A_86, %lt3A_87 : i32
      %convert_element_type3A_89 = arith.extui %lt3A_88 : i1 to i32
      %cond3A_90 = arith.constant 0 : i32
      %cond3A_91 = arith.cmpi ne, %convert_element_type3A_89, %cond3A_90 : i32
      scf.if %cond3A_91 {
        %add3A_126 = arith.constant 4 : i32
        %add3A_127 = arith.addi %add3A_78, %add3A_126 : i32
        %dma_start3A_128 = arith.constant 0 : i32
        %dma_start3A_129 = tpu.memref_slice %arg6[%add3A_127, %dma_start3A_128] : memref<79x128xi32, #tpu.memory_space<vmem>> -> memref<1x128xi32, #tpu.memory_space<vmem>>
        %dma_start3A_130 = tpu.memref_squeeze %dma_start3A_129 : memref<1x128xi32, #tpu.memory_space<vmem>> -> memref<128xi32, #tpu.memory_space<vmem>>
        %dma_start3A_131 = arith.constant 0 : i32
        %dma_start3A_132 = arith.constant 0 : i32
        %dma_start3A_133 = tpu.memref_slice %arg2[%dma_start3A_131, %dma_start3A_132] : memref<10000x32xf32, #tpu.memory_space<hbm>> -> memref<10000x32xf32, #tpu.memory_space<hbm>>
        tpu.enqueue_indirect_dma source(%dma_start3A_133 : memref<10000x32xf32, #tpu.memory_space<hbm>>) target(%arg9 : memref<128x32xf32, #tpu.memory_space<vmem>>) offsets(%dma_start3A_130 : memref<128xi32, #tpu.memory_space<vmem>>) semaphore(%arg13 : memref<!tpu.dma_semaphore, #tpu.memory_space<semaphore_mem>>)
      } else {
      }
      %mul3A_92 = arith.constant 4 : i32
      %mul3A_93 = arith.muli %scan3A_60, %mul3A_92 : i32
      %add3A_94 = arith.constant 2 : i32
      %add3A_95 = arith.addi %mul3A_93, %add3A_94 : i32
      %dma_wait3A_96 = arith.constant 0 : i32
      %dma_wait3A_97 = tpu.memref_slice %arg6[%add3A_95, %dma_wait3A_96] : memref<79x128xi32, #tpu.memory_space<vmem>> -> memref<1x128xi32, #tpu.memory_space<vmem>>
      %dma_wait3A_98 = tpu.memref_squeeze %dma_wait3A_97 : memref<1x128xi32, #tpu.memory_space<vmem>> -> memref<128xi32, #tpu.memory_space<vmem>>
      %dma_wait3A_99 = arith.constant 0 : i32
      %dma_wait3A_100 = arith.constant 0 : i32
      %dma_wait3A_101 = tpu.memref_slice %arg2[%dma_wait3A_99, %dma_wait3A_100] : memref<10000x32xf32, #tpu.memory_space<hbm>> -> memref<10000x32xf32, #tpu.memory_space<hbm>>
      tpu.wait_indirect_dma semaphore(%arg14 : memref<!tpu.dma_semaphore, #tpu.memory_space<semaphore_mem>>) src(%dma_wait3A_101 : memref<10000x32xf32, #tpu.memory_space<hbm>>) dst(%arg10 : memref<128x32xf32, #tpu.memory_space<vmem>>)
      "tpu.region"() ({
        %run_scoped3A_126 = tpu.sem_alloc : memref<!tpu.dma_semaphore, #tpu.memory_space<semaphore_mem>>
        %dma_start3A_127 = arith.constant 0 : i32
        %dma_start3A_128 = tpu.memref_slice %arg7[%add3A_95, %dma_start3A_127] : memref<79x128xi32, #tpu.memory_space<vmem>> -> memref<1x128xi32, #tpu.memory_space<vmem>>
        %dma_start3A_129 = tpu.memref_squeeze %dma_start3A_128 : memref<1x128xi32, #tpu.memory_space<vmem>> -> memref<128xi32, #tpu.memory_space<vmem>>
        %dma_start3A_130 = arith.constant 0 : i32
        %dma_start3A_131 = arith.constant 0 : i32
        %dma_start3A_132 = tpu.memref_slice %arg16[%dma_start3A_130, %dma_start3A_131] : memref<10240x32xf32, #tpu.memory_space<vmem_shared>> -> memref<10240x32xf32, #tpu.memory_space<vmem_shared>>
        tpu.enqueue_indirect_dma source(%arg10 : memref<128x32xf32, #tpu.memory_space<vmem>>) target(%dma_start3A_132 : memref<10240x32xf32, #tpu.memory_space<vmem_shared>>) offsets(%dma_start3A_129 : memref<128xi32, #tpu.memory_space<vmem>>) semaphore(%run_scoped3A_126 : memref<!tpu.dma_semaphore, #tpu.memory_space<semaphore_mem>>) {add = true}
        %dma_wait3A_133 = arith.constant 0 : i32
        %dma_wait3A_134 = tpu.memref_slice %arg7[%add3A_95, %dma_wait3A_133] : memref<79x128xi32, #tpu.memory_space<vmem>> -> memref<1x128xi32, #tpu.memory_space<vmem>>
        %dma_wait3A_135 = tpu.memref_squeeze %dma_wait3A_134 : memref<1x128xi32, #tpu.memory_space<vmem>> -> memref<128xi32, #tpu.memory_space<vmem>>
        %dma_wait3A_136 = arith.constant 0 : i32
        %dma_wait3A_137 = arith.constant 0 : i32
        %dma_wait3A_138 = tpu.memref_slice %arg16[%dma_wait3A_136, %dma_wait3A_137] : memref<10240x32xf32, #tpu.memory_space<vmem_shared>> -> memref<10240x32xf32, #tpu.memory_space<vmem_shared>>
        tpu.wait_indirect_dma semaphore(%run_scoped3A_126 : memref<!tpu.dma_semaphore, #tpu.memory_space<semaphore_mem>>) src(%arg10 : memref<128x32xf32, #tpu.memory_space<vmem>>) dst(%dma_wait3A_138 : memref<10240x32xf32, #tpu.memory_space<vmem_shared>>)
        tpu.yield
      }) : () -> ()
      %add3A_102 = arith.constant 4 : i32
      %add3A_103 = arith.addi %add3A_95, %add3A_102 : i32
      %lt3A_104 = arith.constant 79 : i32
      %lt3A_105 = arith.cmpi slt, %add3A_103, %lt3A_104 : i32
      %convert_element_type3A_106 = arith.extui %lt3A_105 : i1 to i32
      %cond3A_107 = arith.constant 0 : i32
      %cond3A_108 = arith.cmpi ne, %convert_element_type3A_106, %cond3A_107 : i32
      scf.if %cond3A_108 {
        %add3A_126 = arith.constant 4 : i32
        %add3A_127 = arith.addi %add3A_95, %add3A_126 : i32
        %dma_start3A_128 = arith.constant 0 : i32
        %dma_start3A_129 = tpu.memref_slice %arg6[%add3A_127, %dma_start3A_128] : memref<79x128xi32, #tpu.memory_space<vmem>> -> memref<1x128xi32, #tpu.memory_space<vmem>>
        %dma_start3A_130 = tpu.memref_squeeze %dma_start3A_129 : memref<1x128xi32, #tpu.memory_space<vmem>> -> memref<128xi32, #tpu.memory_space<vmem>>
        %dma_start3A_131 = arith.constant 0 : i32
        %dma_start3A_132 = arith.constant 0 : i32
        %dma_start3A_133 = tpu.memref_slice %arg2[%dma_start3A_131, %dma_start3A_132] : memref<10000x32xf32, #tpu.memory_space<hbm>> -> memref<10000x32xf32, #tpu.memory_space<hbm>>
        tpu.enqueue_indirect_dma source(%dma_start3A_133 : memref<10000x32xf32, #tpu.memory_space<hbm>>) target(%arg10 : memref<128x32xf32, #tpu.memory_space<vmem>>) offsets(%dma_start3A_130 : memref<128xi32, #tpu.memory_space<vmem>>) semaphore(%arg14 : memref<!tpu.dma_semaphore, #tpu.memory_space<semaphore_mem>>)
      } else {
      }
      %mul3A_109 = arith.constant 4 : i32
      %mul3A_110 = arith.muli %scan3A_60, %mul3A_109 : i32
      %add3A_111 = arith.constant 3 : i32
      %add3A_112 = arith.addi %mul3A_110, %add3A_111 : i32
      %dma_wait3A_113 = arith.constant 0 : i32
      %dma_wait3A_114 = tpu.memref_slice %arg6[%add3A_112, %dma_wait3A_113] : memref<79x128xi32, #tpu.memory_space<vmem>> -> memref<1x128xi32, #tpu.memory_space<vmem>>
      %dma_wait3A_115 = tpu.memref_squeeze %dma_wait3A_114 : memref<1x128xi32, #tpu.memory_space<vmem>> -> memref<128xi32, #tpu.memory_space<vmem>>
      %dma_wait3A_116 = arith.constant 0 : i32
      %dma_wait3A_117 = arith.constant 0 : i32
      %dma_wait3A_118 = tpu.memref_slice %arg2[%dma_wait3A_116, %dma_wait3A_117] : memref<10000x32xf32, #tpu.memory_space<hbm>> -> memref<10000x32xf32, #tpu.memory_space<hbm>>
      tpu.wait_indirect_dma semaphore(%arg15 : memref<!tpu.dma_semaphore, #tpu.memory_space<semaphore_mem>>) src(%dma_wait3A_118 : memref<10000x32xf32, #tpu.memory_space<hbm>>) dst(%arg11 : memref<128x32xf32, #tpu.memory_space<vmem>>)
      "tpu.region"() ({
        %run_scoped3A_126 = tpu.sem_alloc : memref<!tpu.dma_semaphore, #tpu.memory_space<semaphore_mem>>
        %dma_start3A_127 = arith.constant 0 : i32
        %dma_start3A_128 = tpu.memref_slice %arg7[%add3A_112, %dma_start3A_127] : memref<79x128xi32, #tpu.memory_space<vmem>> -> memref<1x128xi32, #tpu.memory_space<vmem>>
        %dma_start3A_129 = tpu.memref_squeeze %dma_start3A_128 : memref<1x128xi32, #tpu.memory_space<vmem>> -> memref<128xi32, #tpu.memory_space<vmem>>
        %dma_start3A_130 = arith.constant 0 : i32
        %dma_start3A_131 = arith.constant 0 : i32
        %dma_start3A_132 = tpu.memref_slice %arg16[%dma_start3A_130, %dma_start3A_131] : memref<10240x32xf32, #tpu.memory_space<vmem_shared>> -> memref<10240x32xf32, #tpu.memory_space<vmem_shared>>
        tpu.enqueue_indirect_dma source(%arg11 : memref<128x32xf32, #tpu.memory_space<vmem>>) target(%dma_start3A_132 : memref<10240x32xf32, #tpu.memory_space<vmem_shared>>) offsets(%dma_start3A_129 : memref<128xi32, #tpu.memory_space<vmem>>) semaphore(%run_scoped3A_126 : memref<!tpu.dma_semaphore, #tpu.memory_space<semaphore_mem>>) {add = true}
        %dma_wait3A_133 = arith.constant 0 : i32
        %dma_wait3A_134 = tpu.memref_slice %arg7[%add3A_112, %dma_wait3A_133] : memref<79x128xi32, #tpu.memory_space<vmem>> -> memref<1x128xi32, #tpu.memory_space<vmem>>
        %dma_wait3A_135 = tpu.memref_squeeze %dma_wait3A_134 : memref<1x128xi32, #tpu.memory_space<vmem>> -> memref<128xi32, #tpu.memory_space<vmem>>
        %dma_wait3A_136 = arith.constant 0 : i32
        %dma_wait3A_137 = arith.constant 0 : i32
        %dma_wait3A_138 = tpu.memref_slice %arg16[%dma_wait3A_136, %dma_wait3A_137] : memref<10240x32xf32, #tpu.memory_space<vmem_shared>> -> memref<10240x32xf32, #tpu.memory_space<vmem_shared>>
        tpu.wait_indirect_dma semaphore(%run_scoped3A_126 : memref<!tpu.dma_semaphore, #tpu.memory_space<semaphore_mem>>) src(%arg11 : memref<128x32xf32, #tpu.memory_space<vmem>>) dst(%dma_wait3A_138 : memref<10240x32xf32, #tpu.memory_space<vmem_shared>>)
        tpu.yield
      }) : () -> ()
      %add3A_119 = arith.constant 4 : i32
      %add3A_120 = arith.addi %add3A_112, %add3A_119 : i32
      %lt3A_121 = arith.constant 79 : i32
      %lt3A_122 = arith.cmpi slt, %add3A_120, %lt3A_121 : i32
      %convert_element_type3A_123 = arith.extui %lt3A_122 : i1 to i32
      %cond3A_124 = arith.constant 0 : i32
      %cond3A_125 = arith.cmpi ne, %convert_element_type3A_123, %cond3A_124 : i32
      scf.if %cond3A_125 {
        %add3A_126 = arith.constant 4 : i32
        %add3A_127 = arith.addi %add3A_112, %add3A_126 : i32
        %dma_start3A_128 = arith.constant 0 : i32
        %dma_start3A_129 = tpu.memref_slice %arg6[%add3A_127, %dma_start3A_128] : memref<79x128xi32, #tpu.memory_space<vmem>> -> memref<1x128xi32, #tpu.memory_space<vmem>>
        %dma_start3A_130 = tpu.memref_squeeze %dma_start3A_129 : memref<1x128xi32, #tpu.memory_space<vmem>> -> memref<128xi32, #tpu.memory_space<vmem>>
        %dma_start3A_131 = arith.constant 0 : i32
        %dma_start3A_132 = arith.constant 0 : i32
        %dma_start3A_133 = tpu.memref_slice %arg2[%dma_start3A_131, %dma_start3A_132] : memref<10000x32xf32, #tpu.memory_space<hbm>> -> memref<10000x32xf32, #tpu.memory_space<hbm>>
        tpu.enqueue_indirect_dma source(%dma_start3A_133 : memref<10000x32xf32, #tpu.memory_space<hbm>>) target(%arg11 : memref<128x32xf32, #tpu.memory_space<vmem>>) offsets(%dma_start3A_130 : memref<128xi32, #tpu.memory_space<vmem>>) semaphore(%arg15 : memref<!tpu.dma_semaphore, #tpu.memory_space<semaphore_mem>>)
      } else {
      }
    }
    %scan3A_35 = arith.constant 19 : i32
    %dma_wait3A = arith.constant 76 : i32
    %dma_wait3A_36 = arith.constant 0 : i32
    %dma_wait3A_37 = tpu.memref_slice %arg6[%dma_wait3A, %dma_wait3A_36] : memref<79x128xi32, #tpu.memory_space<vmem>> -> memref<1x128xi32, #tpu.memory_space<vmem>>
    %dma_wait3A_38 = tpu.memref_squeeze %dma_wait3A_37 : memref<1x128xi32, #tpu.memory_space<vmem>> -> memref<128xi32, #tpu.memory_space<vmem>>
    %dma_wait3A_39 = arith.constant 0 : i32
    %dma_wait3A_40 = arith.constant 0 : i32
    %dma_wait3A_41 = tpu.memref_slice %arg2[%dma_wait3A_39, %dma_wait3A_40] : memref<10000x32xf32, #tpu.memory_space<hbm>> -> memref<10000x32xf32, #tpu.memory_space<hbm>>
    tpu.wait_indirect_dma semaphore(%arg12 : memref<!tpu.dma_semaphore, #tpu.memory_space<semaphore_mem>>) src(%dma_wait3A_41 : memref<10000x32xf32, #tpu.memory_space<hbm>>) dst(%arg8 : memref<128x32xf32, #tpu.memory_space<vmem>>)
    %run_scoped3A_42 = arith.constant 76 : i32
    "tpu.region"() ({
      %run_scoped3A_60 = tpu.sem_alloc : memref<!tpu.dma_semaphore, #tpu.memory_space<semaphore_mem>>
      %dma_start3A_61 = arith.constant 0 : i32
      %dma_start3A_62 = tpu.memref_slice %arg7[%run_scoped3A_42, %dma_start3A_61] : memref<79x128xi32, #tpu.memory_space<vmem>> -> memref<1x128xi32, #tpu.memory_space<vmem>>
      %dma_start3A_63 = tpu.memref_squeeze %dma_start3A_62 : memref<1x128xi32, #tpu.memory_space<vmem>> -> memref<128xi32, #tpu.memory_space<vmem>>
      %dma_start3A_64 = arith.constant 0 : i32
      %dma_start3A_65 = arith.constant 0 : i32
      %dma_start3A_66 = tpu.memref_slice %arg16[%dma_start3A_64, %dma_start3A_65] : memref<10240x32xf32, #tpu.memory_space<vmem_shared>> -> memref<10240x32xf32, #tpu.memory_space<vmem_shared>>
      tpu.enqueue_indirect_dma source(%arg8 : memref<128x32xf32, #tpu.memory_space<vmem>>) target(%dma_start3A_66 : memref<10240x32xf32, #tpu.memory_space<vmem_shared>>) offsets(%dma_start3A_63 : memref<128xi32, #tpu.memory_space<vmem>>) semaphore(%run_scoped3A_60 : memref<!tpu.dma_semaphore, #tpu.memory_space<semaphore_mem>>) {add = true}
      %dma_wait3A_67 = arith.constant 0 : i32
      %dma_wait3A_68 = tpu.memref_slice %arg7[%run_scoped3A_42, %dma_wait3A_67] : memref<79x128xi32, #tpu.memory_space<vmem>> -> memref<1x128xi32, #tpu.memory_space<vmem>>
      %dma_wait3A_69 = tpu.memref_squeeze %dma_wait3A_68 : memref<1x128xi32, #tpu.memory_space<vmem>> -> memref<128xi32, #tpu.memory_space<vmem>>
      %dma_wait3A_70 = arith.constant 0 : i32
      %dma_wait3A_71 = arith.constant 0 : i32
      %dma_wait3A_72 = tpu.memref_slice %arg16[%dma_wait3A_70, %dma_wait3A_71] : memref<10240x32xf32, #tpu.memory_space<vmem_shared>> -> memref<10240x32xf32, #tpu.memory_space<vmem_shared>>
      tpu.wait_indirect_dma semaphore(%run_scoped3A_60 : memref<!tpu.dma_semaphore, #tpu.memory_space<semaphore_mem>>) src(%arg8 : memref<128x32xf32, #tpu.memory_space<vmem>>) dst(%dma_wait3A_72 : memref<10240x32xf32, #tpu.memory_space<vmem_shared>>)
      tpu.yield
    }) : () -> ()
    %dma_wait3A_43 = arith.constant 77 : i32
    %dma_wait3A_44 = arith.constant 0 : i32
    %dma_wait3A_45 = tpu.memref_slice %arg6[%dma_wait3A_43, %dma_wait3A_44] : memref<79x128xi32, #tpu.memory_space<vmem>> -> memref<1x128xi32, #tpu.memory_space<vmem>>
    %dma_wait3A_46 = tpu.memref_squeeze %dma_wait3A_45 : memref<1x128xi32, #tpu.memory_space<vmem>> -> memref<128xi32, #tpu.memory_space<vmem>>
    %dma_wait3A_47 = arith.constant 0 : i32
    %dma_wait3A_48 = arith.constant 0 : i32
    %dma_wait3A_49 = tpu.memref_slice %arg2[%dma_wait3A_47, %dma_wait3A_48] : memref<10000x32xf32, #tpu.memory_space<hbm>> -> memref<10000x32xf32, #tpu.memory_space<hbm>>
    tpu.wait_indirect_dma semaphore(%arg13 : memref<!tpu.dma_semaphore, #tpu.memory_space<semaphore_mem>>) src(%dma_wait3A_49 : memref<10000x32xf32, #tpu.memory_space<hbm>>) dst(%arg9 : memref<128x32xf32, #tpu.memory_space<vmem>>)
    %run_scoped3A_50 = arith.constant 77 : i32
    "tpu.region"() ({
      %run_scoped3A_60 = tpu.sem_alloc : memref<!tpu.dma_semaphore, #tpu.memory_space<semaphore_mem>>
      %dma_start3A_61 = arith.constant 0 : i32
      %dma_start3A_62 = tpu.memref_slice %arg7[%run_scoped3A_50, %dma_start3A_61] : memref<79x128xi32, #tpu.memory_space<vmem>> -> memref<1x128xi32, #tpu.memory_space<vmem>>
      %dma_start3A_63 = tpu.memref_squeeze %dma_start3A_62 : memref<1x128xi32, #tpu.memory_space<vmem>> -> memref<128xi32, #tpu.memory_space<vmem>>
      %dma_start3A_64 = arith.constant 0 : i32
      %dma_start3A_65 = arith.constant 0 : i32
      %dma_start3A_66 = tpu.memref_slice %arg16[%dma_start3A_64, %dma_start3A_65] : memref<10240x32xf32, #tpu.memory_space<vmem_shared>> -> memref<10240x32xf32, #tpu.memory_space<vmem_shared>>
      tpu.enqueue_indirect_dma source(%arg9 : memref<128x32xf32, #tpu.memory_space<vmem>>) target(%dma_start3A_66 : memref<10240x32xf32, #tpu.memory_space<vmem_shared>>) offsets(%dma_start3A_63 : memref<128xi32, #tpu.memory_space<vmem>>) semaphore(%run_scoped3A_60 : memref<!tpu.dma_semaphore, #tpu.memory_space<semaphore_mem>>) {add = true}
      %dma_wait3A_67 = arith.constant 0 : i32
      %dma_wait3A_68 = tpu.memref_slice %arg7[%run_scoped3A_50, %dma_wait3A_67] : memref<79x128xi32, #tpu.memory_space<vmem>> -> memref<1x128xi32, #tpu.memory_space<vmem>>
      %dma_wait3A_69 = tpu.memref_squeeze %dma_wait3A_68 : memref<1x128xi32, #tpu.memory_space<vmem>> -> memref<128xi32, #tpu.memory_space<vmem>>
      %dma_wait3A_70 = arith.constant 0 : i32
      %dma_wait3A_71 = arith.constant 0 : i32
      %dma_wait3A_72 = tpu.memref_slice %arg16[%dma_wait3A_70, %dma_wait3A_71] : memref<10240x32xf32, #tpu.memory_space<vmem_shared>> -> memref<10240x32xf32, #tpu.memory_space<vmem_shared>>
      tpu.wait_indirect_dma semaphore(%run_scoped3A_60 : memref<!tpu.dma_semaphore, #tpu.memory_space<semaphore_mem>>) src(%arg9 : memref<128x32xf32, #tpu.memory_space<vmem>>) dst(%dma_wait3A_72 : memref<10240x32xf32, #tpu.memory_space<vmem_shared>>)
      tpu.yield
    }) : () -> ()
    %dma_wait3A_51 = arith.constant 78 : i32
    %dma_wait3A_52 = arith.constant 0 : i32
    %dma_wait3A_53 = tpu.memref_slice %arg6[%dma_wait3A_51, %dma_wait3A_52] : memref<79x128xi32, #tpu.memory_space<vmem>> -> memref<1x128xi32, #tpu.memory_space<vmem>>
    %dma_wait3A_54 = tpu.memref_squeeze %dma_wait3A_53 : memref<1x128xi32, #tpu.memory_space<vmem>> -> memref<128xi32, #tpu.memory_space<vmem>>
    %dma_wait3A_55 = arith.constant 0 : i32
    %dma_wait3A_56 = arith.constant 0 : i32
    %dma_wait3A_57 = tpu.memref_slice %arg2[%dma_wait3A_55, %dma_wait3A_56] : memref<10000x32xf32, #tpu.memory_space<hbm>> -> memref<10000x32xf32, #tpu.memory_space<hbm>>
    tpu.wait_indirect_dma semaphore(%arg14 : memref<!tpu.dma_semaphore, #tpu.memory_space<semaphore_mem>>) src(%dma_wait3A_57 : memref<10000x32xf32, #tpu.memory_space<hbm>>) dst(%arg10 : memref<128x32xf32, #tpu.memory_space<vmem>>)
    %run_scoped3A_58 = arith.constant 78 : i32
    "tpu.region"() ({
      %run_scoped3A_60 = tpu.sem_alloc : memref<!tpu.dma_semaphore, #tpu.memory_space<semaphore_mem>>
      %dma_start3A_61 = arith.constant 0 : i32
      %dma_start3A_62 = tpu.memref_slice %arg7[%run_scoped3A_58, %dma_start3A_61] : memref<79x128xi32, #tpu.memory_space<vmem>> -> memref<1x128xi32, #tpu.memory_space<vmem>>
      %dma_start3A_63 = tpu.memref_squeeze %dma_start3A_62 : memref<1x128xi32, #tpu.memory_space<vmem>> -> memref<128xi32, #tpu.memory_space<vmem>>
      %dma_start3A_64 = arith.constant 0 : i32
      %dma_start3A_65 = arith.constant 0 : i32
      %dma_start3A_66 = tpu.memref_slice %arg16[%dma_start3A_64, %dma_start3A_65] : memref<10240x32xf32, #tpu.memory_space<vmem_shared>> -> memref<10240x32xf32, #tpu.memory_space<vmem_shared>>
      tpu.enqueue_indirect_dma source(%arg10 : memref<128x32xf32, #tpu.memory_space<vmem>>) target(%dma_start3A_66 : memref<10240x32xf32, #tpu.memory_space<vmem_shared>>) offsets(%dma_start3A_63 : memref<128xi32, #tpu.memory_space<vmem>>) semaphore(%run_scoped3A_60 : memref<!tpu.dma_semaphore, #tpu.memory_space<semaphore_mem>>) {add = true}
      %dma_wait3A_67 = arith.constant 0 : i32
      %dma_wait3A_68 = tpu.memref_slice %arg7[%run_scoped3A_58, %dma_wait3A_67] : memref<79x128xi32, #tpu.memory_space<vmem>> -> memref<1x128xi32, #tpu.memory_space<vmem>>
      %dma_wait3A_69 = tpu.memref_squeeze %dma_wait3A_68 : memref<1x128xi32, #tpu.memory_space<vmem>> -> memref<128xi32, #tpu.memory_space<vmem>>
      %dma_wait3A_70 = arith.constant 0 : i32
      %dma_wait3A_71 = arith.constant 0 : i32
      %dma_wait3A_72 = tpu.memref_slice %arg16[%dma_wait3A_70, %dma_wait3A_71] : memref<10240x32xf32, #tpu.memory_space<vmem_shared>> -> memref<10240x32xf32, #tpu.memory_space<vmem_shared>>
      tpu.wait_indirect_dma semaphore(%run_scoped3A_60 : memref<!tpu.dma_semaphore, #tpu.memory_space<semaphore_mem>>) src(%arg10 : memref<128x32xf32, #tpu.memory_space<vmem>>) dst(%dma_wait3A_72 : memref<10240x32xf32, #tpu.memory_space<vmem_shared>>)
      tpu.yield
    }) : () -> ()
    %barrier3A_59 = arith.constant 0 : index
    tpu.barrier barrier_id(%barrier3A_59)
    "tpu.region"() ({
      %run_scoped3A_60 = tpu.sem_alloc : memref<!tpu.dma_semaphore, #tpu.memory_space<semaphore_mem>>
      %dma_start3A_61 = arith.constant 0 : i32
      %dma_start3A_62 = tpu.memref_slice %arg5[%arg0, %mul3A_2, %dma_start3A_61] : memref<2x10240x32xf32, #tpu.memory_space<hbm>> -> memref<1x640x32xf32, #tpu.memory_space<hbm>>
      %dma_start3A_63 = tpu.memref_squeeze %dma_start3A_62 : memref<1x640x32xf32, #tpu.memory_space<hbm>> -> memref<640x32xf32, #tpu.memory_space<hbm>>
      %dma_start3A_64 = arith.constant 0 : i32
      %dma_start3A_65 = tpu.memref_slice %arg16[%mul3A_2, %dma_start3A_64] : memref<10240x32xf32, #tpu.memory_space<vmem_shared>> -> memref<640x32xf32, #tpu.memory_space<vmem_shared>>
      tpu.enqueue_dma source(%dma_start3A_65 : memref<640x32xf32, #tpu.memory_space<vmem_shared>>) target(%dma_start3A_63 : memref<640x32xf32, #tpu.memory_space<hbm>>) target_semaphore(%run_scoped3A_60 : memref<!tpu.dma_semaphore, #tpu.memory_space<semaphore_mem>>)
      %dma_wait3A_66 = arith.constant 0 : i32
      %dma_wait3A_67 = tpu.memref_slice %arg5[%arg0, %mul3A_2, %dma_wait3A_66] : memref<2x10240x32xf32, #tpu.memory_space<hbm>> -> memref<1x640x32xf32, #tpu.memory_space<hbm>>
      %dma_wait3A_68 = tpu.memref_squeeze %dma_wait3A_67 : memref<1x640x32xf32, #tpu.memory_space<hbm>> -> memref<640x32xf32, #tpu.memory_space<hbm>>
      %dma_wait3A_69 = arith.constant 0 : i32
      %dma_wait3A_70 = tpu.memref_slice %arg16[%mul3A_2, %dma_wait3A_69] : memref<10240x32xf32, #tpu.memory_space<vmem_shared>> -> memref<640x32xf32, #tpu.memory_space<vmem_shared>>
      tpu.wait_dma2 semaphore(%run_scoped3A_60 : memref<!tpu.dma_semaphore, #tpu.memory_space<semaphore_mem>>) src(%dma_wait3A_70 : memref<640x32xf32, #tpu.memory_space<vmem_shared>>) dst(%dma_wait3A_68 : memref<640x32xf32, #tpu.memory_space<hbm>>)
      tpu.yield
    }) : () -> ()
    return
  }
}

#map = affine_map<(d0, d1) -> (0, 0)>
#map1 = affine_map<(d0, d1) -> (0, 0, 0, 0)>
#map2 = affine_map<(d0, d1) -> (0)>
#map3 = affine_map<(d0, d1) -> (0, 0, 0)>
module attributes {stable_mosaic.version = 14 : i64} {
  func.func @layer2_pass(%arg0: i32, %arg1: i32, %arg2: memref<2x327680xf32, #tpu.memory_space<hbm>>, %arg3: memref<2x32x79x128xi32, #tpu.memory_space<hbm>>, %arg4: memref<1024xf32, #tpu.memory_space<hbm>>, %arg5: memref<2x10240xf32, #tpu.memory_space<hbm>>, %arg6: memref<2x2x10240xf32, #tpu.memory_space<hbm>>, %arg7: memref<79x128xi32, #tpu.memory_space<vmem>>, %arg8: memref<79x128xi32, #tpu.memory_space<vmem>>, %arg9: memref<20480xf32, #tpu.memory_space<vmem>>, %arg10: memref<20480xf32, #tpu.memory_space<vmem>>, %arg11: memref<1024xf32, #tpu.memory_space<vmem>>, %arg12: memref<640xf32, #tpu.memory_space<vmem>>, %arg13: memref<640xf32, #tpu.memory_space<vmem>>, %arg14: memref<128xf32, #tpu.memory_space<vmem>>, %arg15: memref<128xf32, #tpu.memory_space<vmem>>, %arg16: memref<128xf32, #tpu.memory_space<vmem>>, %arg17: memref<128xf32, #tpu.memory_space<vmem>>, %arg18: memref<128xf32, #tpu.memory_space<vmem>>, %arg19: memref<128xf32, #tpu.memory_space<vmem>>, %arg20: memref<128xf32, #tpu.memory_space<vmem>>, %arg21: memref<128xf32, #tpu.memory_space<vmem>>, %arg22: memref<!tpu.dma_semaphore, #tpu.memory_space<semaphore_mem>>, %arg23: memref<!tpu.dma_semaphore, #tpu.memory_space<semaphore_mem>>, %arg24: memref<!tpu.dma_semaphore, #tpu.memory_space<semaphore_mem>>, %arg25: memref<!tpu.dma_semaphore, #tpu.memory_space<semaphore_mem>>, %arg26: memref<!tpu.dma_semaphore, #tpu.memory_space<semaphore_mem>>, %arg27: memref<!tpu.dma_semaphore, #tpu.memory_space<semaphore_mem>>, %arg28: memref<!tpu.dma_semaphore, #tpu.memory_space<semaphore_mem>>, %arg29: memref<!tpu.dma_semaphore, #tpu.memory_space<semaphore_mem>>, %arg30: memref<10240xf32, #tpu.memory_space<vmem_shared>>, %arg31: memref<10240xf32, #tpu.memory_space<vmem_shared>>, %arg32: memref<10240xf32, #tpu.memory_space<vmem_shared>>, %arg33: memref<10240xf32, #tpu.memory_space<vmem_shared>>) attributes {dimension_semantics = [#tpu.dimension_semantics<core_parallel>, #tpu.dimension_semantics<subcore_parallel>], iteration_bounds = array<i64: 2, 16>, scalar_prefetch = 0 : i64, scratch_operands = 27 : i64, tpu.core_type = #tpu.core_type<sc_vector_subcore>, window_params = [{transform_indices = #map}, {transform_indices = #map1}, {transform_indices = #map2}, {transform_indices = #map}, {transform_indices = #map3}]} {
    %mul3A = arith.constant 2 : i32
    %mul3A_0 = arith.muli %arg1, %mul3A : i32
    %add3A = arith.addi %mul3A_0, %arg0 : i32
    %mul3A_1 = arith.constant 640 : i32
    %mul3A_2 = arith.muli %arg1, %mul3A_1 : i32
    %run_scoped3A = arith.constant 0 : i32
    "tpu.region"() ({
      %run_scoped3A_322 = tpu.sem_alloc : memref<!tpu.dma_semaphore, #tpu.memory_space<semaphore_mem>>
      %dma_start3A_323 = tpu.memref_slice %arg32[%mul3A_2] : memref<10240xf32, #tpu.memory_space<vmem_shared>> -> memref<640xf32, #tpu.memory_space<vmem_shared>>
      %dma_start3A_324 = tpu.memref_slice %arg5[%run_scoped3A, %mul3A_2] : memref<2x10240xf32, #tpu.memory_space<hbm>> -> memref<1x640xf32, #tpu.memory_space<hbm>>
      %dma_start3A_325 = tpu.memref_squeeze %dma_start3A_324 : memref<1x640xf32, #tpu.memory_space<hbm>> -> memref<640xf32, #tpu.memory_space<hbm>>
      tpu.enqueue_dma source(%dma_start3A_325 : memref<640xf32, #tpu.memory_space<hbm>>) target(%dma_start3A_323 : memref<640xf32, #tpu.memory_space<vmem_shared>>) target_semaphore(%run_scoped3A_322 : memref<!tpu.dma_semaphore, #tpu.memory_space<semaphore_mem>>)
      %dma_wait3A_326 = tpu.memref_slice %arg32[%mul3A_2] : memref<10240xf32, #tpu.memory_space<vmem_shared>> -> memref<640xf32, #tpu.memory_space<vmem_shared>>
      %dma_wait3A_327 = tpu.memref_slice %arg5[%run_scoped3A, %mul3A_2] : memref<2x10240xf32, #tpu.memory_space<hbm>> -> memref<1x640xf32, #tpu.memory_space<hbm>>
      %dma_wait3A_328 = tpu.memref_squeeze %dma_wait3A_327 : memref<1x640xf32, #tpu.memory_space<hbm>> -> memref<640xf32, #tpu.memory_space<hbm>>
      tpu.wait_dma2 semaphore(%run_scoped3A_322 : memref<!tpu.dma_semaphore, #tpu.memory_space<semaphore_mem>>) src(%dma_wait3A_328 : memref<640xf32, #tpu.memory_space<hbm>>) dst(%dma_wait3A_326 : memref<640xf32, #tpu.memory_space<vmem_shared>>)
      tpu.yield
    }) : () -> ()
    %run_scoped3A_3 = arith.constant 1 : i32
    "tpu.region"() ({
      %run_scoped3A_322 = tpu.sem_alloc : memref<!tpu.dma_semaphore, #tpu.memory_space<semaphore_mem>>
      %dma_start3A_323 = tpu.memref_slice %arg33[%mul3A_2] : memref<10240xf32, #tpu.memory_space<vmem_shared>> -> memref<640xf32, #tpu.memory_space<vmem_shared>>
      %dma_start3A_324 = tpu.memref_slice %arg5[%run_scoped3A_3, %mul3A_2] : memref<2x10240xf32, #tpu.memory_space<hbm>> -> memref<1x640xf32, #tpu.memory_space<hbm>>
      %dma_start3A_325 = tpu.memref_squeeze %dma_start3A_324 : memref<1x640xf32, #tpu.memory_space<hbm>> -> memref<640xf32, #tpu.memory_space<hbm>>
      tpu.enqueue_dma source(%dma_start3A_325 : memref<640xf32, #tpu.memory_space<hbm>>) target(%dma_start3A_323 : memref<640xf32, #tpu.memory_space<vmem_shared>>) target_semaphore(%run_scoped3A_322 : memref<!tpu.dma_semaphore, #tpu.memory_space<semaphore_mem>>)
      %dma_wait3A_326 = tpu.memref_slice %arg33[%mul3A_2] : memref<10240xf32, #tpu.memory_space<vmem_shared>> -> memref<640xf32, #tpu.memory_space<vmem_shared>>
      %dma_wait3A_327 = tpu.memref_slice %arg5[%run_scoped3A_3, %mul3A_2] : memref<2x10240xf32, #tpu.memory_space<hbm>> -> memref<1x640xf32, #tpu.memory_space<hbm>>
      %dma_wait3A_328 = tpu.memref_squeeze %dma_wait3A_327 : memref<1x640xf32, #tpu.memory_space<hbm>> -> memref<640xf32, #tpu.memory_space<hbm>>
      tpu.wait_dma2 semaphore(%run_scoped3A_322 : memref<!tpu.dma_semaphore, #tpu.memory_space<semaphore_mem>>) src(%dma_wait3A_328 : memref<640xf32, #tpu.memory_space<hbm>>) dst(%dma_wait3A_326 : memref<640xf32, #tpu.memory_space<vmem_shared>>)
      tpu.yield
    }) : () -> ()
    %run_scoped3A_4 = arith.constant 0 : i32
    "tpu.region"() ({
      %run_scoped3A_322 = tpu.sem_alloc : memref<!tpu.dma_semaphore, #tpu.memory_space<semaphore_mem>>
      %dma_start3A_323 = arith.constant 0 : i32
      %dma_start3A_324 = arith.constant 0 : i32
      %dma_start3A_325 = tpu.memref_slice %arg3[%run_scoped3A_4, %add3A, %dma_start3A_323, %dma_start3A_324] : memref<2x32x79x128xi32, #tpu.memory_space<hbm>> -> memref<1x1x79x128xi32, #tpu.memory_space<hbm>>
      %dma_start3A_326 = tpu.memref_squeeze %dma_start3A_325 : memref<1x1x79x128xi32, #tpu.memory_space<hbm>> -> memref<79x128xi32, #tpu.memory_space<hbm>>
      %dma_start3A_327 = arith.constant 0 : i32
      %dma_start3A_328 = arith.constant 0 : i32
      %dma_start3A_329 = tpu.memref_slice %arg3[%run_scoped3A_4, %add3A, %dma_start3A_327, %dma_start3A_328] : memref<2x32x79x128xi32, #tpu.memory_space<hbm>> -> memref<1x1x79x128xi32, #tpu.memory_space<hbm>>
      %dma_start3A_330 = tpu.memref_squeeze %dma_start3A_329 : memref<1x1x79x128xi32, #tpu.memory_space<hbm>> -> memref<79x128xi32, #tpu.memory_space<hbm>>
      tpu.enqueue_dma source(%dma_start3A_330 : memref<79x128xi32, #tpu.memory_space<hbm>>) target(%arg7 : memref<79x128xi32, #tpu.memory_space<vmem>>) target_semaphore(%run_scoped3A_322 : memref<!tpu.dma_semaphore, #tpu.memory_space<semaphore_mem>>)
      %dma_wait3A_331 = arith.constant 0 : i32
      %dma_wait3A_332 = arith.constant 0 : i32
      %dma_wait3A_333 = tpu.memref_slice %arg3[%run_scoped3A_4, %add3A, %dma_wait3A_331, %dma_wait3A_332] : memref<2x32x79x128xi32, #tpu.memory_space<hbm>> -> memref<1x1x79x128xi32, #tpu.memory_space<hbm>>
      %dma_wait3A_334 = tpu.memref_squeeze %dma_wait3A_333 : memref<1x1x79x128xi32, #tpu.memory_space<hbm>> -> memref<79x128xi32, #tpu.memory_space<hbm>>
      %dma_wait3A_335 = arith.constant 0 : i32
      %dma_wait3A_336 = arith.constant 0 : i32
      %dma_wait3A_337 = tpu.memref_slice %arg3[%run_scoped3A_4, %add3A, %dma_wait3A_335, %dma_wait3A_336] : memref<2x32x79x128xi32, #tpu.memory_space<hbm>> -> memref<1x1x79x128xi32, #tpu.memory_space<hbm>>
      %dma_wait3A_338 = tpu.memref_squeeze %dma_wait3A_337 : memref<1x1x79x128xi32, #tpu.memory_space<hbm>> -> memref<79x128xi32, #tpu.memory_space<hbm>>
      tpu.wait_dma2 semaphore(%run_scoped3A_322 : memref<!tpu.dma_semaphore, #tpu.memory_space<semaphore_mem>>) src(%dma_wait3A_338 : memref<79x128xi32, #tpu.memory_space<hbm>>) dst(%arg7 : memref<79x128xi32, #tpu.memory_space<vmem>>)
      tpu.yield
    }) : () -> ()
    %run_scoped3A_5 = arith.constant 1 : i32
    "tpu.region"() ({
      %run_scoped3A_322 = tpu.sem_alloc : memref<!tpu.dma_semaphore, #tpu.memory_space<semaphore_mem>>
      %dma_start3A_323 = arith.constant 0 : i32
      %dma_start3A_324 = arith.constant 0 : i32
      %dma_start3A_325 = tpu.memref_slice %arg3[%run_scoped3A_5, %add3A, %dma_start3A_323, %dma_start3A_324] : memref<2x32x79x128xi32, #tpu.memory_space<hbm>> -> memref<1x1x79x128xi32, #tpu.memory_space<hbm>>
      %dma_start3A_326 = tpu.memref_squeeze %dma_start3A_325 : memref<1x1x79x128xi32, #tpu.memory_space<hbm>> -> memref<79x128xi32, #tpu.memory_space<hbm>>
      %dma_start3A_327 = arith.constant 0 : i32
      %dma_start3A_328 = arith.constant 0 : i32
      %dma_start3A_329 = tpu.memref_slice %arg3[%run_scoped3A_5, %add3A, %dma_start3A_327, %dma_start3A_328] : memref<2x32x79x128xi32, #tpu.memory_space<hbm>> -> memref<1x1x79x128xi32, #tpu.memory_space<hbm>>
      %dma_start3A_330 = tpu.memref_squeeze %dma_start3A_329 : memref<1x1x79x128xi32, #tpu.memory_space<hbm>> -> memref<79x128xi32, #tpu.memory_space<hbm>>
      tpu.enqueue_dma source(%dma_start3A_330 : memref<79x128xi32, #tpu.memory_space<hbm>>) target(%arg8 : memref<79x128xi32, #tpu.memory_space<vmem>>) target_semaphore(%run_scoped3A_322 : memref<!tpu.dma_semaphore, #tpu.memory_space<semaphore_mem>>)
      %dma_wait3A_331 = arith.constant 0 : i32
      %dma_wait3A_332 = arith.constant 0 : i32
      %dma_wait3A_333 = tpu.memref_slice %arg3[%run_scoped3A_5, %add3A, %dma_wait3A_331, %dma_wait3A_332] : memref<2x32x79x128xi32, #tpu.memory_space<hbm>> -> memref<1x1x79x128xi32, #tpu.memory_space<hbm>>
      %dma_wait3A_334 = tpu.memref_squeeze %dma_wait3A_333 : memref<1x1x79x128xi32, #tpu.memory_space<hbm>> -> memref<79x128xi32, #tpu.memory_space<hbm>>
      %dma_wait3A_335 = arith.constant 0 : i32
      %dma_wait3A_336 = arith.constant 0 : i32
      %dma_wait3A_337 = tpu.memref_slice %arg3[%run_scoped3A_5, %add3A, %dma_wait3A_335, %dma_wait3A_336] : memref<2x32x79x128xi32, #tpu.memory_space<hbm>> -> memref<1x1x79x128xi32, #tpu.memory_space<hbm>>
      %dma_wait3A_338 = tpu.memref_squeeze %dma_wait3A_337 : memref<1x1x79x128xi32, #tpu.memory_space<hbm>> -> memref<79x128xi32, #tpu.memory_space<hbm>>
      tpu.wait_dma2 semaphore(%run_scoped3A_322 : memref<!tpu.dma_semaphore, #tpu.memory_space<semaphore_mem>>) src(%dma_wait3A_338 : memref<79x128xi32, #tpu.memory_space<hbm>>) dst(%arg8 : memref<79x128xi32, #tpu.memory_space<vmem>>)
      tpu.yield
    }) : () -> ()
    %mul3A_6 = arith.constant 32 : i32
    %mul3A_7 = arith.muli %mul3A_2, %mul3A_6 : i32
    %run_scoped3A_8 = arith.constant 0 : i32
    "tpu.region"() ({
      %run_scoped3A_322 = tpu.sem_alloc : memref<!tpu.dma_semaphore, #tpu.memory_space<semaphore_mem>>
      %dma_start3A_323 = tpu.memref_slice %arg2[%run_scoped3A_8, %mul3A_7] : memref<2x327680xf32, #tpu.memory_space<hbm>> -> memref<1x20480xf32, #tpu.memory_space<hbm>>
      %dma_start3A_324 = tpu.memref_squeeze %dma_start3A_323 : memref<1x20480xf32, #tpu.memory_space<hbm>> -> memref<20480xf32, #tpu.memory_space<hbm>>
      %dma_start3A_325 = tpu.memref_slice %arg2[%run_scoped3A_8, %mul3A_7] : memref<2x327680xf32, #tpu.memory_space<hbm>> -> memref<1x20480xf32, #tpu.memory_space<hbm>>
      %dma_start3A_326 = tpu.memref_squeeze %dma_start3A_325 : memref<1x20480xf32, #tpu.memory_space<hbm>> -> memref<20480xf32, #tpu.memory_space<hbm>>
      tpu.enqueue_dma source(%dma_start3A_326 : memref<20480xf32, #tpu.memory_space<hbm>>) target(%arg9 : memref<20480xf32, #tpu.memory_space<vmem>>) target_semaphore(%run_scoped3A_322 : memref<!tpu.dma_semaphore, #tpu.memory_space<semaphore_mem>>)
      %dma_wait3A_327 = tpu.memref_slice %arg2[%run_scoped3A_8, %mul3A_7] : memref<2x327680xf32, #tpu.memory_space<hbm>> -> memref<1x20480xf32, #tpu.memory_space<hbm>>
      %dma_wait3A_328 = tpu.memref_squeeze %dma_wait3A_327 : memref<1x20480xf32, #tpu.memory_space<hbm>> -> memref<20480xf32, #tpu.memory_space<hbm>>
      %dma_wait3A_329 = tpu.memref_slice %arg2[%run_scoped3A_8, %mul3A_7] : memref<2x327680xf32, #tpu.memory_space<hbm>> -> memref<1x20480xf32, #tpu.memory_space<hbm>>
      %dma_wait3A_330 = tpu.memref_squeeze %dma_wait3A_329 : memref<1x20480xf32, #tpu.memory_space<hbm>> -> memref<20480xf32, #tpu.memory_space<hbm>>
      tpu.wait_dma2 semaphore(%run_scoped3A_322 : memref<!tpu.dma_semaphore, #tpu.memory_space<semaphore_mem>>) src(%dma_wait3A_330 : memref<20480xf32, #tpu.memory_space<hbm>>) dst(%arg9 : memref<20480xf32, #tpu.memory_space<vmem>>)
      tpu.yield
    }) : () -> ()
    %mul3A_9 = arith.constant 32 : i32
    %mul3A_10 = arith.muli %mul3A_2, %mul3A_9 : i32
    %run_scoped3A_11 = arith.constant 1 : i32
    "tpu.region"() ({
      %run_scoped3A_322 = tpu.sem_alloc : memref<!tpu.dma_semaphore, #tpu.memory_space<semaphore_mem>>
      %dma_start3A_323 = tpu.memref_slice %arg2[%run_scoped3A_11, %mul3A_10] : memref<2x327680xf32, #tpu.memory_space<hbm>> -> memref<1x20480xf32, #tpu.memory_space<hbm>>
      %dma_start3A_324 = tpu.memref_squeeze %dma_start3A_323 : memref<1x20480xf32, #tpu.memory_space<hbm>> -> memref<20480xf32, #tpu.memory_space<hbm>>
      %dma_start3A_325 = tpu.memref_slice %arg2[%run_scoped3A_11, %mul3A_10] : memref<2x327680xf32, #tpu.memory_space<hbm>> -> memref<1x20480xf32, #tpu.memory_space<hbm>>
      %dma_start3A_326 = tpu.memref_squeeze %dma_start3A_325 : memref<1x20480xf32, #tpu.memory_space<hbm>> -> memref<20480xf32, #tpu.memory_space<hbm>>
      tpu.enqueue_dma source(%dma_start3A_326 : memref<20480xf32, #tpu.memory_space<hbm>>) target(%arg10 : memref<20480xf32, #tpu.memory_space<vmem>>) target_semaphore(%run_scoped3A_322 : memref<!tpu.dma_semaphore, #tpu.memory_space<semaphore_mem>>)
      %dma_wait3A_327 = tpu.memref_slice %arg2[%run_scoped3A_11, %mul3A_10] : memref<2x327680xf32, #tpu.memory_space<hbm>> -> memref<1x20480xf32, #tpu.memory_space<hbm>>
      %dma_wait3A_328 = tpu.memref_squeeze %dma_wait3A_327 : memref<1x20480xf32, #tpu.memory_space<hbm>> -> memref<20480xf32, #tpu.memory_space<hbm>>
      %dma_wait3A_329 = tpu.memref_slice %arg2[%run_scoped3A_11, %mul3A_10] : memref<2x327680xf32, #tpu.memory_space<hbm>> -> memref<1x20480xf32, #tpu.memory_space<hbm>>
      %dma_wait3A_330 = tpu.memref_squeeze %dma_wait3A_329 : memref<1x20480xf32, #tpu.memory_space<hbm>> -> memref<20480xf32, #tpu.memory_space<hbm>>
      tpu.wait_dma2 semaphore(%run_scoped3A_322 : memref<!tpu.dma_semaphore, #tpu.memory_space<semaphore_mem>>) src(%dma_wait3A_330 : memref<20480xf32, #tpu.memory_space<hbm>>) dst(%arg10 : memref<20480xf32, #tpu.memory_space<vmem>>)
      tpu.yield
    }) : () -> ()
    "tpu.region"() ({
      %run_scoped3A_322 = tpu.sem_alloc : memref<!tpu.dma_semaphore, #tpu.memory_space<semaphore_mem>>
      tpu.enqueue_dma source(%arg4 : memref<1024xf32, #tpu.memory_space<hbm>>) target(%arg11 : memref<1024xf32, #tpu.memory_space<vmem>>) target_semaphore(%run_scoped3A_322 : memref<!tpu.dma_semaphore, #tpu.memory_space<semaphore_mem>>)
      tpu.wait_dma2 semaphore(%run_scoped3A_322 : memref<!tpu.dma_semaphore, #tpu.memory_space<semaphore_mem>>) src(%arg4 : memref<1024xf32, #tpu.memory_space<hbm>>) dst(%arg11 : memref<1024xf32, #tpu.memory_space<vmem>>)
      tpu.yield
    }) : () -> ()
    %iota3A = tpu.iota {dimensions = array<i32: 0>} : vector<16xi32>
    %broadcast_in_dim3A = arith.constant 0 : i32
    %broadcast_in_dim3A_12 = vector.broadcast %broadcast_in_dim3A : i32 to vector<16xi32>
    %broadcast_in_dim3A_13 = arith.constant 1 : i32
    %broadcast_in_dim3A_14 = vector.broadcast %broadcast_in_dim3A_13 : i32 to vector<16xi32>
    %get3A = arith.constant 0 : index
    %get3A_15 = tpu.vector_load %arg11[%get3A] {strides = array<i32>} : memref<1024xf32, #tpu.memory_space<vmem>>, vector<16xf32>,
    %get3A_16 = arith.constant 16 : index
    %get3A_17 = tpu.vector_load %arg11[%get3A_16] {strides = array<i32>} : memref<1024xf32, #tpu.memory_space<vmem>>, vector<16xf32>,
    %get3A_18 = arith.constant 32 : index
    %get3A_19 = tpu.vector_load %arg11[%get3A_18] {strides = array<i32>} : memref<1024xf32, #tpu.memory_space<vmem>>, vector<16xf32>,
    %get3A_20 = arith.constant 48 : index
    %get3A_21 = tpu.vector_load %arg11[%get3A_20] {strides = array<i32>} : memref<1024xf32, #tpu.memory_space<vmem>>, vector<16xf32>,
    %get3A_22 = arith.constant 64 : index
    %get3A_23 = tpu.vector_load %arg11[%get3A_22] {strides = array<i32>} : memref<1024xf32, #tpu.memory_space<vmem>>, vector<16xf32>,
    %get3A_24 = arith.constant 80 : index
    %get3A_25 = tpu.vector_load %arg11[%get3A_24] {strides = array<i32>} : memref<1024xf32, #tpu.memory_space<vmem>>, vector<16xf32>,
    %get3A_26 = arith.constant 96 : index
    %get3A_27 = tpu.vector_load %arg11[%get3A_26] {strides = array<i32>} : memref<1024xf32, #tpu.memory_space<vmem>>, vector<16xf32>,
    %get3A_28 = arith.constant 112 : index
    %get3A_29 = tpu.vector_load %arg11[%get3A_28] {strides = array<i32>} : memref<1024xf32, #tpu.memory_space<vmem>>, vector<16xf32>,
    %get3A_30 = arith.constant 128 : index
    %get3A_31 = tpu.vector_load %arg11[%get3A_30] {strides = array<i32>} : memref<1024xf32, #tpu.memory_space<vmem>>, vector<16xf32>,
    %get3A_32 = arith.constant 144 : index
    %get3A_33 = tpu.vector_load %arg11[%get3A_32] {strides = array<i32>} : memref<1024xf32, #tpu.memory_space<vmem>>, vector<16xf32>,
    %get3A_34 = arith.constant 160 : index
    %get3A_35 = tpu.vector_load %arg11[%get3A_34] {strides = array<i32>} : memref<1024xf32, #tpu.memory_space<vmem>>, vector<16xf32>,
    %get3A_36 = arith.constant 176 : index
    %get3A_37 = tpu.vector_load %arg11[%get3A_36] {strides = array<i32>} : memref<1024xf32, #tpu.memory_space<vmem>>, vector<16xf32>,
    %get3A_38 = arith.constant 192 : index
    %get3A_39 = tpu.vector_load %arg11[%get3A_38] {strides = array<i32>} : memref<1024xf32, #tpu.memory_space<vmem>>, vector<16xf32>,
    %get3A_40 = arith.constant 208 : index
    %get3A_41 = tpu.vector_load %arg11[%get3A_40] {strides = array<i32>} : memref<1024xf32, #tpu.memory_space<vmem>>, vector<16xf32>,
    %get3A_42 = arith.constant 224 : index
    %get3A_43 = tpu.vector_load %arg11[%get3A_42] {strides = array<i32>} : memref<1024xf32, #tpu.memory_space<vmem>>, vector<16xf32>,
    %get3A_44 = arith.constant 240 : index
    %get3A_45 = tpu.vector_load %arg11[%get3A_44] {strides = array<i32>} : memref<1024xf32, #tpu.memory_space<vmem>>, vector<16xf32>,
    %get3A_46 = arith.constant 256 : index
    %get3A_47 = tpu.vector_load %arg11[%get3A_46] {strides = array<i32>} : memref<1024xf32, #tpu.memory_space<vmem>>, vector<16xf32>,
    %get3A_48 = arith.constant 272 : index
    %get3A_49 = tpu.vector_load %arg11[%get3A_48] {strides = array<i32>} : memref<1024xf32, #tpu.memory_space<vmem>>, vector<16xf32>,
    %get3A_50 = arith.constant 288 : index
    %get3A_51 = tpu.vector_load %arg11[%get3A_50] {strides = array<i32>} : memref<1024xf32, #tpu.memory_space<vmem>>, vector<16xf32>,
    %get3A_52 = arith.constant 304 : index
    %get3A_53 = tpu.vector_load %arg11[%get3A_52] {strides = array<i32>} : memref<1024xf32, #tpu.memory_space<vmem>>, vector<16xf32>,
    %get3A_54 = arith.constant 320 : index
    %get3A_55 = tpu.vector_load %arg11[%get3A_54] {strides = array<i32>} : memref<1024xf32, #tpu.memory_space<vmem>>, vector<16xf32>,
    %get3A_56 = arith.constant 336 : index
    %get3A_57 = tpu.vector_load %arg11[%get3A_56] {strides = array<i32>} : memref<1024xf32, #tpu.memory_space<vmem>>, vector<16xf32>,
    %get3A_58 = arith.constant 352 : index
    %get3A_59 = tpu.vector_load %arg11[%get3A_58] {strides = array<i32>} : memref<1024xf32, #tpu.memory_space<vmem>>, vector<16xf32>,
    %get3A_60 = arith.constant 368 : index
    %get3A_61 = tpu.vector_load %arg11[%get3A_60] {strides = array<i32>} : memref<1024xf32, #tpu.memory_space<vmem>>, vector<16xf32>,
    %get3A_62 = arith.constant 384 : index
    %get3A_63 = tpu.vector_load %arg11[%get3A_62] {strides = array<i32>} : memref<1024xf32, #tpu.memory_space<vmem>>, vector<16xf32>,
    %get3A_64 = arith.constant 400 : index
    %get3A_65 = tpu.vector_load %arg11[%get3A_64] {strides = array<i32>} : memref<1024xf32, #tpu.memory_space<vmem>>, vector<16xf32>,
    %get3A_66 = arith.constant 416 : index
    %get3A_67 = tpu.vector_load %arg11[%get3A_66] {strides = array<i32>} : memref<1024xf32, #tpu.memory_space<vmem>>, vector<16xf32>,
    %get3A_68 = arith.constant 432 : index
    %get3A_69 = tpu.vector_load %arg11[%get3A_68] {strides = array<i32>} : memref<1024xf32, #tpu.memory_space<vmem>>, vector<16xf32>,
    %get3A_70 = arith.constant 448 : index
    %get3A_71 = tpu.vector_load %arg11[%get3A_70] {strides = array<i32>} : memref<1024xf32, #tpu.memory_space<vmem>>, vector<16xf32>,
    %get3A_72 = arith.constant 464 : index
    %get3A_73 = tpu.vector_load %arg11[%get3A_72] {strides = array<i32>} : memref<1024xf32, #tpu.memory_space<vmem>>, vector<16xf32>,
    %get3A_74 = arith.constant 480 : index
    %get3A_75 = tpu.vector_load %arg11[%get3A_74] {strides = array<i32>} : memref<1024xf32, #tpu.memory_space<vmem>>, vector<16xf32>,
    %get3A_76 = arith.constant 496 : index
    %get3A_77 = tpu.vector_load %arg11[%get3A_76] {strides = array<i32>} : memref<1024xf32, #tpu.memory_space<vmem>>, vector<16xf32>,
    %get3A_78 = arith.constant 512 : index
    %get3A_79 = tpu.vector_load %arg11[%get3A_78] {strides = array<i32>} : memref<1024xf32, #tpu.memory_space<vmem>>, vector<16xf32>,
    %get3A_80 = arith.constant 528 : index
    %get3A_81 = tpu.vector_load %arg11[%get3A_80] {strides = array<i32>} : memref<1024xf32, #tpu.memory_space<vmem>>, vector<16xf32>,
    %get3A_82 = arith.constant 544 : index
    %get3A_83 = tpu.vector_load %arg11[%get3A_82] {strides = array<i32>} : memref<1024xf32, #tpu.memory_space<vmem>>, vector<16xf32>,
    %get3A_84 = arith.constant 560 : index
    %get3A_85 = tpu.vector_load %arg11[%get3A_84] {strides = array<i32>} : memref<1024xf32, #tpu.memory_space<vmem>>, vector<16xf32>,
    %get3A_86 = arith.constant 576 : index
    %get3A_87 = tpu.vector_load %arg11[%get3A_86] {strides = array<i32>} : memref<1024xf32, #tpu.memory_space<vmem>>, vector<16xf32>,
    %get3A_88 = arith.constant 592 : index
    %get3A_89 = tpu.vector_load %arg11[%get3A_88] {strides = array<i32>} : memref<1024xf32, #tpu.memory_space<vmem>>, vector<16xf32>,
    %get3A_90 = arith.constant 608 : index
    %get3A_91 = tpu.vector_load %arg11[%get3A_90] {strides = array<i32>} : memref<1024xf32, #tpu.memory_space<vmem>>, vector<16xf32>,
    %get3A_92 = arith.constant 624 : index
    %get3A_93 = tpu.vector_load %arg11[%get3A_92] {strides = array<i32>} : memref<1024xf32, #tpu.memory_space<vmem>>, vector<16xf32>,
    %get3A_94 = arith.constant 640 : index
    %get3A_95 = tpu.vector_load %arg11[%get3A_94] {strides = array<i32>} : memref<1024xf32, #tpu.memory_space<vmem>>, vector<16xf32>,
    %get3A_96 = arith.constant 656 : index
    %get3A_97 = tpu.vector_load %arg11[%get3A_96] {strides = array<i32>} : memref<1024xf32, #tpu.memory_space<vmem>>, vector<16xf32>,
    %get3A_98 = arith.constant 672 : index
    %get3A_99 = tpu.vector_load %arg11[%get3A_98] {strides = array<i32>} : memref<1024xf32, #tpu.memory_space<vmem>>, vector<16xf32>,
    %get3A_100 = arith.constant 688 : index
    %get3A_101 = tpu.vector_load %arg11[%get3A_100] {strides = array<i32>} : memref<1024xf32, #tpu.memory_space<vmem>>, vector<16xf32>,
    %get3A_102 = arith.constant 704 : index
    %get3A_103 = tpu.vector_load %arg11[%get3A_102] {strides = array<i32>} : memref<1024xf32, #tpu.memory_space<vmem>>, vector<16xf32>,
    %get3A_104 = arith.constant 720 : index
    %get3A_105 = tpu.vector_load %arg11[%get3A_104] {strides = array<i32>} : memref<1024xf32, #tpu.memory_space<vmem>>, vector<16xf32>,
    %get3A_106 = arith.constant 736 : index
    %get3A_107 = tpu.vector_load %arg11[%get3A_106] {strides = array<i32>} : memref<1024xf32, #tpu.memory_space<vmem>>, vector<16xf32>,
    %get3A_108 = arith.constant 752 : index
    %get3A_109 = tpu.vector_load %arg11[%get3A_108] {strides = array<i32>} : memref<1024xf32, #tpu.memory_space<vmem>>, vector<16xf32>,
    %get3A_110 = arith.constant 768 : index
    %get3A_111 = tpu.vector_load %arg11[%get3A_110] {strides = array<i32>} : memref<1024xf32, #tpu.memory_space<vmem>>, vector<16xf32>,
    %get3A_112 = arith.constant 784 : index
    %get3A_113 = tpu.vector_load %arg11[%get3A_112] {strides = array<i32>} : memref<1024xf32, #tpu.memory_space<vmem>>, vector<16xf32>,
    %get3A_114 = arith.constant 800 : index
    %get3A_115 = tpu.vector_load %arg11[%get3A_114] {strides = array<i32>} : memref<1024xf32, #tpu.memory_space<vmem>>, vector<16xf32>,
    %get3A_116 = arith.constant 816 : index
    %get3A_117 = tpu.vector_load %arg11[%get3A_116] {strides = array<i32>} : memref<1024xf32, #tpu.memory_space<vmem>>, vector<16xf32>,
    %get3A_118 = arith.constant 832 : index
    %get3A_119 = tpu.vector_load %arg11[%get3A_118] {strides = array<i32>} : memref<1024xf32, #tpu.memory_space<vmem>>, vector<16xf32>,
    %get3A_120 = arith.constant 848 : index
    %get3A_121 = tpu.vector_load %arg11[%get3A_120] {strides = array<i32>} : memref<1024xf32, #tpu.memory_space<vmem>>, vector<16xf32>,
    %get3A_122 = arith.constant 864 : index
    %get3A_123 = tpu.vector_load %arg11[%get3A_122] {strides = array<i32>} : memref<1024xf32, #tpu.memory_space<vmem>>, vector<16xf32>,
    %get3A_124 = arith.constant 880 : index
    %get3A_125 = tpu.vector_load %arg11[%get3A_124] {strides = array<i32>} : memref<1024xf32, #tpu.memory_space<vmem>>, vector<16xf32>,
    %get3A_126 = arith.constant 896 : index
    %get3A_127 = tpu.vector_load %arg11[%get3A_126] {strides = array<i32>} : memref<1024xf32, #tpu.memory_space<vmem>>, vector<16xf32>,
    %get3A_128 = arith.constant 912 : index
    %get3A_129 = tpu.vector_load %arg11[%get3A_128] {strides = array<i32>} : memref<1024xf32, #tpu.memory_space<vmem>>, vector<16xf32>,
    %get3A_130 = arith.constant 928 : index
    %get3A_131 = tpu.vector_load %arg11[%get3A_130] {strides = array<i32>} : memref<1024xf32, #tpu.memory_space<vmem>>, vector<16xf32>,
    %get3A_132 = arith.constant 944 : index
    %get3A_133 = tpu.vector_load %arg11[%get3A_132] {strides = array<i32>} : memref<1024xf32, #tpu.memory_space<vmem>>, vector<16xf32>,
    %get3A_134 = arith.constant 960 : index
    %get3A_135 = tpu.vector_load %arg11[%get3A_134] {strides = array<i32>} : memref<1024xf32, #tpu.memory_space<vmem>>, vector<16xf32>,
    %get3A_136 = arith.constant 976 : index
    %get3A_137 = tpu.vector_load %arg11[%get3A_136] {strides = array<i32>} : memref<1024xf32, #tpu.memory_space<vmem>>, vector<16xf32>,
    %get3A_138 = arith.constant 992 : index
    %get3A_139 = tpu.vector_load %arg11[%get3A_138] {strides = array<i32>} : memref<1024xf32, #tpu.memory_space<vmem>>, vector<16xf32>,
    %get3A_140 = arith.constant 1008 : index
    %get3A_141 = tpu.vector_load %arg11[%get3A_140] {strides = array<i32>} : memref<1024xf32, #tpu.memory_space<vmem>>, vector<16xf32>,
    %scan3A = arith.constant 0 : i32
    %scan3A_142 = arith.constant 0 : i32
    %scan3A_143 = arith.constant 40 : i32
    %scan3A_144 = arith.addi %scan3A_142, %scan3A_143 : i32
    %scan3A_145 = arith.constant 1 : i32
    scf.for %scan3A_322 = %scan3A_142 to %scan3A_144 step %scan3A_145  : i32 {
      %mul3A_323 = arith.constant 512 : i32
      %mul3A_324 = arith.muli %scan3A_322, %mul3A_323 : i32
      %mul3A_325 = arith.constant 32 : i32
      %mul3A_326 = vector.broadcast %mul3A_325 : i32 to vector<16xi32>
      %mul3A_327 = arith.muli %iota3A, %mul3A_326 : vector<16xi32>
      %add3A_328 = vector.broadcast %mul3A_324 : i32 to vector<16xi32>
      %add3A_329 = arith.addi %add3A_328, %mul3A_327 : vector<16xi32>
      %broadcast_in_dim3A_330 = arith.constant 0.000000e+00 : f32
      %broadcast_in_dim3A_331 = vector.broadcast %broadcast_in_dim3A_330 : f32 to vector<16xf32>
      %broadcast_in_dim3A_332 = arith.constant 0.000000e+00 : f32
      %broadcast_in_dim3A_333 = vector.broadcast %broadcast_in_dim3A_332 : f32 to vector<16xf32>
      %add3A_334 = arith.constant 0 : i32
      %add3A_335 = vector.broadcast %add3A_334 : i32 to vector<16xi32>
      %add3A_336 = arith.addi %add3A_329, %add3A_335 : vector<16xi32>
      %gather3A = tpu.vector_load_idx %arg9[%add3A_336] : memref<20480xf32, #tpu.memory_space<vmem>>[vector<16xi32>], vector<16xf32>,
      %gather3A_337 = tpu.vector_load_idx %arg10[%add3A_336] : memref<20480xf32, #tpu.memory_space<vmem>>[vector<16xi32>], vector<16xf32>,
      %add3A_338 = arith.addf %gather3A, %gather3A_337 : vector<16xf32>
      %max3A = arith.constant 0.000000e+00 : f32
      %max3A_339 = vector.broadcast %max3A : f32 to vector<16xf32>
      %max3A_340 = arith.maximumf %add3A_338, %max3A_339 : vector<16xf32>
      %mul3A_341 = arith.mulf %max3A_340, %get3A_15 : vector<16xf32>
      %add3A_342 = arith.addf %broadcast_in_dim3A_331, %mul3A_341 : vector<16xf32>
      %mul3A_343 = arith.mulf %max3A_340, %get3A_17 : vector<16xf32>
      %add3A_344 = arith.addf %broadcast_in_dim3A_333, %mul3A_343 : vector<16xf32>
      %add3A_345 = arith.constant 1 : i32
      %add3A_346 = vector.broadcast %add3A_345 : i32 to vector<16xi32>
      %add3A_347 = arith.addi %add3A_329, %add3A_346 : vector<16xi32>
      %gather3A_348 = tpu.vector_load_idx %arg9[%add3A_347] : memref<20480xf32, #tpu.memory_space<vmem>>[vector<16xi32>], vector<16xf32>,
      %gather3A_349 = tpu.vector_load_idx %arg10[%add3A_347] : memref<20480xf32, #tpu.memory_space<vmem>>[vector<16xi32>], vector<16xf32>,
      %add3A_350 = arith.addf %gather3A_348, %gather3A_349 : vector<16xf32>
      %max3A_351 = arith.constant 0.000000e+00 : f32
      %max3A_352 = vector.broadcast %max3A_351 : f32 to vector<16xf32>
      %max3A_353 = arith.maximumf %add3A_350, %max3A_352 : vector<16xf32>
      %mul3A_354 = arith.mulf %max3A_353, %get3A_19 : vector<16xf32>
      %add3A_355 = arith.addf %add3A_342, %mul3A_354 : vector<16xf32>
      %mul3A_356 = arith.mulf %max3A_353, %get3A_21 : vector<16xf32>
      %add3A_357 = arith.addf %add3A_344, %mul3A_356 : vector<16xf32>
      %add3A_358 = arith.constant 2 : i32
      %add3A_359 = vector.broadcast %add3A_358 : i32 to vector<16xi32>
      %add3A_360 = arith.addi %add3A_329, %add3A_359 : vector<16xi32>
      %gather3A_361 = tpu.vector_load_idx %arg9[%add3A_360] : memref<20480xf32, #tpu.memory_space<vmem>>[vector<16xi32>], vector<16xf32>,
      %gather3A_362 = tpu.vector_load_idx %arg10[%add3A_360] : memref<20480xf32, #tpu.memory_space<vmem>>[vector<16xi32>], vector<16xf32>,
      %add3A_363 = arith.addf %gather3A_361, %gather3A_362 : vector<16xf32>
      %max3A_364 = arith.constant 0.000000e+00 : f32
      %max3A_365 = vector.broadcast %max3A_364 : f32 to vector<16xf32>
      %max3A_366 = arith.maximumf %add3A_363, %max3A_365 : vector<16xf32>
      %mul3A_367 = arith.mulf %max3A_366, %get3A_23 : vector<16xf32>
      %add3A_368 = arith.addf %add3A_355, %mul3A_367 : vector<16xf32>
      %mul3A_369 = arith.mulf %max3A_366, %get3A_25 : vector<16xf32>
      %add3A_370 = arith.addf %add3A_357, %mul3A_369 : vector<16xf32>
      %add3A_371 = arith.constant 3 : i32
      %add3A_372 = vector.broadcast %add3A_371 : i32 to vector<16xi32>
      %add3A_373 = arith.addi %add3A_329, %add3A_372 : vector<16xi32>
      %gather3A_374 = tpu.vector_load_idx %arg9[%add3A_373] : memref<20480xf32, #tpu.memory_space<vmem>>[vector<16xi32>], vector<16xf32>,
      %gather3A_375 = tpu.vector_load_idx %arg10[%add3A_373] : memref<20480xf32, #tpu.memory_space<vmem>>[vector<16xi32>], vector<16xf32>,
      %add3A_376 = arith.addf %gather3A_374, %gather3A_375 : vector<16xf32>
      %max3A_377 = arith.constant 0.000000e+00 : f32
      %max3A_378 = vector.broadcast %max3A_377 : f32 to vector<16xf32>
      %max3A_379 = arith.maximumf %add3A_376, %max3A_378 : vector<16xf32>
      %mul3A_380 = arith.mulf %max3A_379, %get3A_27 : vector<16xf32>
      %add3A_381 = arith.addf %add3A_368, %mul3A_380 : vector<16xf32>
      %mul3A_382 = arith.mulf %max3A_379, %get3A_29 : vector<16xf32>
      %add3A_383 = arith.addf %add3A_370, %mul3A_382 : vector<16xf32>
      %add3A_384 = arith.constant 4 : i32
      %add3A_385 = vector.broadcast %add3A_384 : i32 to vector<16xi32>
      %add3A_386 = arith.addi %add3A_329, %add3A_385 : vector<16xi32>
      %gather3A_387 = tpu.vector_load_idx %arg9[%add3A_386] : memref<20480xf32, #tpu.memory_space<vmem>>[vector<16xi32>], vector<16xf32>,
      %gather3A_388 = tpu.vector_load_idx %arg10[%add3A_386] : memref<20480xf32, #tpu.memory_space<vmem>>[vector<16xi32>], vector<16xf32>,
      %add3A_389 = arith.addf %gather3A_387, %gather3A_388 : vector<16xf32>
      %max3A_390 = arith.constant 0.000000e+00 : f32
      %max3A_391 = vector.broadcast %max3A_390 : f32 to vector<16xf32>
      %max3A_392 = arith.maximumf %add3A_389, %max3A_391 : vector<16xf32>
      %mul3A_393 = arith.mulf %max3A_392, %get3A_31 : vector<16xf32>
      %add3A_394 = arith.addf %add3A_381, %mul3A_393 : vector<16xf32>
      %mul3A_395 = arith.mulf %max3A_392, %get3A_33 : vector<16xf32>
      %add3A_396 = arith.addf %add3A_383, %mul3A_395 : vector<16xf32>
      %add3A_397 = arith.constant 5 : i32
      %add3A_398 = vector.broadcast %add3A_397 : i32 to vector<16xi32>
      %add3A_399 = arith.addi %add3A_329, %add3A_398 : vector<16xi32>
      %gather3A_400 = tpu.vector_load_idx %arg9[%add3A_399] : memref<20480xf32, #tpu.memory_space<vmem>>[vector<16xi32>], vector<16xf32>,
      %gather3A_401 = tpu.vector_load_idx %arg10[%add3A_399] : memref<20480xf32, #tpu.memory_space<vmem>>[vector<16xi32>], vector<16xf32>,
      %add3A_402 = arith.addf %gather3A_400, %gather3A_401 : vector<16xf32>
      %max3A_403 = arith.constant 0.000000e+00 : f32
      %max3A_404 = vector.broadcast %max3A_403 : f32 to vector<16xf32>
      %max3A_405 = arith.maximumf %add3A_402, %max3A_404 : vector<16xf32>
      %mul3A_406 = arith.mulf %max3A_405, %get3A_35 : vector<16xf32>
      %add3A_407 = arith.addf %add3A_394, %mul3A_406 : vector<16xf32>
      %mul3A_408 = arith.mulf %max3A_405, %get3A_37 : vector<16xf32>
      %add3A_409 = arith.addf %add3A_396, %mul3A_408 : vector<16xf32>
      %add3A_410 = arith.constant 6 : i32
      %add3A_411 = vector.broadcast %add3A_410 : i32 to vector<16xi32>
      %add3A_412 = arith.addi %add3A_329, %add3A_411 : vector<16xi32>
      %gather3A_413 = tpu.vector_load_idx %arg9[%add3A_412] : memref<20480xf32, #tpu.memory_space<vmem>>[vector<16xi32>], vector<16xf32>,
      %gather3A_414 = tpu.vector_load_idx %arg10[%add3A_412] : memref<20480xf32, #tpu.memory_space<vmem>>[vector<16xi32>], vector<16xf32>,
      %add3A_415 = arith.addf %gather3A_413, %gather3A_414 : vector<16xf32>
      %max3A_416 = arith.constant 0.000000e+00 : f32
      %max3A_417 = vector.broadcast %max3A_416 : f32 to vector<16xf32>
      %max3A_418 = arith.maximumf %add3A_415, %max3A_417 : vector<16xf32>
      %mul3A_419 = arith.mulf %max3A_418, %get3A_39 : vector<16xf32>
      %add3A_420 = arith.addf %add3A_407, %mul3A_419 : vector<16xf32>
      %mul3A_421 = arith.mulf %max3A_418, %get3A_41 : vector<16xf32>
      %add3A_422 = arith.addf %add3A_409, %mul3A_421 : vector<16xf32>
      %add3A_423 = arith.constant 7 : i32
      %add3A_424 = vector.broadcast %add3A_423 : i32 to vector<16xi32>
      %add3A_425 = arith.addi %add3A_329, %add3A_424 : vector<16xi32>
      %gather3A_426 = tpu.vector_load_idx %arg9[%add3A_425] : memref<20480xf32, #tpu.memory_space<vmem>>[vector<16xi32>], vector<16xf32>,
      %gather3A_427 = tpu.vector_load_idx %arg10[%add3A_425] : memref<20480xf32, #tpu.memory_space<vmem>>[vector<16xi32>], vector<16xf32>,
      %add3A_428 = arith.addf %gather3A_426, %gather3A_427 : vector<16xf32>
      %max3A_429 = arith.constant 0.000000e+00 : f32
      %max3A_430 = vector.broadcast %max3A_429 : f32 to vector<16xf32>
      %max3A_431 = arith.maximumf %add3A_428, %max3A_430 : vector<16xf32>
      %mul3A_432 = arith.mulf %max3A_431, %get3A_43 : vector<16xf32>
      %add3A_433 = arith.addf %add3A_420, %mul3A_432 : vector<16xf32>
      %mul3A_434 = arith.mulf %max3A_431, %get3A_45 : vector<16xf32>
      %add3A_435 = arith.addf %add3A_422, %mul3A_434 : vector<16xf32>
      %add3A_436 = arith.constant 8 : i32
      %add3A_437 = vector.broadcast %add3A_436 : i32 to vector<16xi32>
      %add3A_438 = arith.addi %add3A_329, %add3A_437 : vector<16xi32>
      %gather3A_439 = tpu.vector_load_idx %arg9[%add3A_438] : memref<20480xf32, #tpu.memory_space<vmem>>[vector<16xi32>], vector<16xf32>,
      %gather3A_440 = tpu.vector_load_idx %arg10[%add3A_438] : memref<20480xf32, #tpu.memory_space<vmem>>[vector<16xi32>], vector<16xf32>,
      %add3A_441 = arith.addf %gather3A_439, %gather3A_440 : vector<16xf32>
      %max3A_442 = arith.constant 0.000000e+00 : f32
      %max3A_443 = vector.broadcast %max3A_442 : f32 to vector<16xf32>
      %max3A_444 = arith.maximumf %add3A_441, %max3A_443 : vector<16xf32>
      %mul3A_445 = arith.mulf %max3A_444, %get3A_47 : vector<16xf32>
      %add3A_446 = arith.addf %add3A_433, %mul3A_445 : vector<16xf32>
      %mul3A_447 = arith.mulf %max3A_444, %get3A_49 : vector<16xf32>
      %add3A_448 = arith.addf %add3A_435, %mul3A_447 : vector<16xf32>
      %add3A_449 = arith.constant 9 : i32
      %add3A_450 = vector.broadcast %add3A_449 : i32 to vector<16xi32>
      %add3A_451 = arith.addi %add3A_329, %add3A_450 : vector<16xi32>
      %gather3A_452 = tpu.vector_load_idx %arg9[%add3A_451] : memref<20480xf32, #tpu.memory_space<vmem>>[vector<16xi32>], vector<16xf32>,
      %gather3A_453 = tpu.vector_load_idx %arg10[%add3A_451] : memref<20480xf32, #tpu.memory_space<vmem>>[vector<16xi32>], vector<16xf32>,
      %add3A_454 = arith.addf %gather3A_452, %gather3A_453 : vector<16xf32>
      %max3A_455 = arith.constant 0.000000e+00 : f32
      %max3A_456 = vector.broadcast %max3A_455 : f32 to vector<16xf32>
      %max3A_457 = arith.maximumf %add3A_454, %max3A_456 : vector<16xf32>
      %mul3A_458 = arith.mulf %max3A_457, %get3A_51 : vector<16xf32>
      %add3A_459 = arith.addf %add3A_446, %mul3A_458 : vector<16xf32>
      %mul3A_460 = arith.mulf %max3A_457, %get3A_53 : vector<16xf32>
      %add3A_461 = arith.addf %add3A_448, %mul3A_460 : vector<16xf32>
      %add3A_462 = arith.constant 10 : i32
      %add3A_463 = vector.broadcast %add3A_462 : i32 to vector<16xi32>
      %add3A_464 = arith.addi %add3A_329, %add3A_463 : vector<16xi32>
      %gather3A_465 = tpu.vector_load_idx %arg9[%add3A_464] : memref<20480xf32, #tpu.memory_space<vmem>>[vector<16xi32>], vector<16xf32>,
      %gather3A_466 = tpu.vector_load_idx %arg10[%add3A_464] : memref<20480xf32, #tpu.memory_space<vmem>>[vector<16xi32>], vector<16xf32>,
      %add3A_467 = arith.addf %gather3A_465, %gather3A_466 : vector<16xf32>
      %max3A_468 = arith.constant 0.000000e+00 : f32
      %max3A_469 = vector.broadcast %max3A_468 : f32 to vector<16xf32>
      %max3A_470 = arith.maximumf %add3A_467, %max3A_469 : vector<16xf32>
      %mul3A_471 = arith.mulf %max3A_470, %get3A_55 : vector<16xf32>
      %add3A_472 = arith.addf %add3A_459, %mul3A_471 : vector<16xf32>
      %mul3A_473 = arith.mulf %max3A_470, %get3A_57 : vector<16xf32>
      %add3A_474 = arith.addf %add3A_461, %mul3A_473 : vector<16xf32>
      %add3A_475 = arith.constant 11 : i32
      %add3A_476 = vector.broadcast %add3A_475 : i32 to vector<16xi32>
      %add3A_477 = arith.addi %add3A_329, %add3A_476 : vector<16xi32>
      %gather3A_478 = tpu.vector_load_idx %arg9[%add3A_477] : memref<20480xf32, #tpu.memory_space<vmem>>[vector<16xi32>], vector<16xf32>,
      %gather3A_479 = tpu.vector_load_idx %arg10[%add3A_477] : memref<20480xf32, #tpu.memory_space<vmem>>[vector<16xi32>], vector<16xf32>,
      %add3A_480 = arith.addf %gather3A_478, %gather3A_479 : vector<16xf32>
      %max3A_481 = arith.constant 0.000000e+00 : f32
      %max3A_482 = vector.broadcast %max3A_481 : f32 to vector<16xf32>
      %max3A_483 = arith.maximumf %add3A_480, %max3A_482 : vector<16xf32>
      %mul3A_484 = arith.mulf %max3A_483, %get3A_59 : vector<16xf32>
      %add3A_485 = arith.addf %add3A_472, %mul3A_484 : vector<16xf32>
      %mul3A_486 = arith.mulf %max3A_483, %get3A_61 : vector<16xf32>
      %add3A_487 = arith.addf %add3A_474, %mul3A_486 : vector<16xf32>
      %add3A_488 = arith.constant 12 : i32
      %add3A_489 = vector.broadcast %add3A_488 : i32 to vector<16xi32>
      %add3A_490 = arith.addi %add3A_329, %add3A_489 : vector<16xi32>
      %gather3A_491 = tpu.vector_load_idx %arg9[%add3A_490] : memref<20480xf32, #tpu.memory_space<vmem>>[vector<16xi32>], vector<16xf32>,
      %gather3A_492 = tpu.vector_load_idx %arg10[%add3A_490] : memref<20480xf32, #tpu.memory_space<vmem>>[vector<16xi32>], vector<16xf32>,
      %add3A_493 = arith.addf %gather3A_491, %gather3A_492 : vector<16xf32>
      %max3A_494 = arith.constant 0.000000e+00 : f32
      %max3A_495 = vector.broadcast %max3A_494 : f32 to vector<16xf32>
      %max3A_496 = arith.maximumf %add3A_493, %max3A_495 : vector<16xf32>
      %mul3A_497 = arith.mulf %max3A_496, %get3A_63 : vector<16xf32>
      %add3A_498 = arith.addf %add3A_485, %mul3A_497 : vector<16xf32>
      %mul3A_499 = arith.mulf %max3A_496, %get3A_65 : vector<16xf32>
      %add3A_500 = arith.addf %add3A_487, %mul3A_499 : vector<16xf32>
      %add3A_501 = arith.constant 13 : i32
      %add3A_502 = vector.broadcast %add3A_501 : i32 to vector<16xi32>
      %add3A_503 = arith.addi %add3A_329, %add3A_502 : vector<16xi32>
      %gather3A_504 = tpu.vector_load_idx %arg9[%add3A_503] : memref<20480xf32, #tpu.memory_space<vmem>>[vector<16xi32>], vector<16xf32>,
      %gather3A_505 = tpu.vector_load_idx %arg10[%add3A_503] : memref<20480xf32, #tpu.memory_space<vmem>>[vector<16xi32>], vector<16xf32>,
      %add3A_506 = arith.addf %gather3A_504, %gather3A_505 : vector<16xf32>
      %max3A_507 = arith.constant 0.000000e+00 : f32
      %max3A_508 = vector.broadcast %max3A_507 : f32 to vector<16xf32>
      %max3A_509 = arith.maximumf %add3A_506, %max3A_508 : vector<16xf32>
      %mul3A_510 = arith.mulf %max3A_509, %get3A_67 : vector<16xf32>
      %add3A_511 = arith.addf %add3A_498, %mul3A_510 : vector<16xf32>
      %mul3A_512 = arith.mulf %max3A_509, %get3A_69 : vector<16xf32>
      %add3A_513 = arith.addf %add3A_500, %mul3A_512 : vector<16xf32>
      %add3A_514 = arith.constant 14 : i32
      %add3A_515 = vector.broadcast %add3A_514 : i32 to vector<16xi32>
      %add3A_516 = arith.addi %add3A_329, %add3A_515 : vector<16xi32>
      %gather3A_517 = tpu.vector_load_idx %arg9[%add3A_516] : memref<20480xf32, #tpu.memory_space<vmem>>[vector<16xi32>], vector<16xf32>,
      %gather3A_518 = tpu.vector_load_idx %arg10[%add3A_516] : memref<20480xf32, #tpu.memory_space<vmem>>[vector<16xi32>], vector<16xf32>,
      %add3A_519 = arith.addf %gather3A_517, %gather3A_518 : vector<16xf32>
      %max3A_520 = arith.constant 0.000000e+00 : f32
      %max3A_521 = vector.broadcast %max3A_520 : f32 to vector<16xf32>
      %max3A_522 = arith.maximumf %add3A_519, %max3A_521 : vector<16xf32>
      %mul3A_523 = arith.mulf %max3A_522, %get3A_71 : vector<16xf32>
      %add3A_524 = arith.addf %add3A_511, %mul3A_523 : vector<16xf32>
      %mul3A_525 = arith.mulf %max3A_522, %get3A_73 : vector<16xf32>
      %add3A_526 = arith.addf %add3A_513, %mul3A_525 : vector<16xf32>
      %add3A_527 = arith.constant 15 : i32
      %add3A_528 = vector.broadcast %add3A_527 : i32 to vector<16xi32>
      %add3A_529 = arith.addi %add3A_329, %add3A_528 : vector<16xi32>
      %gather3A_530 = tpu.vector_load_idx %arg9[%add3A_529] : memref<20480xf32, #tpu.memory_space<vmem>>[vector<16xi32>], vector<16xf32>,
      %gather3A_531 = tpu.vector_load_idx %arg10[%add3A_529] : memref<20480xf32, #tpu.memory_space<vmem>>[vector<16xi32>], vector<16xf32>,
      %add3A_532 = arith.addf %gather3A_530, %gather3A_531 : vector<16xf32>
      %max3A_533 = arith.constant 0.000000e+00 : f32
      %max3A_534 = vector.broadcast %max3A_533 : f32 to vector<16xf32>
      %max3A_535 = arith.maximumf %add3A_532, %max3A_534 : vector<16xf32>
      %mul3A_536 = arith.mulf %max3A_535, %get3A_75 : vector<16xf32>
      %add3A_537 = arith.addf %add3A_524, %mul3A_536 : vector<16xf32>
      %mul3A_538 = arith.mulf %max3A_535, %get3A_77 : vector<16xf32>
      %add3A_539 = arith.addf %add3A_526, %mul3A_538 : vector<16xf32>
      %add3A_540 = arith.constant 16 : i32
      %add3A_541 = vector.broadcast %add3A_540 : i32 to vector<16xi32>
      %add3A_542 = arith.addi %add3A_329, %add3A_541 : vector<16xi32>
      %gather3A_543 = tpu.vector_load_idx %arg9[%add3A_542] : memref<20480xf32, #tpu.memory_space<vmem>>[vector<16xi32>], vector<16xf32>,
      %gather3A_544 = tpu.vector_load_idx %arg10[%add3A_542] : memref<20480xf32, #tpu.memory_space<vmem>>[vector<16xi32>], vector<16xf32>,
      %add3A_545 = arith.addf %gather3A_543, %gather3A_544 : vector<16xf32>
      %max3A_546 = arith.constant 0.000000e+00 : f32
      %max3A_547 = vector.broadcast %max3A_546 : f32 to vector<16xf32>
      %max3A_548 = arith.maximumf %add3A_545, %max3A_547 : vector<16xf32>
      %mul3A_549 = arith.mulf %max3A_548, %get3A_79 : vector<16xf32>
      %add3A_550 = arith.addf %add3A_537, %mul3A_549 : vector<16xf32>
      %mul3A_551 = arith.mulf %max3A_548, %get3A_81 : vector<16xf32>
      %add3A_552 = arith.addf %add3A_539, %mul3A_551 : vector<16xf32>
      %add3A_553 = arith.constant 17 : i32
      %add3A_554 = vector.broadcast %add3A_553 : i32 to vector<16xi32>
      %add3A_555 = arith.addi %add3A_329, %add3A_554 : vector<16xi32>
      %gather3A_556 = tpu.vector_load_idx %arg9[%add3A_555] : memref<20480xf32, #tpu.memory_space<vmem>>[vector<16xi32>], vector<16xf32>,
      %gather3A_557 = tpu.vector_load_idx %arg10[%add3A_555] : memref<20480xf32, #tpu.memory_space<vmem>>[vector<16xi32>], vector<16xf32>,
      %add3A_558 = arith.addf %gather3A_556, %gather3A_557 : vector<16xf32>
      %max3A_559 = arith.constant 0.000000e+00 : f32
      %max3A_560 = vector.broadcast %max3A_559 : f32 to vector<16xf32>
      %max3A_561 = arith.maximumf %add3A_558, %max3A_560 : vector<16xf32>
      %mul3A_562 = arith.mulf %max3A_561, %get3A_83 : vector<16xf32>
      %add3A_563 = arith.addf %add3A_550, %mul3A_562 : vector<16xf32>
      %mul3A_564 = arith.mulf %max3A_561, %get3A_85 : vector<16xf32>
      %add3A_565 = arith.addf %add3A_552, %mul3A_564 : vector<16xf32>
      %add3A_566 = arith.constant 18 : i32
      %add3A_567 = vector.broadcast %add3A_566 : i32 to vector<16xi32>
      %add3A_568 = arith.addi %add3A_329, %add3A_567 : vector<16xi32>
      %gather3A_569 = tpu.vector_load_idx %arg9[%add3A_568] : memref<20480xf32, #tpu.memory_space<vmem>>[vector<16xi32>], vector<16xf32>,
      %gather3A_570 = tpu.vector_load_idx %arg10[%add3A_568] : memref<20480xf32, #tpu.memory_space<vmem>>[vector<16xi32>], vector<16xf32>,
      %add3A_571 = arith.addf %gather3A_569, %gather3A_570 : vector<16xf32>
      %max3A_572 = arith.constant 0.000000e+00 : f32
      %max3A_573 = vector.broadcast %max3A_572 : f32 to vector<16xf32>
      %max3A_574 = arith.maximumf %add3A_571, %max3A_573 : vector<16xf32>
      %mul3A_575 = arith.mulf %max3A_574, %get3A_87 : vector<16xf32>
      %add3A_576 = arith.addf %add3A_563, %mul3A_575 : vector<16xf32>
      %mul3A_577 = arith.mulf %max3A_574, %get3A_89 : vector<16xf32>
      %add3A_578 = arith.addf %add3A_565, %mul3A_577 : vector<16xf32>
      %add3A_579 = arith.constant 19 : i32
      %add3A_580 = vector.broadcast %add3A_579 : i32 to vector<16xi32>
      %add3A_581 = arith.addi %add3A_329, %add3A_580 : vector<16xi32>
      %gather3A_582 = tpu.vector_load_idx %arg9[%add3A_581] : memref<20480xf32, #tpu.memory_space<vmem>>[vector<16xi32>], vector<16xf32>,
      %gather3A_583 = tpu.vector_load_idx %arg10[%add3A_581] : memref<20480xf32, #tpu.memory_space<vmem>>[vector<16xi32>], vector<16xf32>,
      %add3A_584 = arith.addf %gather3A_582, %gather3A_583 : vector<16xf32>
      %max3A_585 = arith.constant 0.000000e+00 : f32
      %max3A_586 = vector.broadcast %max3A_585 : f32 to vector<16xf32>
      %max3A_587 = arith.maximumf %add3A_584, %max3A_586 : vector<16xf32>
      %mul3A_588 = arith.mulf %max3A_587, %get3A_91 : vector<16xf32>
      %add3A_589 = arith.addf %add3A_576, %mul3A_588 : vector<16xf32>
      %mul3A_590 = arith.mulf %max3A_587, %get3A_93 : vector<16xf32>
      %add3A_591 = arith.addf %add3A_578, %mul3A_590 : vector<16xf32>
      %add3A_592 = arith.constant 20 : i32
      %add3A_593 = vector.broadcast %add3A_592 : i32 to vector<16xi32>
      %add3A_594 = arith.addi %add3A_329, %add3A_593 : vector<16xi32>
      %gather3A_595 = tpu.vector_load_idx %arg9[%add3A_594] : memref<20480xf32, #tpu.memory_space<vmem>>[vector<16xi32>], vector<16xf32>,
      %gather3A_596 = tpu.vector_load_idx %arg10[%add3A_594] : memref<20480xf32, #tpu.memory_space<vmem>>[vector<16xi32>], vector<16xf32>,
      %add3A_597 = arith.addf %gather3A_595, %gather3A_596 : vector<16xf32>
      %max3A_598 = arith.constant 0.000000e+00 : f32
      %max3A_599 = vector.broadcast %max3A_598 : f32 to vector<16xf32>
      %max3A_600 = arith.maximumf %add3A_597, %max3A_599 : vector<16xf32>
      %mul3A_601 = arith.mulf %max3A_600, %get3A_95 : vector<16xf32>
      %add3A_602 = arith.addf %add3A_589, %mul3A_601 : vector<16xf32>
      %mul3A_603 = arith.mulf %max3A_600, %get3A_97 : vector<16xf32>
      %add3A_604 = arith.addf %add3A_591, %mul3A_603 : vector<16xf32>
      %add3A_605 = arith.constant 21 : i32
      %add3A_606 = vector.broadcast %add3A_605 : i32 to vector<16xi32>
      %add3A_607 = arith.addi %add3A_329, %add3A_606 : vector<16xi32>
      %gather3A_608 = tpu.vector_load_idx %arg9[%add3A_607] : memref<20480xf32, #tpu.memory_space<vmem>>[vector<16xi32>], vector<16xf32>,
      %gather3A_609 = tpu.vector_load_idx %arg10[%add3A_607] : memref<20480xf32, #tpu.memory_space<vmem>>[vector<16xi32>], vector<16xf32>,
      %add3A_610 = arith.addf %gather3A_608, %gather3A_609 : vector<16xf32>
      %max3A_611 = arith.constant 0.000000e+00 : f32
      %max3A_612 = vector.broadcast %max3A_611 : f32 to vector<16xf32>
      %max3A_613 = arith.maximumf %add3A_610, %max3A_612 : vector<16xf32>
      %mul3A_614 = arith.mulf %max3A_613, %get3A_99 : vector<16xf32>
      %add3A_615 = arith.addf %add3A_602, %mul3A_614 : vector<16xf32>
      %mul3A_616 = arith.mulf %max3A_613, %get3A_101 : vector<16xf32>
      %add3A_617 = arith.addf %add3A_604, %mul3A_616 : vector<16xf32>
      %add3A_618 = arith.constant 22 : i32
      %add3A_619 = vector.broadcast %add3A_618 : i32 to vector<16xi32>
      %add3A_620 = arith.addi %add3A_329, %add3A_619 : vector<16xi32>
      %gather3A_621 = tpu.vector_load_idx %arg9[%add3A_620] : memref<20480xf32, #tpu.memory_space<vmem>>[vector<16xi32>], vector<16xf32>,
      %gather3A_622 = tpu.vector_load_idx %arg10[%add3A_620] : memref<20480xf32, #tpu.memory_space<vmem>>[vector<16xi32>], vector<16xf32>,
      %add3A_623 = arith.addf %gather3A_621, %gather3A_622 : vector<16xf32>
      %max3A_624 = arith.constant 0.000000e+00 : f32
      %max3A_625 = vector.broadcast %max3A_624 : f32 to vector<16xf32>
      %max3A_626 = arith.maximumf %add3A_623, %max3A_625 : vector<16xf32>
      %mul3A_627 = arith.mulf %max3A_626, %get3A_103 : vector<16xf32>
      %add3A_628 = arith.addf %add3A_615, %mul3A_627 : vector<16xf32>
      %mul3A_629 = arith.mulf %max3A_626, %get3A_105 : vector<16xf32>
      %add3A_630 = arith.addf %add3A_617, %mul3A_629 : vector<16xf32>
      %add3A_631 = arith.constant 23 : i32
      %add3A_632 = vector.broadcast %add3A_631 : i32 to vector<16xi32>
      %add3A_633 = arith.addi %add3A_329, %add3A_632 : vector<16xi32>
      %gather3A_634 = tpu.vector_load_idx %arg9[%add3A_633] : memref<20480xf32, #tpu.memory_space<vmem>>[vector<16xi32>], vector<16xf32>,
      %gather3A_635 = tpu.vector_load_idx %arg10[%add3A_633] : memref<20480xf32, #tpu.memory_space<vmem>>[vector<16xi32>], vector<16xf32>,
      %add3A_636 = arith.addf %gather3A_634, %gather3A_635 : vector<16xf32>
      %max3A_637 = arith.constant 0.000000e+00 : f32
      %max3A_638 = vector.broadcast %max3A_637 : f32 to vector<16xf32>
      %max3A_639 = arith.maximumf %add3A_636, %max3A_638 : vector<16xf32>
      %mul3A_640 = arith.mulf %max3A_639, %get3A_107 : vector<16xf32>
      %add3A_641 = arith.addf %add3A_628, %mul3A_640 : vector<16xf32>
      %mul3A_642 = arith.mulf %max3A_639, %get3A_109 : vector<16xf32>
      %add3A_643 = arith.addf %add3A_630, %mul3A_642 : vector<16xf32>
      %add3A_644 = arith.constant 24 : i32
      %add3A_645 = vector.broadcast %add3A_644 : i32 to vector<16xi32>
      %add3A_646 = arith.addi %add3A_329, %add3A_645 : vector<16xi32>
      %gather3A_647 = tpu.vector_load_idx %arg9[%add3A_646] : memref<20480xf32, #tpu.memory_space<vmem>>[vector<16xi32>], vector<16xf32>,
      %gather3A_648 = tpu.vector_load_idx %arg10[%add3A_646] : memref<20480xf32, #tpu.memory_space<vmem>>[vector<16xi32>], vector<16xf32>,
      %add3A_649 = arith.addf %gather3A_647, %gather3A_648 : vector<16xf32>
      %max3A_650 = arith.constant 0.000000e+00 : f32
      %max3A_651 = vector.broadcast %max3A_650 : f32 to vector<16xf32>
      %max3A_652 = arith.maximumf %add3A_649, %max3A_651 : vector<16xf32>
      %mul3A_653 = arith.mulf %max3A_652, %get3A_111 : vector<16xf32>
      %add3A_654 = arith.addf %add3A_641, %mul3A_653 : vector<16xf32>
      %mul3A_655 = arith.mulf %max3A_652, %get3A_113 : vector<16xf32>
      %add3A_656 = arith.addf %add3A_643, %mul3A_655 : vector<16xf32>
      %add3A_657 = arith.constant 25 : i32
      %add3A_658 = vector.broadcast %add3A_657 : i32 to vector<16xi32>
      %add3A_659 = arith.addi %add3A_329, %add3A_658 : vector<16xi32>
      %gather3A_660 = tpu.vector_load_idx %arg9[%add3A_659] : memref<20480xf32, #tpu.memory_space<vmem>>[vector<16xi32>], vector<16xf32>,
      %gather3A_661 = tpu.vector_load_idx %arg10[%add3A_659] : memref<20480xf32, #tpu.memory_space<vmem>>[vector<16xi32>], vector<16xf32>,
      %add3A_662 = arith.addf %gather3A_660, %gather3A_661 : vector<16xf32>
      %max3A_663 = arith.constant 0.000000e+00 : f32
      %max3A_664 = vector.broadcast %max3A_663 : f32 to vector<16xf32>
      %max3A_665 = arith.maximumf %add3A_662, %max3A_664 : vector<16xf32>
      %mul3A_666 = arith.mulf %max3A_665, %get3A_115 : vector<16xf32>
      %add3A_667 = arith.addf %add3A_654, %mul3A_666 : vector<16xf32>
      %mul3A_668 = arith.mulf %max3A_665, %get3A_117 : vector<16xf32>
      %add3A_669 = arith.addf %add3A_656, %mul3A_668 : vector<16xf32>
      %add3A_670 = arith.constant 26 : i32
      %add3A_671 = vector.broadcast %add3A_670 : i32 to vector<16xi32>
      %add3A_672 = arith.addi %add3A_329, %add3A_671 : vector<16xi32>
      %gather3A_673 = tpu.vector_load_idx %arg9[%add3A_672] : memref<20480xf32, #tpu.memory_space<vmem>>[vector<16xi32>], vector<16xf32>,
      %gather3A_674 = tpu.vector_load_idx %arg10[%add3A_672] : memref<20480xf32, #tpu.memory_space<vmem>>[vector<16xi32>], vector<16xf32>,
      %add3A_675 = arith.addf %gather3A_673, %gather3A_674 : vector<16xf32>
      %max3A_676 = arith.constant 0.000000e+00 : f32
      %max3A_677 = vector.broadcast %max3A_676 : f32 to vector<16xf32>
      %max3A_678 = arith.maximumf %add3A_675, %max3A_677 : vector<16xf32>
      %mul3A_679 = arith.mulf %max3A_678, %get3A_119 : vector<16xf32>
      %add3A_680 = arith.addf %add3A_667, %mul3A_679 : vector<16xf32>
      %mul3A_681 = arith.mulf %max3A_678, %get3A_121 : vector<16xf32>
      %add3A_682 = arith.addf %add3A_669, %mul3A_681 : vector<16xf32>
      %add3A_683 = arith.constant 27 : i32
      %add3A_684 = vector.broadcast %add3A_683 : i32 to vector<16xi32>
      %add3A_685 = arith.addi %add3A_329, %add3A_684 : vector<16xi32>
      %gather3A_686 = tpu.vector_load_idx %arg9[%add3A_685] : memref<20480xf32, #tpu.memory_space<vmem>>[vector<16xi32>], vector<16xf32>,
      %gather3A_687 = tpu.vector_load_idx %arg10[%add3A_685] : memref<20480xf32, #tpu.memory_space<vmem>>[vector<16xi32>], vector<16xf32>,
      %add3A_688 = arith.addf %gather3A_686, %gather3A_687 : vector<16xf32>
      %max3A_689 = arith.constant 0.000000e+00 : f32
      %max3A_690 = vector.broadcast %max3A_689 : f32 to vector<16xf32>
      %max3A_691 = arith.maximumf %add3A_688, %max3A_690 : vector<16xf32>
      %mul3A_692 = arith.mulf %max3A_691, %get3A_123 : vector<16xf32>
      %add3A_693 = arith.addf %add3A_680, %mul3A_692 : vector<16xf32>
      %mul3A_694 = arith.mulf %max3A_691, %get3A_125 : vector<16xf32>
      %add3A_695 = arith.addf %add3A_682, %mul3A_694 : vector<16xf32>
      %add3A_696 = arith.constant 28 : i32
      %add3A_697 = vector.broadcast %add3A_696 : i32 to vector<16xi32>
      %add3A_698 = arith.addi %add3A_329, %add3A_697 : vector<16xi32>
      %gather3A_699 = tpu.vector_load_idx %arg9[%add3A_698] : memref<20480xf32, #tpu.memory_space<vmem>>[vector<16xi32>], vector<16xf32>,
      %gather3A_700 = tpu.vector_load_idx %arg10[%add3A_698] : memref<20480xf32, #tpu.memory_space<vmem>>[vector<16xi32>], vector<16xf32>,
      %add3A_701 = arith.addf %gather3A_699, %gather3A_700 : vector<16xf32>
      %max3A_702 = arith.constant 0.000000e+00 : f32
      %max3A_703 = vector.broadcast %max3A_702 : f32 to vector<16xf32>
      %max3A_704 = arith.maximumf %add3A_701, %max3A_703 : vector<16xf32>
      %mul3A_705 = arith.mulf %max3A_704, %get3A_127 : vector<16xf32>
      %add3A_706 = arith.addf %add3A_693, %mul3A_705 : vector<16xf32>
      %mul3A_707 = arith.mulf %max3A_704, %get3A_129 : vector<16xf32>
      %add3A_708 = arith.addf %add3A_695, %mul3A_707 : vector<16xf32>
      %add3A_709 = arith.constant 29 : i32
      %add3A_710 = vector.broadcast %add3A_709 : i32 to vector<16xi32>
      %add3A_711 = arith.addi %add3A_329, %add3A_710 : vector<16xi32>
      %gather3A_712 = tpu.vector_load_idx %arg9[%add3A_711] : memref<20480xf32, #tpu.memory_space<vmem>>[vector<16xi32>], vector<16xf32>,
      %gather3A_713 = tpu.vector_load_idx %arg10[%add3A_711] : memref<20480xf32, #tpu.memory_space<vmem>>[vector<16xi32>], vector<16xf32>,
      %add3A_714 = arith.addf %gather3A_712, %gather3A_713 : vector<16xf32>
      %max3A_715 = arith.constant 0.000000e+00 : f32
      %max3A_716 = vector.broadcast %max3A_715 : f32 to vector<16xf32>
      %max3A_717 = arith.maximumf %add3A_714, %max3A_716 : vector<16xf32>
      %mul3A_718 = arith.mulf %max3A_717, %get3A_131 : vector<16xf32>
      %add3A_719 = arith.addf %add3A_706, %mul3A_718 : vector<16xf32>
      %mul3A_720 = arith.mulf %max3A_717, %get3A_133 : vector<16xf32>
      %add3A_721 = arith.addf %add3A_708, %mul3A_720 : vector<16xf32>
      %add3A_722 = arith.constant 30 : i32
      %add3A_723 = vector.broadcast %add3A_722 : i32 to vector<16xi32>
      %add3A_724 = arith.addi %add3A_329, %add3A_723 : vector<16xi32>
      %gather3A_725 = tpu.vector_load_idx %arg9[%add3A_724] : memref<20480xf32, #tpu.memory_space<vmem>>[vector<16xi32>], vector<16xf32>,
      %gather3A_726 = tpu.vector_load_idx %arg10[%add3A_724] : memref<20480xf32, #tpu.memory_space<vmem>>[vector<16xi32>], vector<16xf32>,
      %add3A_727 = arith.addf %gather3A_725, %gather3A_726 : vector<16xf32>
      %max3A_728 = arith.constant 0.000000e+00 : f32
      %max3A_729 = vector.broadcast %max3A_728 : f32 to vector<16xf32>
      %max3A_730 = arith.maximumf %add3A_727, %max3A_729 : vector<16xf32>
      %mul3A_731 = arith.mulf %max3A_730, %get3A_135 : vector<16xf32>
      %add3A_732 = arith.addf %add3A_719, %mul3A_731 : vector<16xf32>
      %mul3A_733 = arith.mulf %max3A_730, %get3A_137 : vector<16xf32>
      %add3A_734 = arith.addf %add3A_721, %mul3A_733 : vector<16xf32>
      %add3A_735 = arith.constant 31 : i32
      %add3A_736 = vector.broadcast %add3A_735 : i32 to vector<16xi32>
      %add3A_737 = arith.addi %add3A_329, %add3A_736 : vector<16xi32>
      %gather3A_738 = tpu.vector_load_idx %arg9[%add3A_737] : memref<20480xf32, #tpu.memory_space<vmem>>[vector<16xi32>], vector<16xf32>,
      %gather3A_739 = tpu.vector_load_idx %arg10[%add3A_737] : memref<20480xf32, #tpu.memory_space<vmem>>[vector<16xi32>], vector<16xf32>,
      %add3A_740 = arith.addf %gather3A_738, %gather3A_739 : vector<16xf32>
      %max3A_741 = arith.constant 0.000000e+00 : f32
      %max3A_742 = vector.broadcast %max3A_741 : f32 to vector<16xf32>
      %max3A_743 = arith.maximumf %add3A_740, %max3A_742 : vector<16xf32>
      %mul3A_744 = arith.mulf %max3A_743, %get3A_139 : vector<16xf32>
      %add3A_745 = arith.addf %add3A_732, %mul3A_744 : vector<16xf32>
      %mul3A_746 = arith.mulf %max3A_743, %get3A_141 : vector<16xf32>
      %add3A_747 = arith.addf %add3A_734, %mul3A_746 : vector<16xf32>
      %mul3A_748 = arith.constant 16 : i32
      %mul3A_749 = arith.muli %scan3A_322, %mul3A_748 : i32
      %add3A_750 = vector.broadcast %mul3A_749 : i32 to vector<16xi32>
      %add3A_751 = arith.addi %add3A_750, %iota3A : vector<16xi32>
      tpu.vector_store_idx %arg12[%add3A_751], %add3A_745 : memref<640xf32, #tpu.memory_space<vmem>>[vector<16xi32>], vector<16xf32>,
      tpu.vector_store_idx %arg13[%add3A_751], %add3A_747 : memref<640xf32, #tpu.memory_space<vmem>>[vector<16xi32>], vector<16xf32>,
    }
    %scan3A_146 = arith.constant 40 : i32
    "tpu.region"() ({
      %run_scoped3A_322 = tpu.sem_alloc : memref<!tpu.dma_semaphore, #tpu.memory_space<semaphore_mem>>
      %dma_start3A_323 = tpu.memref_slice %arg30[%mul3A_2] : memref<10240xf32, #tpu.memory_space<vmem_shared>> -> memref<640xf32, #tpu.memory_space<vmem_shared>>
      %dma_start3A_324 = tpu.memref_slice %arg30[%mul3A_2] : memref<10240xf32, #tpu.memory_space<vmem_shared>> -> memref<640xf32, #tpu.memory_space<vmem_shared>>
      tpu.enqueue_dma source(%arg12 : memref<640xf32, #tpu.memory_space<vmem>>) target(%dma_start3A_324 : memref<640xf32, #tpu.memory_space<vmem_shared>>) target_semaphore(%run_scoped3A_322 : memref<!tpu.dma_semaphore, #tpu.memory_space<semaphore_mem>>)
      %dma_wait3A_325 = tpu.memref_slice %arg30[%mul3A_2] : memref<10240xf32, #tpu.memory_space<vmem_shared>> -> memref<640xf32, #tpu.memory_space<vmem_shared>>
      %dma_wait3A_326 = tpu.memref_slice %arg30[%mul3A_2] : memref<10240xf32, #tpu.memory_space<vmem_shared>> -> memref<640xf32, #tpu.memory_space<vmem_shared>>
      tpu.wait_dma2 semaphore(%run_scoped3A_322 : memref<!tpu.dma_semaphore, #tpu.memory_space<semaphore_mem>>) src(%arg12 : memref<640xf32, #tpu.memory_space<vmem>>) dst(%dma_wait3A_326 : memref<640xf32, #tpu.memory_space<vmem_shared>>)
      tpu.yield
    }) : () -> ()
    "tpu.region"() ({
      %run_scoped3A_322 = tpu.sem_alloc : memref<!tpu.dma_semaphore, #tpu.memory_space<semaphore_mem>>
      %dma_start3A_323 = tpu.memref_slice %arg31[%mul3A_2] : memref<10240xf32, #tpu.memory_space<vmem_shared>> -> memref<640xf32, #tpu.memory_space<vmem_shared>>
      %dma_start3A_324 = tpu.memref_slice %arg31[%mul3A_2] : memref<10240xf32, #tpu.memory_space<vmem_shared>> -> memref<640xf32, #tpu.memory_space<vmem_shared>>
      tpu.enqueue_dma source(%arg13 : memref<640xf32, #tpu.memory_space<vmem>>) target(%dma_start3A_324 : memref<640xf32, #tpu.memory_space<vmem_shared>>) target_semaphore(%run_scoped3A_322 : memref<!tpu.dma_semaphore, #tpu.memory_space<semaphore_mem>>)
      %dma_wait3A_325 = tpu.memref_slice %arg31[%mul3A_2] : memref<10240xf32, #tpu.memory_space<vmem_shared>> -> memref<640xf32, #tpu.memory_space<vmem_shared>>
      %dma_wait3A_326 = tpu.memref_slice %arg31[%mul3A_2] : memref<10240xf32, #tpu.memory_space<vmem_shared>> -> memref<640xf32, #tpu.memory_space<vmem_shared>>
      tpu.wait_dma2 semaphore(%run_scoped3A_322 : memref<!tpu.dma_semaphore, #tpu.memory_space<semaphore_mem>>) src(%arg13 : memref<640xf32, #tpu.memory_space<vmem>>) dst(%dma_wait3A_326 : memref<640xf32, #tpu.memory_space<vmem_shared>>)
      tpu.yield
    }) : () -> ()
    %barrier3A = arith.constant 0 : index
    tpu.barrier barrier_id(%barrier3A)
    %dma_start3A = arith.constant 0 : i32
    %dma_start3A_147 = arith.constant 0 : i32
    %dma_start3A_148 = tpu.memref_slice %arg7[%dma_start3A, %dma_start3A_147] : memref<79x128xi32, #tpu.memory_space<vmem>> -> memref<1x128xi32, #tpu.memory_space<vmem>>
    %dma_start3A_149 = tpu.memref_squeeze %dma_start3A_148 : memref<1x128xi32, #tpu.memory_space<vmem>> -> memref<128xi32, #tpu.memory_space<vmem>>
    %dma_start3A_150 = arith.constant 0 : i32
    %dma_start3A_151 = tpu.memref_slice %arg30[%dma_start3A_150] : memref<10240xf32, #tpu.memory_space<vmem_shared>> -> memref<10240xf32, #tpu.memory_space<vmem_shared>>
    tpu.enqueue_indirect_dma source(%dma_start3A_151 : memref<10240xf32, #tpu.memory_space<vmem_shared>>) target(%arg14 : memref<128xf32, #tpu.memory_space<vmem>>) offsets(%dma_start3A_149 : memref<128xi32, #tpu.memory_space<vmem>>) semaphore(%arg22 : memref<!tpu.dma_semaphore, #tpu.memory_space<semaphore_mem>>)
    %dma_start3A_152 = arith.constant 0 : i32
    %dma_start3A_153 = arith.constant 0 : i32
    %dma_start3A_154 = tpu.memref_slice %arg7[%dma_start3A_152, %dma_start3A_153] : memref<79x128xi32, #tpu.memory_space<vmem>> -> memref<1x128xi32, #tpu.memory_space<vmem>>
    %dma_start3A_155 = tpu.memref_squeeze %dma_start3A_154 : memref<1x128xi32, #tpu.memory_space<vmem>> -> memref<128xi32, #tpu.memory_space<vmem>>
    %dma_start3A_156 = arith.constant 0 : i32
    %dma_start3A_157 = tpu.memref_slice %arg31[%dma_start3A_156] : memref<10240xf32, #tpu.memory_space<vmem_shared>> -> memref<10240xf32, #tpu.memory_space<vmem_shared>>
    tpu.enqueue_indirect_dma source(%dma_start3A_157 : memref<10240xf32, #tpu.memory_space<vmem_shared>>) target(%arg18 : memref<128xf32, #tpu.memory_space<vmem>>) offsets(%dma_start3A_155 : memref<128xi32, #tpu.memory_space<vmem>>) semaphore(%arg22 : memref<!tpu.dma_semaphore, #tpu.memory_space<semaphore_mem>>)
    %dma_start3A_158 = arith.constant 1 : i32
    %dma_start3A_159 = arith.constant 0 : i32
    %dma_start3A_160 = tpu.memref_slice %arg7[%dma_start3A_158, %dma_start3A_159] : memref<79x128xi32, #tpu.memory_space<vmem>> -> memref<1x128xi32, #tpu.memory_space<vmem>>
    %dma_start3A_161 = tpu.memref_squeeze %dma_start3A_160 : memref<1x128xi32, #tpu.memory_space<vmem>> -> memref<128xi32, #tpu.memory_space<vmem>>
    %dma_start3A_162 = arith.constant 0 : i32
    %dma_start3A_163 = tpu.memref_slice %arg30[%dma_start3A_162] : memref<10240xf32, #tpu.memory_space<vmem_shared>> -> memref<10240xf32, #tpu.memory_space<vmem_shared>>
    tpu.enqueue_indirect_dma source(%dma_start3A_163 : memref<10240xf32, #tpu.memory_space<vmem_shared>>) target(%arg15 : memref<128xf32, #tpu.memory_space<vmem>>) offsets(%dma_start3A_161 : memref<128xi32, #tpu.memory_space<vmem>>) semaphore(%arg23 : memref<!tpu.dma_semaphore, #tpu.memory_space<semaphore_mem>>)
    %dma_start3A_164 = arith.constant 1 : i32
    %dma_start3A_165 = arith.constant 0 : i32
    %dma_start3A_166 = tpu.memref_slice %arg7[%dma_start3A_164, %dma_start3A_165] : memref<79x128xi32, #tpu.memory_space<vmem>> -> memref<1x128xi32, #tpu.memory_space<vmem>>
    %dma_start3A_167 = tpu.memref_squeeze %dma_start3A_166 : memref<1x128xi32, #tpu.memory_space<vmem>> -> memref<128xi32, #tpu.memory_space<vmem>>
    %dma_start3A_168 = arith.constant 0 : i32
    %dma_start3A_169 = tpu.memref_slice %arg31[%dma_start3A_168] : memref<10240xf32, #tpu.memory_space<vmem_shared>> -> memref<10240xf32, #tpu.memory_space<vmem_shared>>
    tpu.enqueue_indirect_dma source(%dma_start3A_169 : memref<10240xf32, #tpu.memory_space<vmem_shared>>) target(%arg19 : memref<128xf32, #tpu.memory_space<vmem>>) offsets(%dma_start3A_167 : memref<128xi32, #tpu.memory_space<vmem>>) semaphore(%arg23 : memref<!tpu.dma_semaphore, #tpu.memory_space<semaphore_mem>>)
    %scan3A_170 = arith.constant 0 : i32
    %scan3A_171 = arith.constant 0 : i32
    %scan3A_172 = arith.constant 19 : i32
    %scan3A_173 = arith.addi %scan3A_171, %scan3A_172 : i32
    %scan3A_174 = arith.constant 1 : i32
    scf.for %scan3A_322 = %scan3A_171 to %scan3A_173 step %scan3A_174  : i32 {
      %mul3A_323 = arith.constant 4 : i32
      %mul3A_324 = arith.muli %scan3A_322, %mul3A_323 : i32
      %add3A_325 = arith.constant 0 : i32
      %add3A_326 = arith.addi %mul3A_324, %add3A_325 : i32
      %dma_wait3A_327 = arith.constant 0 : i32
      %dma_wait3A_328 = tpu.memref_slice %arg7[%add3A_326, %dma_wait3A_327] : memref<79x128xi32, #tpu.memory_space<vmem>> -> memref<1x128xi32, #tpu.memory_space<vmem>>
      %dma_wait3A_329 = tpu.memref_squeeze %dma_wait3A_328 : memref<1x128xi32, #tpu.memory_space<vmem>> -> memref<128xi32, #tpu.memory_space<vmem>>
      %dma_wait3A_330 = arith.constant 0 : i32
      %dma_wait3A_331 = tpu.memref_slice %arg30[%dma_wait3A_330] : memref<10240xf32, #tpu.memory_space<vmem_shared>> -> memref<10240xf32, #tpu.memory_space<vmem_shared>>
      tpu.wait_indirect_dma semaphore(%arg22 : memref<!tpu.dma_semaphore, #tpu.memory_space<semaphore_mem>>) src(%dma_wait3A_331 : memref<10240xf32, #tpu.memory_space<vmem_shared>>) dst(%arg14 : memref<128xf32, #tpu.memory_space<vmem>>)
      %dma_wait3A_332 = arith.constant 0 : i32
      %dma_wait3A_333 = tpu.memref_slice %arg7[%add3A_326, %dma_wait3A_332] : memref<79x128xi32, #tpu.memory_space<vmem>> -> memref<1x128xi32, #tpu.memory_space<vmem>>
      %dma_wait3A_334 = tpu.memref_squeeze %dma_wait3A_333 : memref<1x128xi32, #tpu.memory_space<vmem>> -> memref<128xi32, #tpu.memory_space<vmem>>
      %dma_wait3A_335 = arith.constant 0 : i32
      %dma_wait3A_336 = tpu.memref_slice %arg31[%dma_wait3A_335] : memref<10240xf32, #tpu.memory_space<vmem_shared>> -> memref<10240xf32, #tpu.memory_space<vmem_shared>>
      tpu.wait_indirect_dma semaphore(%arg22 : memref<!tpu.dma_semaphore, #tpu.memory_space<semaphore_mem>>) src(%dma_wait3A_336 : memref<10240xf32, #tpu.memory_space<vmem_shared>>) dst(%arg18 : memref<128xf32, #tpu.memory_space<vmem>>)
      %dma_start3A_337 = arith.constant 0 : i32
      %dma_start3A_338 = tpu.memref_slice %arg8[%add3A_326, %dma_start3A_337] : memref<79x128xi32, #tpu.memory_space<vmem>> -> memref<1x128xi32, #tpu.memory_space<vmem>>
      %dma_start3A_339 = tpu.memref_squeeze %dma_start3A_338 : memref<1x128xi32, #tpu.memory_space<vmem>> -> memref<128xi32, #tpu.memory_space<vmem>>
      %dma_start3A_340 = arith.constant 0 : i32
      %dma_start3A_341 = tpu.memref_slice %arg32[%dma_start3A_340] : memref<10240xf32, #tpu.memory_space<vmem_shared>> -> memref<10240xf32, #tpu.memory_space<vmem_shared>>
      tpu.enqueue_indirect_dma source(%arg14 : memref<128xf32, #tpu.memory_space<vmem>>) target(%dma_start3A_341 : memref<10240xf32, #tpu.memory_space<vmem_shared>>) offsets(%dma_start3A_339 : memref<128xi32, #tpu.memory_space<vmem>>) semaphore(%arg26 : memref<!tpu.dma_semaphore, #tpu.memory_space<semaphore_mem>>) {add = true}
      %dma_start3A_342 = arith.constant 0 : i32
      %dma_start3A_343 = tpu.memref_slice %arg8[%add3A_326, %dma_start3A_342] : memref<79x128xi32, #tpu.memory_space<vmem>> -> memref<1x128xi32, #tpu.memory_space<vmem>>
      %dma_start3A_344 = tpu.memref_squeeze %dma_start3A_343 : memref<1x128xi32, #tpu.memory_space<vmem>> -> memref<128xi32, #tpu.memory_space<vmem>>
      %dma_start3A_345 = arith.constant 0 : i32
      %dma_start3A_346 = tpu.memref_slice %arg33[%dma_start3A_345] : memref<10240xf32, #tpu.memory_space<vmem_shared>> -> memref<10240xf32, #tpu.memory_space<vmem_shared>>
      tpu.enqueue_indirect_dma source(%arg18 : memref<128xf32, #tpu.memory_space<vmem>>) target(%dma_start3A_346 : memref<10240xf32, #tpu.memory_space<vmem_shared>>) offsets(%dma_start3A_344 : memref<128xi32, #tpu.memory_space<vmem>>) semaphore(%arg26 : memref<!tpu.dma_semaphore, #tpu.memory_space<semaphore_mem>>) {add = true}
      %add3A_347 = arith.constant 2 : i32
      %add3A_348 = arith.addi %add3A_326, %add3A_347 : i32
      %lt3A = arith.constant 79 : i32
      %lt3A_349 = arith.cmpi slt, %add3A_348, %lt3A : i32
      %convert_element_type3A = arith.extui %lt3A_349 : i1 to i32
      %cond3A = arith.constant 0 : i32
      %cond3A_350 = arith.cmpi ne, %convert_element_type3A, %cond3A : i32
      scf.if %cond3A_350 {
        %ge3A = arith.constant 2 : i32
        %ge3A_444 = arith.cmpi sge, %add3A_326, %ge3A : i32
        %convert_element_type3A_445 = arith.extui %ge3A_444 : i1 to i32
        %cond3A_446 = arith.constant 0 : i32
        %cond3A_447 = arith.cmpi ne, %convert_element_type3A_445, %cond3A_446 : i32
        scf.if %cond3A_447 {
          %sub3A = arith.constant 2 : i32
          %sub3A_460 = arith.subi %add3A_326, %sub3A : i32
          %dma_wait3A_461 = arith.constant 0 : i32
          %dma_wait3A_462 = tpu.memref_slice %arg8[%sub3A_460, %dma_wait3A_461] : memref<79x128xi32, #tpu.memory_space<vmem>> -> memref<1x128xi32, #tpu.memory_space<vmem>>
          %dma_wait3A_463 = tpu.memref_squeeze %dma_wait3A_462 : memref<1x128xi32, #tpu.memory_space<vmem>> -> memref<128xi32, #tpu.memory_space<vmem>>
          %dma_wait3A_464 = arith.constant 0 : i32
          %dma_wait3A_465 = tpu.memref_slice %arg32[%dma_wait3A_464] : memref<10240xf32, #tpu.memory_space<vmem_shared>> -> memref<10240xf32, #tpu.memory_space<vmem_shared>>
          tpu.wait_indirect_dma semaphore(%arg28 : memref<!tpu.dma_semaphore, #tpu.memory_space<semaphore_mem>>) src(%arg16 : memref<128xf32, #tpu.memory_space<vmem>>) dst(%dma_wait3A_465 : memref<10240xf32, #tpu.memory_space<vmem_shared>>)
          %dma_wait3A_466 = arith.constant 0 : i32
          %dma_wait3A_467 = tpu.memref_slice %arg8[%sub3A_460, %dma_wait3A_466] : memref<79x128xi32, #tpu.memory_space<vmem>> -> memref<1x128xi32, #tpu.memory_space<vmem>>
          %dma_wait3A_468 = tpu.memref_squeeze %dma_wait3A_467 : memref<1x128xi32, #tpu.memory_space<vmem>> -> memref<128xi32, #tpu.memory_space<vmem>>
          %dma_wait3A_469 = arith.constant 0 : i32
          %dma_wait3A_470 = tpu.memref_slice %arg33[%dma_wait3A_469] : memref<10240xf32, #tpu.memory_space<vmem_shared>> -> memref<10240xf32, #tpu.memory_space<vmem_shared>>
          tpu.wait_indirect_dma semaphore(%arg28 : memref<!tpu.dma_semaphore, #tpu.memory_space<semaphore_mem>>) src(%arg20 : memref<128xf32, #tpu.memory_space<vmem>>) dst(%dma_wait3A_470 : memref<10240xf32, #tpu.memory_space<vmem_shared>>)
        } else {
        }
        %add3A_448 = arith.constant 2 : i32
        %add3A_449 = arith.addi %add3A_326, %add3A_448 : i32
        %dma_start3A_450 = arith.constant 0 : i32
        %dma_start3A_451 = tpu.memref_slice %arg7[%add3A_449, %dma_start3A_450] : memref<79x128xi32, #tpu.memory_space<vmem>> -> memref<1x128xi32, #tpu.memory_space<vmem>>
        %dma_start3A_452 = tpu.memref_squeeze %dma_start3A_451 : memref<1x128xi32, #tpu.memory_space<vmem>> -> memref<128xi32, #tpu.memory_space<vmem>>
        %dma_start3A_453 = arith.constant 0 : i32
        %dma_start3A_454 = tpu.memref_slice %arg30[%dma_start3A_453] : memref<10240xf32, #tpu.memory_space<vmem_shared>> -> memref<10240xf32, #tpu.memory_space<vmem_shared>>
        tpu.enqueue_indirect_dma source(%dma_start3A_454 : memref<10240xf32, #tpu.memory_space<vmem_shared>>) target(%arg16 : memref<128xf32, #tpu.memory_space<vmem>>) offsets(%dma_start3A_452 : memref<128xi32, #tpu.memory_space<vmem>>) semaphore(%arg24 : memref<!tpu.dma_semaphore, #tpu.memory_space<semaphore_mem>>)
        %dma_start3A_455 = arith.constant 0 : i32
        %dma_start3A_456 = tpu.memref_slice %arg7[%add3A_449, %dma_start3A_455] : memref<79x128xi32, #tpu.memory_space<vmem>> -> memref<1x128xi32, #tpu.memory_space<vmem>>
        %dma_start3A_457 = tpu.memref_squeeze %dma_start3A_456 : memref<1x128xi32, #tpu.memory_space<vmem>> -> memref<128xi32, #tpu.memory_space<vmem>>
        %dma_start3A_458 = arith.constant 0 : i32
        %dma_start3A_459 = tpu.memref_slice %arg31[%dma_start3A_458] : memref<10240xf32, #tpu.memory_space<vmem_shared>> -> memref<10240xf32, #tpu.memory_space<vmem_shared>>
        tpu.enqueue_indirect_dma source(%dma_start3A_459 : memref<10240xf32, #tpu.memory_space<vmem_shared>>) target(%arg20 : memref<128xf32, #tpu.memory_space<vmem>>) offsets(%dma_start3A_457 : memref<128xi32, #tpu.memory_space<vmem>>) semaphore(%arg24 : memref<!tpu.dma_semaphore, #tpu.memory_space<semaphore_mem>>)
      } else {
      }
      %mul3A_351 = arith.constant 4 : i32
      %mul3A_352 = arith.muli %scan3A_322, %mul3A_351 : i32
      %add3A_353 = arith.constant 1 : i32
      %add3A_354 = arith.addi %mul3A_352, %add3A_353 : i32
      %dma_wait3A_355 = arith.constant 0 : i32
      %dma_wait3A_356 = tpu.memref_slice %arg7[%add3A_354, %dma_wait3A_355] : memref<79x128xi32, #tpu.memory_space<vmem>> -> memref<1x128xi32, #tpu.memory_space<vmem>>
      %dma_wait3A_357 = tpu.memref_squeeze %dma_wait3A_356 : memref<1x128xi32, #tpu.memory_space<vmem>> -> memref<128xi32, #tpu.memory_space<vmem>>
      %dma_wait3A_358 = arith.constant 0 : i32
      %dma_wait3A_359 = tpu.memref_slice %arg30[%dma_wait3A_358] : memref<10240xf32, #tpu.memory_space<vmem_shared>> -> memref<10240xf32, #tpu.memory_space<vmem_shared>>
      tpu.wait_indirect_dma semaphore(%arg23 : memref<!tpu.dma_semaphore, #tpu.memory_space<semaphore_mem>>) src(%dma_wait3A_359 : memref<10240xf32, #tpu.memory_space<vmem_shared>>) dst(%arg15 : memref<128xf32, #tpu.memory_space<vmem>>)
      %dma_wait3A_360 = arith.constant 0 : i32
      %dma_wait3A_361 = tpu.memref_slice %arg7[%add3A_354, %dma_wait3A_360] : memref<79x128xi32, #tpu.memory_space<vmem>> -> memref<1x128xi32, #tpu.memory_space<vmem>>
      %dma_wait3A_362 = tpu.memref_squeeze %dma_wait3A_361 : memref<1x128xi32, #tpu.memory_space<vmem>> -> memref<128xi32, #tpu.memory_space<vmem>>
      %dma_wait3A_363 = arith.constant 0 : i32
      %dma_wait3A_364 = tpu.memref_slice %arg31[%dma_wait3A_363] : memref<10240xf32, #tpu.memory_space<vmem_shared>> -> memref<10240xf32, #tpu.memory_space<vmem_shared>>
      tpu.wait_indirect_dma semaphore(%arg23 : memref<!tpu.dma_semaphore, #tpu.memory_space<semaphore_mem>>) src(%dma_wait3A_364 : memref<10240xf32, #tpu.memory_space<vmem_shared>>) dst(%arg19 : memref<128xf32, #tpu.memory_space<vmem>>)
      %dma_start3A_365 = arith.constant 0 : i32
      %dma_start3A_366 = tpu.memref_slice %arg8[%add3A_354, %dma_start3A_365] : memref<79x128xi32, #tpu.memory_space<vmem>> -> memref<1x128xi32, #tpu.memory_space<vmem>>
      %dma_start3A_367 = tpu.memref_squeeze %dma_start3A_366 : memref<1x128xi32, #tpu.memory_space<vmem>> -> memref<128xi32, #tpu.memory_space<vmem>>
      %dma_start3A_368 = arith.constant 0 : i32
      %dma_start3A_369 = tpu.memref_slice %arg32[%dma_start3A_368] : memref<10240xf32, #tpu.memory_space<vmem_shared>> -> memref<10240xf32, #tpu.memory_space<vmem_shared>>
      tpu.enqueue_indirect_dma source(%arg15 : memref<128xf32, #tpu.memory_space<vmem>>) target(%dma_start3A_369 : memref<10240xf32, #tpu.memory_space<vmem_shared>>) offsets(%dma_start3A_367 : memref<128xi32, #tpu.memory_space<vmem>>) semaphore(%arg27 : memref<!tpu.dma_semaphore, #tpu.memory_space<semaphore_mem>>) {add = true}
      %dma_start3A_370 = arith.constant 0 : i32
      %dma_start3A_371 = tpu.memref_slice %arg8[%add3A_354, %dma_start3A_370] : memref<79x128xi32, #tpu.memory_space<vmem>> -> memref<1x128xi32, #tpu.memory_space<vmem>>
      %dma_start3A_372 = tpu.memref_squeeze %dma_start3A_371 : memref<1x128xi32, #tpu.memory_space<vmem>> -> memref<128xi32, #tpu.memory_space<vmem>>
      %dma_start3A_373 = arith.constant 0 : i32
      %dma_start3A_374 = tpu.memref_slice %arg33[%dma_start3A_373] : memref<10240xf32, #tpu.memory_space<vmem_shared>> -> memref<10240xf32, #tpu.memory_space<vmem_shared>>
      tpu.enqueue_indirect_dma source(%arg19 : memref<128xf32, #tpu.memory_space<vmem>>) target(%dma_start3A_374 : memref<10240xf32, #tpu.memory_space<vmem_shared>>) offsets(%dma_start3A_372 : memref<128xi32, #tpu.memory_space<vmem>>) semaphore(%arg27 : memref<!tpu.dma_semaphore, #tpu.memory_space<semaphore_mem>>) {add = true}
      %add3A_375 = arith.constant 2 : i32
      %add3A_376 = arith.addi %add3A_354, %add3A_375 : i32
      %lt3A_377 = arith.constant 79 : i32
      %lt3A_378 = arith.cmpi slt, %add3A_376, %lt3A_377 : i32
      %convert_element_type3A_379 = arith.extui %lt3A_378 : i1 to i32
      %cond3A_380 = arith.constant 0 : i32
      %cond3A_381 = arith.cmpi ne, %convert_element_type3A_379, %cond3A_380 : i32
      scf.if %cond3A_381 {
        %ge3A = arith.constant 2 : i32
        %ge3A_444 = arith.cmpi sge, %add3A_354, %ge3A : i32
        %convert_element_type3A_445 = arith.extui %ge3A_444 : i1 to i32
        %cond3A_446 = arith.constant 0 : i32
        %cond3A_447 = arith.cmpi ne, %convert_element_type3A_445, %cond3A_446 : i32
        scf.if %cond3A_447 {
          %sub3A = arith.constant 2 : i32
          %sub3A_460 = arith.subi %add3A_354, %sub3A : i32
          %dma_wait3A_461 = arith.constant 0 : i32
          %dma_wait3A_462 = tpu.memref_slice %arg8[%sub3A_460, %dma_wait3A_461] : memref<79x128xi32, #tpu.memory_space<vmem>> -> memref<1x128xi32, #tpu.memory_space<vmem>>
          %dma_wait3A_463 = tpu.memref_squeeze %dma_wait3A_462 : memref<1x128xi32, #tpu.memory_space<vmem>> -> memref<128xi32, #tpu.memory_space<vmem>>
          %dma_wait3A_464 = arith.constant 0 : i32
          %dma_wait3A_465 = tpu.memref_slice %arg32[%dma_wait3A_464] : memref<10240xf32, #tpu.memory_space<vmem_shared>> -> memref<10240xf32, #tpu.memory_space<vmem_shared>>
          tpu.wait_indirect_dma semaphore(%arg29 : memref<!tpu.dma_semaphore, #tpu.memory_space<semaphore_mem>>) src(%arg17 : memref<128xf32, #tpu.memory_space<vmem>>) dst(%dma_wait3A_465 : memref<10240xf32, #tpu.memory_space<vmem_shared>>)
          %dma_wait3A_466 = arith.constant 0 : i32
          %dma_wait3A_467 = tpu.memref_slice %arg8[%sub3A_460, %dma_wait3A_466] : memref<79x128xi32, #tpu.memory_space<vmem>> -> memref<1x128xi32, #tpu.memory_space<vmem>>
          %dma_wait3A_468 = tpu.memref_squeeze %dma_wait3A_467 : memref<1x128xi32, #tpu.memory_space<vmem>> -> memref<128xi32, #tpu.memory_space<vmem>>
          %dma_wait3A_469 = arith.constant 0 : i32
          %dma_wait3A_470 = tpu.memref_slice %arg33[%dma_wait3A_469] : memref<10240xf32, #tpu.memory_space<vmem_shared>> -> memref<10240xf32, #tpu.memory_space<vmem_shared>>
          tpu.wait_indirect_dma semaphore(%arg29 : memref<!tpu.dma_semaphore, #tpu.memory_space<semaphore_mem>>) src(%arg21 : memref<128xf32, #tpu.memory_space<vmem>>) dst(%dma_wait3A_470 : memref<10240xf32, #tpu.memory_space<vmem_shared>>)
        } else {
        }
        %add3A_448 = arith.constant 2 : i32
        %add3A_449 = arith.addi %add3A_354, %add3A_448 : i32
        %dma_start3A_450 = arith.constant 0 : i32
        %dma_start3A_451 = tpu.memref_slice %arg7[%add3A_449, %dma_start3A_450] : memref<79x128xi32, #tpu.memory_space<vmem>> -> memref<1x128xi32, #tpu.memory_space<vmem>>
        %dma_start3A_452 = tpu.memref_squeeze %dma_start3A_451 : memref<1x128xi32, #tpu.memory_space<vmem>> -> memref<128xi32, #tpu.memory_space<vmem>>
        %dma_start3A_453 = arith.constant 0 : i32
        %dma_start3A_454 = tpu.memref_slice %arg30[%dma_start3A_453] : memref<10240xf32, #tpu.memory_space<vmem_shared>> -> memref<10240xf32, #tpu.memory_space<vmem_shared>>
        tpu.enqueue_indirect_dma source(%dma_start3A_454 : memref<10240xf32, #tpu.memory_space<vmem_shared>>) target(%arg17 : memref<128xf32, #tpu.memory_space<vmem>>) offsets(%dma_start3A_452 : memref<128xi32, #tpu.memory_space<vmem>>) semaphore(%arg25 : memref<!tpu.dma_semaphore, #tpu.memory_space<semaphore_mem>>)
        %dma_start3A_455 = arith.constant 0 : i32
        %dma_start3A_456 = tpu.memref_slice %arg7[%add3A_449, %dma_start3A_455] : memref<79x128xi32, #tpu.memory_space<vmem>> -> memref<1x128xi32, #tpu.memory_space<vmem>>
        %dma_start3A_457 = tpu.memref_squeeze %dma_start3A_456 : memref<1x128xi32, #tpu.memory_space<vmem>> -> memref<128xi32, #tpu.memory_space<vmem>>
        %dma_start3A_458 = arith.constant 0 : i32
        %dma_start3A_459 = tpu.memref_slice %arg31[%dma_start3A_458] : memref<10240xf32, #tpu.memory_space<vmem_shared>> -> memref<10240xf32, #tpu.memory_space<vmem_shared>>
        tpu.enqueue_indirect_dma source(%dma_start3A_459 : memref<10240xf32, #tpu.memory_space<vmem_shared>>) target(%arg21 : memref<128xf32, #tpu.memory_space<vmem>>) offsets(%dma_start3A_457 : memref<128xi32, #tpu.memory_space<vmem>>) semaphore(%arg25 : memref<!tpu.dma_semaphore, #tpu.memory_space<semaphore_mem>>)
      } else {
      }
      %mul3A_382 = arith.constant 4 : i32
      %mul3A_383 = arith.muli %scan3A_322, %mul3A_382 : i32
      %add3A_384 = arith.constant 2 : i32
      %add3A_385 = arith.addi %mul3A_383, %add3A_384 : i32
      %dma_wait3A_386 = arith.constant 0 : i32
      %dma_wait3A_387 = tpu.memref_slice %arg7[%add3A_385, %dma_wait3A_386] : memref<79x128xi32, #tpu.memory_space<vmem>> -> memref<1x128xi32, #tpu.memory_space<vmem>>
      %dma_wait3A_388 = tpu.memref_squeeze %dma_wait3A_387 : memref<1x128xi32, #tpu.memory_space<vmem>> -> memref<128xi32, #tpu.memory_space<vmem>>
      %dma_wait3A_389 = arith.constant 0 : i32
      %dma_wait3A_390 = tpu.memref_slice %arg30[%dma_wait3A_389] : memref<10240xf32, #tpu.memory_space<vmem_shared>> -> memref<10240xf32, #tpu.memory_space<vmem_shared>>
      tpu.wait_indirect_dma semaphore(%arg24 : memref<!tpu.dma_semaphore, #tpu.memory_space<semaphore_mem>>) src(%dma_wait3A_390 : memref<10240xf32, #tpu.memory_space<vmem_shared>>) dst(%arg16 : memref<128xf32, #tpu.memory_space<vmem>>)
      %dma_wait3A_391 = arith.constant 0 : i32
      %dma_wait3A_392 = tpu.memref_slice %arg7[%add3A_385, %dma_wait3A_391] : memref<79x128xi32, #tpu.memory_space<vmem>> -> memref<1x128xi32, #tpu.memory_space<vmem>>
      %dma_wait3A_393 = tpu.memref_squeeze %dma_wait3A_392 : memref<1x128xi32, #tpu.memory_space<vmem>> -> memref<128xi32, #tpu.memory_space<vmem>>
      %dma_wait3A_394 = arith.constant 0 : i32
      %dma_wait3A_395 = tpu.memref_slice %arg31[%dma_wait3A_394] : memref<10240xf32, #tpu.memory_space<vmem_shared>> -> memref<10240xf32, #tpu.memory_space<vmem_shared>>
      tpu.wait_indirect_dma semaphore(%arg24 : memref<!tpu.dma_semaphore, #tpu.memory_space<semaphore_mem>>) src(%dma_wait3A_395 : memref<10240xf32, #tpu.memory_space<vmem_shared>>) dst(%arg20 : memref<128xf32, #tpu.memory_space<vmem>>)
      %dma_start3A_396 = arith.constant 0 : i32
      %dma_start3A_397 = tpu.memref_slice %arg8[%add3A_385, %dma_start3A_396] : memref<79x128xi32, #tpu.memory_space<vmem>> -> memref<1x128xi32, #tpu.memory_space<vmem>>
      %dma_start3A_398 = tpu.memref_squeeze %dma_start3A_397 : memref<1x128xi32, #tpu.memory_space<vmem>> -> memref<128xi32, #tpu.memory_space<vmem>>
      %dma_start3A_399 = arith.constant 0 : i32
      %dma_start3A_400 = tpu.memref_slice %arg32[%dma_start3A_399] : memref<10240xf32, #tpu.memory_space<vmem_shared>> -> memref<10240xf32, #tpu.memory_space<vmem_shared>>
      tpu.enqueue_indirect_dma source(%arg16 : memref<128xf32, #tpu.memory_space<vmem>>) target(%dma_start3A_400 : memref<10240xf32, #tpu.memory_space<vmem_shared>>) offsets(%dma_start3A_398 : memref<128xi32, #tpu.memory_space<vmem>>) semaphore(%arg28 : memref<!tpu.dma_semaphore, #tpu.memory_space<semaphore_mem>>) {add = true}
      %dma_start3A_401 = arith.constant 0 : i32
      %dma_start3A_402 = tpu.memref_slice %arg8[%add3A_385, %dma_start3A_401] : memref<79x128xi32, #tpu.memory_space<vmem>> -> memref<1x128xi32, #tpu.memory_space<vmem>>
      %dma_start3A_403 = tpu.memref_squeeze %dma_start3A_402 : memref<1x128xi32, #tpu.memory_space<vmem>> -> memref<128xi32, #tpu.memory_space<vmem>>
      %dma_start3A_404 = arith.constant 0 : i32
      %dma_start3A_405 = tpu.memref_slice %arg33[%dma_start3A_404] : memref<10240xf32, #tpu.memory_space<vmem_shared>> -> memref<10240xf32, #tpu.memory_space<vmem_shared>>
      tpu.enqueue_indirect_dma source(%arg20 : memref<128xf32, #tpu.memory_space<vmem>>) target(%dma_start3A_405 : memref<10240xf32, #tpu.memory_space<vmem_shared>>) offsets(%dma_start3A_403 : memref<128xi32, #tpu.memory_space<vmem>>) semaphore(%arg28 : memref<!tpu.dma_semaphore, #tpu.memory_space<semaphore_mem>>) {add = true}
      %add3A_406 = arith.constant 2 : i32
      %add3A_407 = arith.addi %add3A_385, %add3A_406 : i32
      %lt3A_408 = arith.constant 79 : i32
      %lt3A_409 = arith.cmpi slt, %add3A_407, %lt3A_408 : i32
      %convert_element_type3A_410 = arith.extui %lt3A_409 : i1 to i32
      %cond3A_411 = arith.constant 0 : i32
      %cond3A_412 = arith.cmpi ne, %convert_element_type3A_410, %cond3A_411 : i32
      scf.if %cond3A_412 {
        %ge3A = arith.constant 2 : i32
        %ge3A_444 = arith.cmpi sge, %add3A_385, %ge3A : i32
        %convert_element_type3A_445 = arith.extui %ge3A_444 : i1 to i32
        %cond3A_446 = arith.constant 0 : i32
        %cond3A_447 = arith.cmpi ne, %convert_element_type3A_445, %cond3A_446 : i32
        scf.if %cond3A_447 {
          %sub3A = arith.constant 2 : i32
          %sub3A_460 = arith.subi %add3A_385, %sub3A : i32
          %dma_wait3A_461 = arith.constant 0 : i32
          %dma_wait3A_462 = tpu.memref_slice %arg8[%sub3A_460, %dma_wait3A_461] : memref<79x128xi32, #tpu.memory_space<vmem>> -> memref<1x128xi32, #tpu.memory_space<vmem>>
          %dma_wait3A_463 = tpu.memref_squeeze %dma_wait3A_462 : memref<1x128xi32, #tpu.memory_space<vmem>> -> memref<128xi32, #tpu.memory_space<vmem>>
          %dma_wait3A_464 = arith.constant 0 : i32
          %dma_wait3A_465 = tpu.memref_slice %arg32[%dma_wait3A_464] : memref<10240xf32, #tpu.memory_space<vmem_shared>> -> memref<10240xf32, #tpu.memory_space<vmem_shared>>
          tpu.wait_indirect_dma semaphore(%arg26 : memref<!tpu.dma_semaphore, #tpu.memory_space<semaphore_mem>>) src(%arg14 : memref<128xf32, #tpu.memory_space<vmem>>) dst(%dma_wait3A_465 : memref<10240xf32, #tpu.memory_space<vmem_shared>>)
          %dma_wait3A_466 = arith.constant 0 : i32
          %dma_wait3A_467 = tpu.memref_slice %arg8[%sub3A_460, %dma_wait3A_466] : memref<79x128xi32, #tpu.memory_space<vmem>> -> memref<1x128xi32, #tpu.memory_space<vmem>>
          %dma_wait3A_468 = tpu.memref_squeeze %dma_wait3A_467 : memref<1x128xi32, #tpu.memory_space<vmem>> -> memref<128xi32, #tpu.memory_space<vmem>>
          %dma_wait3A_469 = arith.constant 0 : i32
          %dma_wait3A_470 = tpu.memref_slice %arg33[%dma_wait3A_469] : memref<10240xf32, #tpu.memory_space<vmem_shared>> -> memref<10240xf32, #tpu.memory_space<vmem_shared>>
          tpu.wait_indirect_dma semaphore(%arg26 : memref<!tpu.dma_semaphore, #tpu.memory_space<semaphore_mem>>) src(%arg18 : memref<128xf32, #tpu.memory_space<vmem>>) dst(%dma_wait3A_470 : memref<10240xf32, #tpu.memory_space<vmem_shared>>)
        } else {
        }
        %add3A_448 = arith.constant 2 : i32
        %add3A_449 = arith.addi %add3A_385, %add3A_448 : i32
        %dma_start3A_450 = arith.constant 0 : i32
        %dma_start3A_451 = tpu.memref_slice %arg7[%add3A_449, %dma_start3A_450] : memref<79x128xi32, #tpu.memory_space<vmem>> -> memref<1x128xi32, #tpu.memory_space<vmem>>
        %dma_start3A_452 = tpu.memref_squeeze %dma_start3A_451 : memref<1x128xi32, #tpu.memory_space<vmem>> -> memref<128xi32, #tpu.memory_space<vmem>>
        %dma_start3A_453 = arith.constant 0 : i32
        %dma_start3A_454 = tpu.memref_slice %arg30[%dma_start3A_453] : memref<10240xf32, #tpu.memory_space<vmem_shared>> -> memref<10240xf32, #tpu.memory_space<vmem_shared>>
        tpu.enqueue_indirect_dma source(%dma_start3A_454 : memref<10240xf32, #tpu.memory_space<vmem_shared>>) target(%arg14 : memref<128xf32, #tpu.memory_space<vmem>>) offsets(%dma_start3A_452 : memref<128xi32, #tpu.memory_space<vmem>>) semaphore(%arg22 : memref<!tpu.dma_semaphore, #tpu.memory_space<semaphore_mem>>)
        %dma_start3A_455 = arith.constant 0 : i32
        %dma_start3A_456 = tpu.memref_slice %arg7[%add3A_449, %dma_start3A_455] : memref<79x128xi32, #tpu.memory_space<vmem>> -> memref<1x128xi32, #tpu.memory_space<vmem>>
        %dma_start3A_457 = tpu.memref_squeeze %dma_start3A_456 : memref<1x128xi32, #tpu.memory_space<vmem>> -> memref<128xi32, #tpu.memory_space<vmem>>
        %dma_start3A_458 = arith.constant 0 : i32
        %dma_start3A_459 = tpu.memref_slice %arg31[%dma_start3A_458] : memref<10240xf32, #tpu.memory_space<vmem_shared>> -> memref<10240xf32, #tpu.memory_space<vmem_shared>>
        tpu.enqueue_indirect_dma source(%dma_start3A_459 : memref<10240xf32, #tpu.memory_space<vmem_shared>>) target(%arg18 : memref<128xf32, #tpu.memory_space<vmem>>) offsets(%dma_start3A_457 : memref<128xi32, #tpu.memory_space<vmem>>) semaphore(%arg22 : memref<!tpu.dma_semaphore, #tpu.memory_space<semaphore_mem>>)
      } else {
      }
      %mul3A_413 = arith.constant 4 : i32
      %mul3A_414 = arith.muli %scan3A_322, %mul3A_413 : i32
      %add3A_415 = arith.constant 3 : i32
      %add3A_416 = arith.addi %mul3A_414, %add3A_415 : i32
      %dma_wait3A_417 = arith.constant 0 : i32
      %dma_wait3A_418 = tpu.memref_slice %arg7[%add3A_416, %dma_wait3A_417] : memref<79x128xi32, #tpu.memory_space<vmem>> -> memref<1x128xi32, #tpu.memory_space<vmem>>
      %dma_wait3A_419 = tpu.memref_squeeze %dma_wait3A_418 : memref<1x128xi32, #tpu.memory_space<vmem>> -> memref<128xi32, #tpu.memory_space<vmem>>
      %dma_wait3A_420 = arith.constant 0 : i32
      %dma_wait3A_421 = tpu.memref_slice %arg30[%dma_wait3A_420] : memref<10240xf32, #tpu.memory_space<vmem_shared>> -> memref<10240xf32, #tpu.memory_space<vmem_shared>>
      tpu.wait_indirect_dma semaphore(%arg25 : memref<!tpu.dma_semaphore, #tpu.memory_space<semaphore_mem>>) src(%dma_wait3A_421 : memref<10240xf32, #tpu.memory_space<vmem_shared>>) dst(%arg17 : memref<128xf32, #tpu.memory_space<vmem>>)
      %dma_wait3A_422 = arith.constant 0 : i32
      %dma_wait3A_423 = tpu.memref_slice %arg7[%add3A_416, %dma_wait3A_422] : memref<79x128xi32, #tpu.memory_space<vmem>> -> memref<1x128xi32, #tpu.memory_space<vmem>>
      %dma_wait3A_424 = tpu.memref_squeeze %dma_wait3A_423 : memref<1x128xi32, #tpu.memory_space<vmem>> -> memref<128xi32, #tpu.memory_space<vmem>>
      %dma_wait3A_425 = arith.constant 0 : i32
      %dma_wait3A_426 = tpu.memref_slice %arg31[%dma_wait3A_425] : memref<10240xf32, #tpu.memory_space<vmem_shared>> -> memref<10240xf32, #tpu.memory_space<vmem_shared>>
      tpu.wait_indirect_dma semaphore(%arg25 : memref<!tpu.dma_semaphore, #tpu.memory_space<semaphore_mem>>) src(%dma_wait3A_426 : memref<10240xf32, #tpu.memory_space<vmem_shared>>) dst(%arg21 : memref<128xf32, #tpu.memory_space<vmem>>)
      %dma_start3A_427 = arith.constant 0 : i32
      %dma_start3A_428 = tpu.memref_slice %arg8[%add3A_416, %dma_start3A_427] : memref<79x128xi32, #tpu.memory_space<vmem>> -> memref<1x128xi32, #tpu.memory_space<vmem>>
      %dma_start3A_429 = tpu.memref_squeeze %dma_start3A_428 : memref<1x128xi32, #tpu.memory_space<vmem>> -> memref<128xi32, #tpu.memory_space<vmem>>
      %dma_start3A_430 = arith.constant 0 : i32
      %dma_start3A_431 = tpu.memref_slice %arg32[%dma_start3A_430] : memref<10240xf32, #tpu.memory_space<vmem_shared>> -> memref<10240xf32, #tpu.memory_space<vmem_shared>>
      tpu.enqueue_indirect_dma source(%arg17 : memref<128xf32, #tpu.memory_space<vmem>>) target(%dma_start3A_431 : memref<10240xf32, #tpu.memory_space<vmem_shared>>) offsets(%dma_start3A_429 : memref<128xi32, #tpu.memory_space<vmem>>) semaphore(%arg29 : memref<!tpu.dma_semaphore, #tpu.memory_space<semaphore_mem>>) {add = true}
      %dma_start3A_432 = arith.constant 0 : i32
      %dma_start3A_433 = tpu.memref_slice %arg8[%add3A_416, %dma_start3A_432] : memref<79x128xi32, #tpu.memory_space<vmem>> -> memref<1x128xi32, #tpu.memory_space<vmem>>
      %dma_start3A_434 = tpu.memref_squeeze %dma_start3A_433 : memref<1x128xi32, #tpu.memory_space<vmem>> -> memref<128xi32, #tpu.memory_space<vmem>>
      %dma_start3A_435 = arith.constant 0 : i32
      %dma_start3A_436 = tpu.memref_slice %arg33[%dma_start3A_435] : memref<10240xf32, #tpu.memory_space<vmem_shared>> -> memref<10240xf32, #tpu.memory_space<vmem_shared>>
      tpu.enqueue_indirect_dma source(%arg21 : memref<128xf32, #tpu.memory_space<vmem>>) target(%dma_start3A_436 : memref<10240xf32, #tpu.memory_space<vmem_shared>>) offsets(%dma_start3A_434 : memref<128xi32, #tpu.memory_space<vmem>>) semaphore(%arg29 : memref<!tpu.dma_semaphore, #tpu.memory_space<semaphore_mem>>) {add = true}
      %add3A_437 = arith.constant 2 : i32
      %add3A_438 = arith.addi %add3A_416, %add3A_437 : i32
      %lt3A_439 = arith.constant 79 : i32
      %lt3A_440 = arith.cmpi slt, %add3A_438, %lt3A_439 : i32
      %convert_element_type3A_441 = arith.extui %lt3A_440 : i1 to i32
      %cond3A_442 = arith.constant 0 : i32
      %cond3A_443 = arith.cmpi ne, %convert_element_type3A_441, %cond3A_442 : i32
      scf.if %cond3A_443 {
        %ge3A = arith.constant 2 : i32
        %ge3A_444 = arith.cmpi sge, %add3A_416, %ge3A : i32
        %convert_element_type3A_445 = arith.extui %ge3A_444 : i1 to i32
        %cond3A_446 = arith.constant 0 : i32
        %cond3A_447 = arith.cmpi ne, %convert_element_type3A_445, %cond3A_446 : i32
        scf.if %cond3A_447 {
          %sub3A = arith.constant 2 : i32
          %sub3A_460 = arith.subi %add3A_416, %sub3A : i32
          %dma_wait3A_461 = arith.constant 0 : i32
          %dma_wait3A_462 = tpu.memref_slice %arg8[%sub3A_460, %dma_wait3A_461] : memref<79x128xi32, #tpu.memory_space<vmem>> -> memref<1x128xi32, #tpu.memory_space<vmem>>
          %dma_wait3A_463 = tpu.memref_squeeze %dma_wait3A_462 : memref<1x128xi32, #tpu.memory_space<vmem>> -> memref<128xi32, #tpu.memory_space<vmem>>
          %dma_wait3A_464 = arith.constant 0 : i32
          %dma_wait3A_465 = tpu.memref_slice %arg32[%dma_wait3A_464] : memref<10240xf32, #tpu.memory_space<vmem_shared>> -> memref<10240xf32, #tpu.memory_space<vmem_shared>>
          tpu.wait_indirect_dma semaphore(%arg27 : memref<!tpu.dma_semaphore, #tpu.memory_space<semaphore_mem>>) src(%arg15 : memref<128xf32, #tpu.memory_space<vmem>>) dst(%dma_wait3A_465 : memref<10240xf32, #tpu.memory_space<vmem_shared>>)
          %dma_wait3A_466 = arith.constant 0 : i32
          %dma_wait3A_467 = tpu.memref_slice %arg8[%sub3A_460, %dma_wait3A_466] : memref<79x128xi32, #tpu.memory_space<vmem>> -> memref<1x128xi32, #tpu.memory_space<vmem>>
          %dma_wait3A_468 = tpu.memref_squeeze %dma_wait3A_467 : memref<1x128xi32, #tpu.memory_space<vmem>> -> memref<128xi32, #tpu.memory_space<vmem>>
          %dma_wait3A_469 = arith.constant 0 : i32
          %dma_wait3A_470 = tpu.memref_slice %arg33[%dma_wait3A_469] : memref<10240xf32, #tpu.memory_space<vmem_shared>> -> memref<10240xf32, #tpu.memory_space<vmem_shared>>
          tpu.wait_indirect_dma semaphore(%arg27 : memref<!tpu.dma_semaphore, #tpu.memory_space<semaphore_mem>>) src(%arg19 : memref<128xf32, #tpu.memory_space<vmem>>) dst(%dma_wait3A_470 : memref<10240xf32, #tpu.memory_space<vmem_shared>>)
        } else {
        }
        %add3A_448 = arith.constant 2 : i32
        %add3A_449 = arith.addi %add3A_416, %add3A_448 : i32
        %dma_start3A_450 = arith.constant 0 : i32
        %dma_start3A_451 = tpu.memref_slice %arg7[%add3A_449, %dma_start3A_450] : memref<79x128xi32, #tpu.memory_space<vmem>> -> memref<1x128xi32, #tpu.memory_space<vmem>>
        %dma_start3A_452 = tpu.memref_squeeze %dma_start3A_451 : memref<1x128xi32, #tpu.memory_space<vmem>> -> memref<128xi32, #tpu.memory_space<vmem>>
        %dma_start3A_453 = arith.constant 0 : i32
        %dma_start3A_454 = tpu.memref_slice %arg30[%dma_start3A_453] : memref<10240xf32, #tpu.memory_space<vmem_shared>> -> memref<10240xf32, #tpu.memory_space<vmem_shared>>
        tpu.enqueue_indirect_dma source(%dma_start3A_454 : memref<10240xf32, #tpu.memory_space<vmem_shared>>) target(%arg15 : memref<128xf32, #tpu.memory_space<vmem>>) offsets(%dma_start3A_452 : memref<128xi32, #tpu.memory_space<vmem>>) semaphore(%arg23 : memref<!tpu.dma_semaphore, #tpu.memory_space<semaphore_mem>>)
        %dma_start3A_455 = arith.constant 0 : i32
        %dma_start3A_456 = tpu.memref_slice %arg7[%add3A_449, %dma_start3A_455] : memref<79x128xi32, #tpu.memory_space<vmem>> -> memref<1x128xi32, #tpu.memory_space<vmem>>
        %dma_start3A_457 = tpu.memref_squeeze %dma_start3A_456 : memref<1x128xi32, #tpu.memory_space<vmem>> -> memref<128xi32, #tpu.memory_space<vmem>>
        %dma_start3A_458 = arith.constant 0 : i32
        %dma_start3A_459 = tpu.memref_slice %arg31[%dma_start3A_458] : memref<10240xf32, #tpu.memory_space<vmem_shared>> -> memref<10240xf32, #tpu.memory_space<vmem_shared>>
        tpu.enqueue_indirect_dma source(%dma_start3A_459 : memref<10240xf32, #tpu.memory_space<vmem_shared>>) target(%arg19 : memref<128xf32, #tpu.memory_space<vmem>>) offsets(%dma_start3A_457 : memref<128xi32, #tpu.memory_space<vmem>>) semaphore(%arg23 : memref<!tpu.dma_semaphore, #tpu.memory_space<semaphore_mem>>)
      } else {
      }
    }
    %scan3A_175 = arith.constant 19 : i32
    %dma_wait3A = arith.constant 76 : i32
    %dma_wait3A_176 = arith.constant 0 : i32
    %dma_wait3A_177 = tpu.memref_slice %arg7[%dma_wait3A, %dma_wait3A_176] : memref<79x128xi32, #tpu.memory_space<vmem>> -> memref<1x128xi32, #tpu.memory_space<vmem>>
    %dma_wait3A_178 = tpu.memref_squeeze %dma_wait3A_177 : memref<1x128xi32, #tpu.memory_space<vmem>> -> memref<128xi32, #tpu.memory_space<vmem>>
    %dma_wait3A_179 = arith.constant 0 : i32
    %dma_wait3A_180 = tpu.memref_slice %arg30[%dma_wait3A_179] : memref<10240xf32, #tpu.memory_space<vmem_shared>> -> memref<10240xf32, #tpu.memory_space<vmem_shared>>
    tpu.wait_indirect_dma semaphore(%arg22 : memref<!tpu.dma_semaphore, #tpu.memory_space<semaphore_mem>>) src(%dma_wait3A_180 : memref<10240xf32, #tpu.memory_space<vmem_shared>>) dst(%arg14 : memref<128xf32, #tpu.memory_space<vmem>>)
    %dma_wait3A_181 = arith.constant 76 : i32
    %dma_wait3A_182 = arith.constant 0 : i32
    %dma_wait3A_183 = tpu.memref_slice %arg7[%dma_wait3A_181, %dma_wait3A_182] : memref<79x128xi32, #tpu.memory_space<vmem>> -> memref<1x128xi32, #tpu.memory_space<vmem>>
    %dma_wait3A_184 = tpu.memref_squeeze %dma_wait3A_183 : memref<1x128xi32, #tpu.memory_space<vmem>> -> memref<128xi32, #tpu.memory_space<vmem>>
    %dma_wait3A_185 = arith.constant 0 : i32
    %dma_wait3A_186 = tpu.memref_slice %arg31[%dma_wait3A_185] : memref<10240xf32, #tpu.memory_space<vmem_shared>> -> memref<10240xf32, #tpu.memory_space<vmem_shared>>
    tpu.wait_indirect_dma semaphore(%arg22 : memref<!tpu.dma_semaphore, #tpu.memory_space<semaphore_mem>>) src(%dma_wait3A_186 : memref<10240xf32, #tpu.memory_space<vmem_shared>>) dst(%arg18 : memref<128xf32, #tpu.memory_space<vmem>>)
    %dma_start3A_187 = arith.constant 76 : i32
    %dma_start3A_188 = arith.constant 0 : i32
    %dma_start3A_189 = tpu.memref_slice %arg8[%dma_start3A_187, %dma_start3A_188] : memref<79x128xi32, #tpu.memory_space<vmem>> -> memref<1x128xi32, #tpu.memory_space<vmem>>
    %dma_start3A_190 = tpu.memref_squeeze %dma_start3A_189 : memref<1x128xi32, #tpu.memory_space<vmem>> -> memref<128xi32, #tpu.memory_space<vmem>>
    %dma_start3A_191 = arith.constant 0 : i32
    %dma_start3A_192 = tpu.memref_slice %arg32[%dma_start3A_191] : memref<10240xf32, #tpu.memory_space<vmem_shared>> -> memref<10240xf32, #tpu.memory_space<vmem_shared>>
    tpu.enqueue_indirect_dma source(%arg14 : memref<128xf32, #tpu.memory_space<vmem>>) target(%dma_start3A_192 : memref<10240xf32, #tpu.memory_space<vmem_shared>>) offsets(%dma_start3A_190 : memref<128xi32, #tpu.memory_space<vmem>>) semaphore(%arg26 : memref<!tpu.dma_semaphore, #tpu.memory_space<semaphore_mem>>) {add = true}
    %dma_start3A_193 = arith.constant 76 : i32
    %dma_start3A_194 = arith.constant 0 : i32
    %dma_start3A_195 = tpu.memref_slice %arg8[%dma_start3A_193, %dma_start3A_194] : memref<79x128xi32, #tpu.memory_space<vmem>> -> memref<1x128xi32, #tpu.memory_space<vmem>>
    %dma_start3A_196 = tpu.memref_squeeze %dma_start3A_195 : memref<1x128xi32, #tpu.memory_space<vmem>> -> memref<128xi32, #tpu.memory_space<vmem>>
    %dma_start3A_197 = arith.constant 0 : i32
    %dma_start3A_198 = tpu.memref_slice %arg33[%dma_start3A_197] : memref<10240xf32, #tpu.memory_space<vmem_shared>> -> memref<10240xf32, #tpu.memory_space<vmem_shared>>
    tpu.enqueue_indirect_dma source(%arg18 : memref<128xf32, #tpu.memory_space<vmem>>) target(%dma_start3A_198 : memref<10240xf32, #tpu.memory_space<vmem_shared>>) offsets(%dma_start3A_196 : memref<128xi32, #tpu.memory_space<vmem>>) semaphore(%arg26 : memref<!tpu.dma_semaphore, #tpu.memory_space<semaphore_mem>>) {add = true}
    %dma_wait3A_199 = arith.constant 74 : i32
    %dma_wait3A_200 = arith.constant 0 : i32
    %dma_wait3A_201 = tpu.memref_slice %arg8[%dma_wait3A_199, %dma_wait3A_200] : memref<79x128xi32, #tpu.memory_space<vmem>> -> memref<1x128xi32, #tpu.memory_space<vmem>>
    %dma_wait3A_202 = tpu.memref_squeeze %dma_wait3A_201 : memref<1x128xi32, #tpu.memory_space<vmem>> -> memref<128xi32, #tpu.memory_space<vmem>>
    %dma_wait3A_203 = arith.constant 0 : i32
    %dma_wait3A_204 = tpu.memref_slice %arg32[%dma_wait3A_203] : memref<10240xf32, #tpu.memory_space<vmem_shared>> -> memref<10240xf32, #tpu.memory_space<vmem_shared>>
    tpu.wait_indirect_dma semaphore(%arg28 : memref<!tpu.dma_semaphore, #tpu.memory_space<semaphore_mem>>) src(%arg16 : memref<128xf32, #tpu.memory_space<vmem>>) dst(%dma_wait3A_204 : memref<10240xf32, #tpu.memory_space<vmem_shared>>)
    %dma_wait3A_205 = arith.constant 74 : i32
    %dma_wait3A_206 = arith.constant 0 : i32
    %dma_wait3A_207 = tpu.memref_slice %arg8[%dma_wait3A_205, %dma_wait3A_206] : memref<79x128xi32, #tpu.memory_space<vmem>> -> memref<1x128xi32, #tpu.memory_space<vmem>>
    %dma_wait3A_208 = tpu.memref_squeeze %dma_wait3A_207 : memref<1x128xi32, #tpu.memory_space<vmem>> -> memref<128xi32, #tpu.memory_space<vmem>>
    %dma_wait3A_209 = arith.constant 0 : i32
    %dma_wait3A_210 = tpu.memref_slice %arg33[%dma_wait3A_209] : memref<10240xf32, #tpu.memory_space<vmem_shared>> -> memref<10240xf32, #tpu.memory_space<vmem_shared>>
    tpu.wait_indirect_dma semaphore(%arg28 : memref<!tpu.dma_semaphore, #tpu.memory_space<semaphore_mem>>) src(%arg20 : memref<128xf32, #tpu.memory_space<vmem>>) dst(%dma_wait3A_210 : memref<10240xf32, #tpu.memory_space<vmem_shared>>)
    %dma_start3A_211 = arith.constant 78 : i32
    %dma_start3A_212 = arith.constant 0 : i32
    %dma_start3A_213 = tpu.memref_slice %arg7[%dma_start3A_211, %dma_start3A_212] : memref<79x128xi32, #tpu.memory_space<vmem>> -> memref<1x128xi32, #tpu.memory_space<vmem>>
    %dma_start3A_214 = tpu.memref_squeeze %dma_start3A_213 : memref<1x128xi32, #tpu.memory_space<vmem>> -> memref<128xi32, #tpu.memory_space<vmem>>
    %dma_start3A_215 = arith.constant 0 : i32
    %dma_start3A_216 = tpu.memref_slice %arg30[%dma_start3A_215] : memref<10240xf32, #tpu.memory_space<vmem_shared>> -> memref<10240xf32, #tpu.memory_space<vmem_shared>>
    tpu.enqueue_indirect_dma source(%dma_start3A_216 : memref<10240xf32, #tpu.memory_space<vmem_shared>>) target(%arg16 : memref<128xf32, #tpu.memory_space<vmem>>) offsets(%dma_start3A_214 : memref<128xi32, #tpu.memory_space<vmem>>) semaphore(%arg24 : memref<!tpu.dma_semaphore, #tpu.memory_space<semaphore_mem>>)
    %dma_start3A_217 = arith.constant 78 : i32
    %dma_start3A_218 = arith.constant 0 : i32
    %dma_start3A_219 = tpu.memref_slice %arg7[%dma_start3A_217, %dma_start3A_218] : memref<79x128xi32, #tpu.memory_space<vmem>> -> memref<1x128xi32, #tpu.memory_space<vmem>>
    %dma_start3A_220 = tpu.memref_squeeze %dma_start3A_219 : memref<1x128xi32, #tpu.memory_space<vmem>> -> memref<128xi32, #tpu.memory_space<vmem>>
    %dma_start3A_221 = arith.constant 0 : i32
    %dma_start3A_222 = tpu.memref_slice %arg31[%dma_start3A_221] : memref<10240xf32, #tpu.memory_space<vmem_shared>> -> memref<10240xf32, #tpu.memory_space<vmem_shared>>
    tpu.enqueue_indirect_dma source(%dma_start3A_222 : memref<10240xf32, #tpu.memory_space<vmem_shared>>) target(%arg20 : memref<128xf32, #tpu.memory_space<vmem>>) offsets(%dma_start3A_220 : memref<128xi32, #tpu.memory_space<vmem>>) semaphore(%arg24 : memref<!tpu.dma_semaphore, #tpu.memory_space<semaphore_mem>>)
    %dma_wait3A_223 = arith.constant 77 : i32
    %dma_wait3A_224 = arith.constant 0 : i32
    %dma_wait3A_225 = tpu.memref_slice %arg7[%dma_wait3A_223, %dma_wait3A_224] : memref<79x128xi32, #tpu.memory_space<vmem>> -> memref<1x128xi32, #tpu.memory_space<vmem>>
    %dma_wait3A_226 = tpu.memref_squeeze %dma_wait3A_225 : memref<1x128xi32, #tpu.memory_space<vmem>> -> memref<128xi32, #tpu.memory_space<vmem>>
    %dma_wait3A_227 = arith.constant 0 : i32
    %dma_wait3A_228 = tpu.memref_slice %arg30[%dma_wait3A_227] : memref<10240xf32, #tpu.memory_space<vmem_shared>> -> memref<10240xf32, #tpu.memory_space<vmem_shared>>
    tpu.wait_indirect_dma semaphore(%arg23 : memref<!tpu.dma_semaphore, #tpu.memory_space<semaphore_mem>>) src(%dma_wait3A_228 : memref<10240xf32, #tpu.memory_space<vmem_shared>>) dst(%arg15 : memref<128xf32, #tpu.memory_space<vmem>>)
    %dma_wait3A_229 = arith.constant 77 : i32
    %dma_wait3A_230 = arith.constant 0 : i32
    %dma_wait3A_231 = tpu.memref_slice %arg7[%dma_wait3A_229, %dma_wait3A_230] : memref<79x128xi32, #tpu.memory_space<vmem>> -> memref<1x128xi32, #tpu.memory_space<vmem>>
    %dma_wait3A_232 = tpu.memref_squeeze %dma_wait3A_231 : memref<1x128xi32, #tpu.memory_space<vmem>> -> memref<128xi32, #tpu.memory_space<vmem>>
    %dma_wait3A_233 = arith.constant 0 : i32
    %dma_wait3A_234 = tpu.memref_slice %arg31[%dma_wait3A_233] : memref<10240xf32, #tpu.memory_space<vmem_shared>> -> memref<10240xf32, #tpu.memory_space<vmem_shared>>
    tpu.wait_indirect_dma semaphore(%arg23 : memref<!tpu.dma_semaphore, #tpu.memory_space<semaphore_mem>>) src(%dma_wait3A_234 : memref<10240xf32, #tpu.memory_space<vmem_shared>>) dst(%arg19 : memref<128xf32, #tpu.memory_space<vmem>>)
    %dma_start3A_235 = arith.constant 77 : i32
    %dma_start3A_236 = arith.constant 0 : i32
    %dma_start3A_237 = tpu.memref_slice %arg8[%dma_start3A_235, %dma_start3A_236] : memref<79x128xi32, #tpu.memory_space<vmem>> -> memref<1x128xi32, #tpu.memory_space<vmem>>
    %dma_start3A_238 = tpu.memref_squeeze %dma_start3A_237 : memref<1x128xi32, #tpu.memory_space<vmem>> -> memref<128xi32, #tpu.memory_space<vmem>>
    %dma_start3A_239 = arith.constant 0 : i32
    %dma_start3A_240 = tpu.memref_slice %arg32[%dma_start3A_239] : memref<10240xf32, #tpu.memory_space<vmem_shared>> -> memref<10240xf32, #tpu.memory_space<vmem_shared>>
    tpu.enqueue_indirect_dma source(%arg15 : memref<128xf32, #tpu.memory_space<vmem>>) target(%dma_start3A_240 : memref<10240xf32, #tpu.memory_space<vmem_shared>>) offsets(%dma_start3A_238 : memref<128xi32, #tpu.memory_space<vmem>>) semaphore(%arg27 : memref<!tpu.dma_semaphore, #tpu.memory_space<semaphore_mem>>) {add = true}
    %dma_start3A_241 = arith.constant 77 : i32
    %dma_start3A_242 = arith.constant 0 : i32
    %dma_start3A_243 = tpu.memref_slice %arg8[%dma_start3A_241, %dma_start3A_242] : memref<79x128xi32, #tpu.memory_space<vmem>> -> memref<1x128xi32, #tpu.memory_space<vmem>>
    %dma_start3A_244 = tpu.memref_squeeze %dma_start3A_243 : memref<1x128xi32, #tpu.memory_space<vmem>> -> memref<128xi32, #tpu.memory_space<vmem>>
    %dma_start3A_245 = arith.constant 0 : i32
    %dma_start3A_246 = tpu.memref_slice %arg33[%dma_start3A_245] : memref<10240xf32, #tpu.memory_space<vmem_shared>> -> memref<10240xf32, #tpu.memory_space<vmem_shared>>
    tpu.enqueue_indirect_dma source(%arg19 : memref<128xf32, #tpu.memory_space<vmem>>) target(%dma_start3A_246 : memref<10240xf32, #tpu.memory_space<vmem_shared>>) offsets(%dma_start3A_244 : memref<128xi32, #tpu.memory_space<vmem>>) semaphore(%arg27 : memref<!tpu.dma_semaphore, #tpu.memory_space<semaphore_mem>>) {add = true}
    %dma_wait3A_247 = arith.constant 78 : i32
    %dma_wait3A_248 = arith.constant 0 : i32
    %dma_wait3A_249 = tpu.memref_slice %arg7[%dma_wait3A_247, %dma_wait3A_248] : memref<79x128xi32, #tpu.memory_space<vmem>> -> memref<1x128xi32, #tpu.memory_space<vmem>>
    %dma_wait3A_250 = tpu.memref_squeeze %dma_wait3A_249 : memref<1x128xi32, #tpu.memory_space<vmem>> -> memref<128xi32, #tpu.memory_space<vmem>>
    %dma_wait3A_251 = arith.constant 0 : i32
    %dma_wait3A_252 = tpu.memref_slice %arg30[%dma_wait3A_251] : memref<10240xf32, #tpu.memory_space<vmem_shared>> -> memref<10240xf32, #tpu.memory_space<vmem_shared>>
    tpu.wait_indirect_dma semaphore(%arg24 : memref<!tpu.dma_semaphore, #tpu.memory_space<semaphore_mem>>) src(%dma_wait3A_252 : memref<10240xf32, #tpu.memory_space<vmem_shared>>) dst(%arg16 : memref<128xf32, #tpu.memory_space<vmem>>)
    %dma_wait3A_253 = arith.constant 78 : i32
    %dma_wait3A_254 = arith.constant 0 : i32
    %dma_wait3A_255 = tpu.memref_slice %arg7[%dma_wait3A_253, %dma_wait3A_254] : memref<79x128xi32, #tpu.memory_space<vmem>> -> memref<1x128xi32, #tpu.memory_space<vmem>>
    %dma_wait3A_256 = tpu.memref_squeeze %dma_wait3A_255 : memref<1x128xi32, #tpu.memory_space<vmem>> -> memref<128xi32, #tpu.memory_space<vmem>>
    %dma_wait3A_257 = arith.constant 0 : i32
    %dma_wait3A_258 = tpu.memref_slice %arg31[%dma_wait3A_257] : memref<10240xf32, #tpu.memory_space<vmem_shared>> -> memref<10240xf32, #tpu.memory_space<vmem_shared>>
    tpu.wait_indirect_dma semaphore(%arg24 : memref<!tpu.dma_semaphore, #tpu.memory_space<semaphore_mem>>) src(%dma_wait3A_258 : memref<10240xf32, #tpu.memory_space<vmem_shared>>) dst(%arg20 : memref<128xf32, #tpu.memory_space<vmem>>)
    %dma_start3A_259 = arith.constant 78 : i32
    %dma_start3A_260 = arith.constant 0 : i32
    %dma_start3A_261 = tpu.memref_slice %arg8[%dma_start3A_259, %dma_start3A_260] : memref<79x128xi32, #tpu.memory_space<vmem>> -> memref<1x128xi32, #tpu.memory_space<vmem>>
    %dma_start3A_262 = tpu.memref_squeeze %dma_start3A_261 : memref<1x128xi32, #tpu.memory_space<vmem>> -> memref<128xi32, #tpu.memory_space<vmem>>
    %dma_start3A_263 = arith.constant 0 : i32
    %dma_start3A_264 = tpu.memref_slice %arg32[%dma_start3A_263] : memref<10240xf32, #tpu.memory_space<vmem_shared>> -> memref<10240xf32, #tpu.memory_space<vmem_shared>>
    tpu.enqueue_indirect_dma source(%arg16 : memref<128xf32, #tpu.memory_space<vmem>>) target(%dma_start3A_264 : memref<10240xf32, #tpu.memory_space<vmem_shared>>) offsets(%dma_start3A_262 : memref<128xi32, #tpu.memory_space<vmem>>) semaphore(%arg28 : memref<!tpu.dma_semaphore, #tpu.memory_space<semaphore_mem>>) {add = true}
    %dma_start3A_265 = arith.constant 78 : i32
    %dma_start3A_266 = arith.constant 0 : i32
    %dma_start3A_267 = tpu.memref_slice %arg8[%dma_start3A_265, %dma_start3A_266] : memref<79x128xi32, #tpu.memory_space<vmem>> -> memref<1x128xi32, #tpu.memory_space<vmem>>
    %dma_start3A_268 = tpu.memref_squeeze %dma_start3A_267 : memref<1x128xi32, #tpu.memory_space<vmem>> -> memref<128xi32, #tpu.memory_space<vmem>>
    %dma_start3A_269 = arith.constant 0 : i32
    %dma_start3A_270 = tpu.memref_slice %arg33[%dma_start3A_269] : memref<10240xf32, #tpu.memory_space<vmem_shared>> -> memref<10240xf32, #tpu.memory_space<vmem_shared>>
    tpu.enqueue_indirect_dma source(%arg20 : memref<128xf32, #tpu.memory_space<vmem>>) target(%dma_start3A_270 : memref<10240xf32, #tpu.memory_space<vmem_shared>>) offsets(%dma_start3A_268 : memref<128xi32, #tpu.memory_space<vmem>>) semaphore(%arg28 : memref<!tpu.dma_semaphore, #tpu.memory_space<semaphore_mem>>) {add = true}
    %dma_wait3A_271 = arith.constant 75 : i32
    %dma_wait3A_272 = arith.constant 0 : i32
    %dma_wait3A_273 = tpu.memref_slice %arg8[%dma_wait3A_271, %dma_wait3A_272] : memref<79x128xi32, #tpu.memory_space<vmem>> -> memref<1x128xi32, #tpu.memory_space<vmem>>
    %dma_wait3A_274 = tpu.memref_squeeze %dma_wait3A_273 : memref<1x128xi32, #tpu.memory_space<vmem>> -> memref<128xi32, #tpu.memory_space<vmem>>
    %dma_wait3A_275 = arith.constant 0 : i32
    %dma_wait3A_276 = tpu.memref_slice %arg32[%dma_wait3A_275] : memref<10240xf32, #tpu.memory_space<vmem_shared>> -> memref<10240xf32, #tpu.memory_space<vmem_shared>>
    tpu.wait_indirect_dma semaphore(%arg29 : memref<!tpu.dma_semaphore, #tpu.memory_space<semaphore_mem>>) src(%arg17 : memref<128xf32, #tpu.memory_space<vmem>>) dst(%dma_wait3A_276 : memref<10240xf32, #tpu.memory_space<vmem_shared>>)
    %dma_wait3A_277 = arith.constant 75 : i32
    %dma_wait3A_278 = arith.constant 0 : i32
    %dma_wait3A_279 = tpu.memref_slice %arg8[%dma_wait3A_277, %dma_wait3A_278] : memref<79x128xi32, #tpu.memory_space<vmem>> -> memref<1x128xi32, #tpu.memory_space<vmem>>
    %dma_wait3A_280 = tpu.memref_squeeze %dma_wait3A_279 : memref<1x128xi32, #tpu.memory_space<vmem>> -> memref<128xi32, #tpu.memory_space<vmem>>
    %dma_wait3A_281 = arith.constant 0 : i32
    %dma_wait3A_282 = tpu.memref_slice %arg33[%dma_wait3A_281] : memref<10240xf32, #tpu.memory_space<vmem_shared>> -> memref<10240xf32, #tpu.memory_space<vmem_shared>>
    tpu.wait_indirect_dma semaphore(%arg29 : memref<!tpu.dma_semaphore, #tpu.memory_space<semaphore_mem>>) src(%arg21 : memref<128xf32, #tpu.memory_space<vmem>>) dst(%dma_wait3A_282 : memref<10240xf32, #tpu.memory_space<vmem_shared>>)
    %dma_wait3A_283 = arith.constant 76 : i32
    %dma_wait3A_284 = arith.constant 0 : i32
    %dma_wait3A_285 = tpu.memref_slice %arg8[%dma_wait3A_283, %dma_wait3A_284] : memref<79x128xi32, #tpu.memory_space<vmem>> -> memref<1x128xi32, #tpu.memory_space<vmem>>
    %dma_wait3A_286 = tpu.memref_squeeze %dma_wait3A_285 : memref<1x128xi32, #tpu.memory_space<vmem>> -> memref<128xi32, #tpu.memory_space<vmem>>
    %dma_wait3A_287 = arith.constant 0 : i32
    %dma_wait3A_288 = tpu.memref_slice %arg32[%dma_wait3A_287] : memref<10240xf32, #tpu.memory_space<vmem_shared>> -> memref<10240xf32, #tpu.memory_space<vmem_shared>>
    tpu.wait_indirect_dma semaphore(%arg26 : memref<!tpu.dma_semaphore, #tpu.memory_space<semaphore_mem>>) src(%arg14 : memref<128xf32, #tpu.memory_space<vmem>>) dst(%dma_wait3A_288 : memref<10240xf32, #tpu.memory_space<vmem_shared>>)
    %dma_wait3A_289 = arith.constant 76 : i32
    %dma_wait3A_290 = arith.constant 0 : i32
    %dma_wait3A_291 = tpu.memref_slice %arg8[%dma_wait3A_289, %dma_wait3A_290] : memref<79x128xi32, #tpu.memory_space<vmem>> -> memref<1x128xi32, #tpu.memory_space<vmem>>
    %dma_wait3A_292 = tpu.memref_squeeze %dma_wait3A_291 : memref<1x128xi32, #tpu.memory_space<vmem>> -> memref<128xi32, #tpu.memory_space<vmem>>
    %dma_wait3A_293 = arith.constant 0 : i32
    %dma_wait3A_294 = tpu.memref_slice %arg33[%dma_wait3A_293] : memref<10240xf32, #tpu.memory_space<vmem_shared>> -> memref<10240xf32, #tpu.memory_space<vmem_shared>>
    tpu.wait_indirect_dma semaphore(%arg26 : memref<!tpu.dma_semaphore, #tpu.memory_space<semaphore_mem>>) src(%arg18 : memref<128xf32, #tpu.memory_space<vmem>>) dst(%dma_wait3A_294 : memref<10240xf32, #tpu.memory_space<vmem_shared>>)
    %dma_wait3A_295 = arith.constant 77 : i32
    %dma_wait3A_296 = arith.constant 0 : i32
    %dma_wait3A_297 = tpu.memref_slice %arg8[%dma_wait3A_295, %dma_wait3A_296] : memref<79x128xi32, #tpu.memory_space<vmem>> -> memref<1x128xi32, #tpu.memory_space<vmem>>
    %dma_wait3A_298 = tpu.memref_squeeze %dma_wait3A_297 : memref<1x128xi32, #tpu.memory_space<vmem>> -> memref<128xi32, #tpu.memory_space<vmem>>
    %dma_wait3A_299 = arith.constant 0 : i32
    %dma_wait3A_300 = tpu.memref_slice %arg32[%dma_wait3A_299] : memref<10240xf32, #tpu.memory_space<vmem_shared>> -> memref<10240xf32, #tpu.memory_space<vmem_shared>>
    tpu.wait_indirect_dma semaphore(%arg27 : memref<!tpu.dma_semaphore, #tpu.memory_space<semaphore_mem>>) src(%arg15 : memref<128xf32, #tpu.memory_space<vmem>>) dst(%dma_wait3A_300 : memref<10240xf32, #tpu.memory_space<vmem_shared>>)
    %dma_wait3A_301 = arith.constant 77 : i32
    %dma_wait3A_302 = arith.constant 0 : i32
    %dma_wait3A_303 = tpu.memref_slice %arg8[%dma_wait3A_301, %dma_wait3A_302] : memref<79x128xi32, #tpu.memory_space<vmem>> -> memref<1x128xi32, #tpu.memory_space<vmem>>
    %dma_wait3A_304 = tpu.memref_squeeze %dma_wait3A_303 : memref<1x128xi32, #tpu.memory_space<vmem>> -> memref<128xi32, #tpu.memory_space<vmem>>
    %dma_wait3A_305 = arith.constant 0 : i32
    %dma_wait3A_306 = tpu.memref_slice %arg33[%dma_wait3A_305] : memref<10240xf32, #tpu.memory_space<vmem_shared>> -> memref<10240xf32, #tpu.memory_space<vmem_shared>>
    tpu.wait_indirect_dma semaphore(%arg27 : memref<!tpu.dma_semaphore, #tpu.memory_space<semaphore_mem>>) src(%arg19 : memref<128xf32, #tpu.memory_space<vmem>>) dst(%dma_wait3A_306 : memref<10240xf32, #tpu.memory_space<vmem_shared>>)
    %dma_wait3A_307 = arith.constant 78 : i32
    %dma_wait3A_308 = arith.constant 0 : i32
    %dma_wait3A_309 = tpu.memref_slice %arg8[%dma_wait3A_307, %dma_wait3A_308] : memref<79x128xi32, #tpu.memory_space<vmem>> -> memref<1x128xi32, #tpu.memory_space<vmem>>
    %dma_wait3A_310 = tpu.memref_squeeze %dma_wait3A_309 : memref<1x128xi32, #tpu.memory_space<vmem>> -> memref<128xi32, #tpu.memory_space<vmem>>
    %dma_wait3A_311 = arith.constant 0 : i32
    %dma_wait3A_312 = tpu.memref_slice %arg32[%dma_wait3A_311] : memref<10240xf32, #tpu.memory_space<vmem_shared>> -> memref<10240xf32, #tpu.memory_space<vmem_shared>>
    tpu.wait_indirect_dma semaphore(%arg28 : memref<!tpu.dma_semaphore, #tpu.memory_space<semaphore_mem>>) src(%arg16 : memref<128xf32, #tpu.memory_space<vmem>>) dst(%dma_wait3A_312 : memref<10240xf32, #tpu.memory_space<vmem_shared>>)
    %dma_wait3A_313 = arith.constant 78 : i32
    %dma_wait3A_314 = arith.constant 0 : i32
    %dma_wait3A_315 = tpu.memref_slice %arg8[%dma_wait3A_313, %dma_wait3A_314] : memref<79x128xi32, #tpu.memory_space<vmem>> -> memref<1x128xi32, #tpu.memory_space<vmem>>
    %dma_wait3A_316 = tpu.memref_squeeze %dma_wait3A_315 : memref<1x128xi32, #tpu.memory_space<vmem>> -> memref<128xi32, #tpu.memory_space<vmem>>
    %dma_wait3A_317 = arith.constant 0 : i32
    %dma_wait3A_318 = tpu.memref_slice %arg33[%dma_wait3A_317] : memref<10240xf32, #tpu.memory_space<vmem_shared>> -> memref<10240xf32, #tpu.memory_space<vmem_shared>>
    tpu.wait_indirect_dma semaphore(%arg28 : memref<!tpu.dma_semaphore, #tpu.memory_space<semaphore_mem>>) src(%arg20 : memref<128xf32, #tpu.memory_space<vmem>>) dst(%dma_wait3A_318 : memref<10240xf32, #tpu.memory_space<vmem_shared>>)
    %barrier3A_319 = arith.constant 0 : index
    tpu.barrier barrier_id(%barrier3A_319)
    %run_scoped3A_320 = arith.constant 0 : i32
    "tpu.region"() ({
      %run_scoped3A_322 = tpu.sem_alloc : memref<!tpu.dma_semaphore, #tpu.memory_space<semaphore_mem>>
      %dma_start3A_323 = tpu.memref_slice %arg6[%arg0, %run_scoped3A_320, %mul3A_2] : memref<2x2x10240xf32, #tpu.memory_space<hbm>> -> memref<1x1x640xf32, #tpu.memory_space<hbm>>
      %dma_start3A_324 = tpu.memref_squeeze %dma_start3A_323 : memref<1x1x640xf32, #tpu.memory_space<hbm>> -> memref<640xf32, #tpu.memory_space<hbm>>
      %dma_start3A_325 = tpu.memref_slice %arg32[%mul3A_2] : memref<10240xf32, #tpu.memory_space<vmem_shared>> -> memref<640xf32, #tpu.memory_space<vmem_shared>>
      tpu.enqueue_dma source(%dma_start3A_325 : memref<640xf32, #tpu.memory_space<vmem_shared>>) target(%dma_start3A_324 : memref<640xf32, #tpu.memory_space<hbm>>) target_semaphore(%run_scoped3A_322 : memref<!tpu.dma_semaphore, #tpu.memory_space<semaphore_mem>>)
      %dma_wait3A_326 = tpu.memref_slice %arg6[%arg0, %run_scoped3A_320, %mul3A_2] : memref<2x2x10240xf32, #tpu.memory_space<hbm>> -> memref<1x1x640xf32, #tpu.memory_space<hbm>>
      %dma_wait3A_327 = tpu.memref_squeeze %dma_wait3A_326 : memref<1x1x640xf32, #tpu.memory_space<hbm>> -> memref<640xf32, #tpu.memory_space<hbm>>
      %dma_wait3A_328 = tpu.memref_slice %arg32[%mul3A_2] : memref<10240xf32, #tpu.memory_space<vmem_shared>> -> memref<640xf32, #tpu.memory_space<vmem_shared>>
      tpu.wait_dma2 semaphore(%run_scoped3A_322 : memref<!tpu.dma_semaphore, #tpu.memory_space<semaphore_mem>>) src(%dma_wait3A_328 : memref<640xf32, #tpu.memory_space<vmem_shared>>) dst(%dma_wait3A_327 : memref<640xf32, #tpu.memory_space<hbm>>)
      tpu.yield
    }) : () -> ()
    %run_scoped3A_321 = arith.constant 1 : i32
    "tpu.region"() ({
      %run_scoped3A_322 = tpu.sem_alloc : memref<!tpu.dma_semaphore, #tpu.memory_space<semaphore_mem>>
      %dma_start3A_323 = tpu.memref_slice %arg6[%arg0, %run_scoped3A_321, %mul3A_2] : memref<2x2x10240xf32, #tpu.memory_space<hbm>> -> memref<1x1x640xf32, #tpu.memory_space<hbm>>
      %dma_start3A_324 = tpu.memref_squeeze %dma_start3A_323 : memref<1x1x640xf32, #tpu.memory_space<hbm>> -> memref<640xf32, #tpu.memory_space<hbm>>
      %dma_start3A_325 = tpu.memref_slice %arg33[%mul3A_2] : memref<10240xf32, #tpu.memory_space<vmem_shared>> -> memref<640xf32, #tpu.memory_space<vmem_shared>>
      tpu.enqueue_dma source(%dma_start3A_325 : memref<640xf32, #tpu.memory_space<vmem_shared>>) target(%dma_start3A_324 : memref<640xf32, #tpu.memory_space<hbm>>) target_semaphore(%run_scoped3A_322 : memref<!tpu.dma_semaphore, #tpu.memory_space<semaphore_mem>>)
      %dma_wait3A_326 = tpu.memref_slice %arg6[%arg0, %run_scoped3A_321, %mul3A_2] : memref<2x2x10240xf32, #tpu.memory_space<hbm>> -> memref<1x1x640xf32, #tpu.memory_space<hbm>>
      %dma_wait3A_327 = tpu.memref_squeeze %dma_wait3A_326 : memref<1x1x640xf32, #tpu.memory_space<hbm>> -> memref<640xf32, #tpu.memory_space<hbm>>
      %dma_wait3A_328 = tpu.memref_slice %arg33[%mul3A_2] : memref<10240xf32, #tpu.memory_space<vmem_shared>> -> memref<640xf32, #tpu.memory_space<vmem_shared>>
      tpu.wait_dma2 semaphore(%run_scoped3A_322 : memref<!tpu.dma_semaphore, #tpu.memory_space<semaphore_mem>>) src(%dma_wait3A_328 : memref<640xf32, #tpu.memory_space<vmem_shared>>) dst(%dma_wait3A_327 : memref<640xf32, #tpu.memory_space<hbm>>)
      tpu.yield
    }) : () -> ()
    return
  }
}

module attributes {stable_mosaic.version = 14 : i64} {
  func.func @body(%arg0: i32, %arg1: memref<1000x128xf32, #tpu.memory_space<vmem>>, %arg2: memref<128x32xf32, #tpu.memory_space<vmem>>, %arg3: memref<1000x32xf32, #tpu.memory_space<vmem>>) attributes {dimension_semantics = [#tpu.dimension_semantics<arbitrary>], iteration_bounds = array<i64: 10>, scalar_prefetch = 0 : i64, scratch_operands = 0 : i64, tpu.core_type = #tpu.core_type<tc>, window_params = [{transform_indices = @transform_0, window_bounds = array<i64: 1000, 128>}, {pipeline_mode = #tpu.pipeline_mode<synchronous>, transform_indices = @transform_1, window_bounds = array<i64: 128, 32>}, {transform_indices = @transform_2, window_bounds = array<i64: 1000, 32>}]} {
    %get3A = arith.constant 0 : index
    %get3A_0 = arith.constant 0 : index
    %get3A_1 = vector.load %arg1[%get3A, %get3A_0] : memref<1000x128xf32, #tpu.memory_space<vmem>>, vector<1000x128xf32>
    %get3A_2 = arith.constant 0 : index
    %get3A_3 = arith.constant 0 : index
    %get3A_4 = vector.load %arg2[%get3A_2, %get3A_3] : memref<128x32xf32, #tpu.memory_space<vmem>>, vector<128x32xf32>
    %dot_general3A = arith.constant dense<0.000000e+00> : vector<1000x32xf32>
    %dot_general3A_5 = tpu.matmul %get3A_1, %get3A_4, %dot_general3A {dimension_numbers = #tpu.dot_dimension_numbers<[1], [0], [0], [1], [0, 0, 1, 1], [], []>, transpose_lhs_hint = false} : vector<1000x128xf32>, vector<128x32xf32>, vector<1000x32xf32> -> vector<1000x32xf32>
    %swap3A = arith.constant 0 : index
    %swap3A_6 = arith.constant 0 : index
    %swap3A_7 = vector.load %arg3[%swap3A, %swap3A_6] : memref<1000x32xf32, #tpu.memory_space<vmem>>, vector<1000x32xf32>
    tpu.vector_store %arg3[%swap3A, %swap3A_6], %dot_general3A_5 {strides = array<i32>} : memref<1000x32xf32, #tpu.memory_space<vmem>>, vector<1000x32xf32>,
    return
  }
  func.func @transform_0(%arg0: i32) -> (i32, i32) {
    %c0_i32 = arith.constant 0 : i32
    %c0_i32_0 = arith.constant 0 : i32
    return %arg0, %c0_i32 : i32, i32
  }
  func.func @transform_1(%arg0: i32) -> (i32, i32) {
    %c0_i32 = arith.constant 0 : i32
    %c0_i32_0 = arith.constant 0 : i32
    %c0_i32_1 = arith.constant 0 : i32
    return %c0_i32, %c0_i32_0 : i32, i32
  }
  func.func @transform_2(%arg0: i32) -> (i32, i32) {
    %c0_i32 = arith.constant 0 : i32
    %c0_i32_0 = arith.constant 0 : i32
    return %arg0, %c0_i32 : i32, i32
  }
}

module attributes {stable_mosaic.version = 14 : i64} {
  func.func @body(%arg0: memref<2x2x10240xf32, #tpu.memory_space<vmem>>, %arg1: memref<10000x2xf32, #tpu.memory_space<vmem>>) attributes {dimension_semantics = [], scalar_prefetch = 0 : i64, scratch_operands = 0 : i64, tpu.core_type = #tpu.core_type<tc>} {
    %get3A = arith.constant 0 : index
    %get3A_0 = arith.constant 0 : index
    %get3A_1 = arith.constant 0 : index
    %get3A_2 = vector.load %arg0[%get3A, %get3A_0, %get3A_1] : memref<2x2x10240xf32, #tpu.memory_space<vmem>>, vector<1x2x10240xf32>
    %get3A_3 = vector.shape_cast %get3A_2 : vector<1x2x10240xf32> to vector<2x10240xf32>
    %get3A_4 = arith.constant 1 : index
    %get3A_5 = arith.constant 0 : index
    %get3A_6 = arith.constant 0 : index
    %get3A_7 = vector.load %arg0[%get3A_4, %get3A_5, %get3A_6] : memref<2x2x10240xf32, #tpu.memory_space<vmem>>, vector<1x2x10240xf32>
    %get3A_8 = vector.shape_cast %get3A_7 : vector<1x2x10240xf32> to vector<2x10240xf32>
    %add3A = arith.addf %get3A_3, %get3A_8 : vector<2x10240xf32>
    %reduce_max3A = arith.constant dense<0xFF800000> : vector<10240xf32>
    %reduce_max3A_9 = vector.multi_reduction <maximumf>, %add3A, %reduce_max3A [0] : vector<2x10240xf32> to vector<10240xf32>
    %broadcast_in_dim3A = vector.shape_cast %reduce_max3A_9 : vector<10240xf32> to vector<1x10240xf32>
    %sub3A = vector.broadcast %broadcast_in_dim3A : vector<1x10240xf32> to vector<2x10240xf32>
    %sub3A_10 = arith.subf %add3A, %sub3A : vector<2x10240xf32>
    %exp3A = math.exp %sub3A_10 : vector<2x10240xf32>
    %reduce_sum3A = arith.constant dense<0.000000e+00> : vector<10240xf32>
    %reduce_sum3A_11 = vector.multi_reduction <add>, %exp3A, %reduce_sum3A [0] : vector<2x10240xf32> to vector<10240xf32>
    %broadcast_in_dim3A_12 = vector.shape_cast %reduce_sum3A_11 : vector<10240xf32> to vector<1x10240xf32>
    %div3A = vector.broadcast %broadcast_in_dim3A_12 : vector<1x10240xf32> to vector<2x10240xf32>
    %div3A_13 = arith.divf %exp3A, %div3A : vector<2x10240xf32>
    %slice3A = vector.extract_strided_slice %div3A_13 {offsets = [0, 0], sizes = [1, 10000], strides = [1, 1]} : vector<2x10240xf32> to vector<1x10000xf32>
    %squeeze3A = vector.shape_cast %slice3A : vector<1x10000xf32> to vector<10000xf32>
    %slice3A_14 = vector.extract_strided_slice %div3A_13 {offsets = [1, 0], sizes = [1, 10000], strides = [1, 1]} : vector<2x10240xf32> to vector<1x10000xf32>
    %squeeze3A_15 = vector.shape_cast %slice3A_14 : vector<1x10000xf32> to vector<10000xf32>
    %stack3A = vector.shape_cast %squeeze3A : vector<10000xf32> to vector<10000x1xf32>
    %stack3A_16 = vector.shape_cast %squeeze3A_15 : vector<10000xf32> to vector<10000x1xf32>
    %stack3A_17 = tpu.concatenate %stack3A, %stack3A_16 in 1 : vector<10000x1xf32>, vector<10000x1xf32> -> vector<10000x2xf32>
    %swap3A = arith.constant 0 : index
    %swap3A_18 = arith.constant 0 : index
    %swap3A_19 = vector.load %arg1[%swap3A, %swap3A_18] : memref<10000x2xf32, #tpu.memory_space<vmem>>, vector<10000x2xf32>
    tpu.vector_store %arg1[%swap3A, %swap3A_18], %stack3A_17 {strides = array<i32>} : memref<10000x2xf32, #tpu.memory_space<vmem>>, vector<10000x2xf32>,
    return
  }
}

</mosaic_0001>

<sc_bundles>
// kernel: kernel.6.cloned.1.call-start
scs
__scs_entry_jumppad:
0x0: {  	(pc) =	sbr.rel $0x88, $3  }
0x1: {  	(tag) =	ssettag $0x0;
	lr =	simm.s32 $0x1  }
0x2: {  	[smem:$0x3F9D] =	sst lr;
	_ =	strace $0xD0000000  }
0x3: {  	_ = 	snop  }
0x4: {  	_ = 	snop  }
0x5: {  	_ = 	snop  }
0x6: {  	_ = 	snop  }
0x7: {  	_ = 	snop  }
__scs_overlays_trampoline_lowered:
0x8: {  	[smem:$0x3FAC] =	sst s0  }
0x9: {  	[smem:$0x3FAD] =	sst s1  }
0xa: {  	[smem:$0x3FAE] =	sst s2  }
0xb: {  	[smem:$0x3FAF] =	sst s3  }
0xc: {  	[smem:$0x3FB0] =	sst s4  }
0xd: {  	[smem:$0x3FB1] =	sst s5  }
0xe: {  	[smem:$0x3FB2] =	sst s6  }
0xf: {  	[smem:$0x3FB3] =	sst s7  }
0x10: {  	[smem:$0x3FB4] =	sst s8  }
0x11: {  	[smem:$0x3FB5] =	sst s9;
	s0 =	simm.s32 @!p0 $0x0  }
0x12: {  	s1 =	sld [smem:$0x3F9B];
	s0 =	simm.s32 @p0 $0x1  }
0x13: {  	[smem:$0x3FB6] =	sst s0;
	s0 =	simm.s32 @!p1 $0x0  }
0x14: {  	s2 =	sld [smem:$0x3F9A];
	s0 =	simm.s32 @p1 $0x1  }
0x15: {  	[smem:$0x3FB7] =	sst s0;
	s0 =	simm.s32 @!p2 $0x0  }
0x16: {  	s3 =	sld [smem:$0x3FDB];
	s0 =	simm.s32 @p2 $0x1  }
0x17: {  	s4 =	simm.s32 $0x1BF5;
	[smem:$0x3FB9] =	sst s0  }
0x18: {  	s0 =	sld [smem:$0x3F9C];
	_ =	swait.ge [sflag:s4], $0x0  }
0x19: {  	s7 =	sld [smem:$0x3F9D]  }
0x1a: {  	s8 =	sadd.s32 $0xFFFFE003, lr  }
0x1b: {  	s9 =	sadd.s32 $0xFFFFFEF7, lr;
	s5 =	simm.s32 $0xFFFFFFFF;
	p2 =	slt.u32 s8, $0xFFFFF086  }
0x1c: {  	p1 =	slt.u32 s9, $0xF7A;
	s5 =	simm.s32 @!p2 $0x0  }
0x1d: {  	s5 =	simm.s32 @p1 $0x1;
	p0 =	seq.s32 s7, s2  }
0x1e: {  	s7 =	smul.u32 @!p0 $0xF7A, s2;
	p2 =	seq.s32 @!p0 s5, $0x0  }
0x1f: {  	s9 =	smul.u32 $0xF7A, s1;
	s8 =	simm.s32 @!p0 $0x1BF5;
	p2 =	por !p2, p0  }
0x20: {  	[sflag:s8] =	ssyncset.s32 @!p0 $0xFFFFF086;
	s6 =	sadd.s32 @!p0 s3, s7;
	s7 =	simm.s32 @!p0 $0x108  }
0x21: {  	s3 =	sadd.s32 s3, s9;
	s6 =	sadd.s32 @!p0 $0x88, s6;
	s7 =	simm.s32 @p2 $0x1082  }
0x22: {  	[simem:s7], [sflag:s8] =	dma.local @!p0 [hbm:s6], $0xF7A  }
0x23: {  	s9 =	sor.u32 $0xD0000000, s2;
	s6 =	simm.s32 $0x108;
	_ =	swait.ge @!p0 [sflag:s8], $0x0  }
0x24: {  	s3 =	sadd.s32 $0x88, s3;
	s6 =	simm.s32 @!p1 $0x1082;
	[sflag:s4] =	ssyncset.s32 $0xFFFFF086  }
0x25: {  	[simem:s6], [sflag:s4] =	dma.local [hbm:s3], $0xF7A  }
0x26: {  	[smem:$0x3F9D] =	sst s1;
	(tag) =	ssettag s2;
	_ =	strace s9  }
0x27: {  	s1 =	sld [smem:$0x3FAD]  }
0x28: {  	s2 =	sld [smem:$0x3FAE]  }
0x29: {  	s4 =	sld [smem:$0x3FB0]  }
0x2a: {  	p0 =	seq.s32 s5, $0x0;
	s5 =	sld [smem:$0x3FB1]  }
0x2b: {  	s6 =	sld [smem:$0x3FB2]  }
0x2c: {  	s7 =	sld [smem:$0x3FB3]  }
0x2d: {  	s3 =	simm.s32 $0x108;
	s8 =	sld [smem:$0x3FB4]  }
0x2e: {  	s3 =	simm.s32 @!p0 $0x1082;
	s9 =	sld [smem:$0x3FB5]  }
0x2f: {  	lr =	sadd.s32 s0, s3;
	s0 =	sld [smem:$0x3FAC]  }
0x30: {  	s3 =	sld [smem:$0x3FAF]  }
0x31: {  	[smem:$0x3FB8] =	sst s10  }
0x32: {  	s10 =	sld [smem:$0x3FB6];
	_ =	sdelay $0x3  }
0x33: {  	p0 =	seq.s32 s10, $0x1;
	s10 =	sld [smem:$0x3FB8];
	_ =	sdelay $0x3  }
0x34: {  	[smem:$0x3FB8] =	sst s10  }
0x35: {  	s10 =	sld [smem:$0x3FB7];
	_ =	sdelay $0x3  }
0x36: {  	p1 =	seq.s32 s10, $0x1;
	s10 =	sld [smem:$0x3FB8];
	_ =	sdelay $0x3  }
0x37: {  	[smem:$0x3FB8] =	sst s10  }
0x38: {  	s10 =	sld [smem:$0x3FB9]  }
0x39: {  	_ = 	snop;
	(pc) =	sbr.ind lr, $3  }
0x3a: {  	_ = 	snop  }
0x3b: {  	_ = 	snop  }
0x3c: {  	p2 =	seq.s32 s10, $0x1;
	s10 =	sld [smem:$0x3FB8]  }
0x3d: {  	_ =	shalt  }
0x3e: {  	_ =	shalt  }
0x3f: {  	_ =	shalt  }
0x40: {  	_ =	shalt  }
0x41: {  	_ =	shalt  }
0x42: {  	_ =	shalt  }
0x43: {  	_ =	shalt  }
0x44: {  	_ =	shalt  }
0x45: {  	_ =	shalt  }
0x46: {  	_ =	shalt  }
0x47: {  	_ =	shalt  }
0x48: {  	_ =	shalt  }
0x49: {  	_ =	shalt  }
0x4a: {  	_ =	shalt  }
0x4b: {  	_ =	shalt  }
0x4c: {  	_ =	shalt  }
0x4d: {  	_ =	shalt  }
0x4e: {  	_ =	shalt  }
0x4f: {  	_ =	shalt  }
0x50: {  	_ =	shalt  }
0x51: {  	_ =	shalt  }
0x52: {  	_ =	shalt  }
0x53: {  	_ =	shalt  }
0x54: {  	_ =	shalt  }
0x55: {  	_ =	shalt  }
0x56: {  	_ =	shalt  }
0x57: {  	_ =	shalt  }
0x58: {  	_ =	shalt  }
0x59: {  	_ =	shalt  }
0x5a: {  	_ =	shalt  }
0x5b: {  	_ =	shalt  }
0x5c: {  	_ =	shalt  }
0x5d: {  	_ =	shalt  }
0x5e: {  	_ =	shalt  }
0x5f: {  	_ =	shalt  }
0x60: {  	_ =	shalt  }
0x61: {  	_ =	shalt  }
0x62: {  	_ =	shalt  }
0x63: {  	_ =	shalt  }
0x64: {  	_ =	shalt  }
0x65: {  	_ =	shalt  }
0x66: {  	_ =	shalt  }
0x67: {  	_ =	shalt  }
0x68: {  	_ =	shalt  }
0x69: {  	_ =	shalt  }
0x6a: {  	_ =	shalt  }
0x6b: {  	_ =	shalt  }
0x6c: {  	_ =	shalt  }
0x6d: {  	_ =	shalt  }
0x6e: {  	_ =	shalt  }
0x6f: {  	_ =	shalt  }
0x70: {  	_ =	shalt  }
0x71: {  	_ =	shalt  }
0x72: {  	_ =	shalt  }
0x73: {  	_ =	shalt  }
0x74: {  	_ =	shalt  }
0x75: {  	_ =	shalt  }
0x76: {  	_ =	shalt  }
0x77: {  	_ =	shalt  }
0x78: {  	_ =	shalt  }
0x79: {  	_ =	shalt  }
0x7a: {  	_ =	shalt  }
0x7b: {  	_ =	shalt  }
0x7c: {  	_ =	shalt  }
0x7d: {  	_ =	shalt  }
0x7e: {  	_ =	shalt  }
0x7f: {  	_ =	shalt  }
0x80: {  	_ =	shalt  }
0x81: {  	_ =	shalt  }
0x82: {  	_ =	shalt  }
0x83: {  	_ =	shalt  }
0x84: {  	_ =	shalt  }
0x85: {  	_ =	shalt  }
0x86: {  	_ =	shalt  }
0x87: {  	_ =	shalt  }
.Lfunc_end0:
.L_simem_size_0:
called_computation_lowered:
.L_overlay_start_0:
0x88: {  	s2 =	sld [smem:$0x3FD9]  }
0x89: {  	s3 =	sld [smem:$0x3FFE];
	_ =	sdelay $0x1  }
0x8a: {  	s1 =	srdreg.scid  }
0x8b: {  	s0 =	sand.u32 $0x1, s1  }
0x8c: {  	s16 =	sshll.u32 s0, $0xA;
	s2 =	sadd.s32 s3, s2  }
0x8d: {  	s2 =	sadd.s32 s2, s16  }
0x8e: {  	[smem:$0x3FC4] =	sst s2  }
0x8f: {  	_ = 	snop  }
0x90: {  	(tm) =	ssettm $0x1  }
0x91: {  	s17 =	sld [smem:$0x3FFB];
	_ =	sdelay $0x3  }
0x92: {  	_ =	strace s17  }
0x93: {  	s2 =	sld [smem:$0x3FFC];
	_ =	sdelay $0x3  }
0x94: {  	_ =	strace s2  }
0x95: {  	s2 =	sld [smem:$0x3FFD];
	_ =	sdelay $0x3  }
0x96: {  	_ =	strace s2  }
0x97: {  	_ =	strace $0x8FFFFFFF  }
0x98: {  	s18 =	sld [smem:$0x3FDB];
	_ =	sdelay $0x1  }
0x99: {  	s19 =	simm.s32 $_scs_section_size  }
0x9a: {  	s4 =	simm.s32 $_size__tile_overlayer_lowered;
	s5 =	simm.s32 $_tile_overlayer_lowered  }
0x9b: {  	s22 =	simm.s32 $0x1BFF;
	s21 =	sshll.u32 s5, $0x1;
	s2 =	sadd.s32 s19, s18  }
0x9c: {  	s6 =	simm.s32 $0x0;
	s20 =	sshll.u32 s4, $0x1;
	s4 =	sadd.s32 s21, s2  }
0x9d: {  	[timem:s6], [sflag:s22] =	dma.local [hbm:s4], s20  }
0x9e: {  	_ =	swait.ge [sflag:s22], s20  }
0x9f: {  	s3 =	ssub.s32 $0x0, s20;
	[sflag:s22] =	ssyncset.done $0x0  }
0xa0: {  	[sflag:s22] =	ssyncadd.s32 s3;
	_ =	sdelay $0x1  }
0xa1: {  	s23 =	simm.s32 $0x1B8B  }
0xa2: {  	_ =	swait.ge [sflag:s23], $0x1  }
0xa3: {  	[sflag:s23] =	ssyncset.done $0x0  }
0xa4: {  	s25 =	simm.s32 $0x1B8E;
	s24 =	sld [smem:$0x3FFE];
	[sflag:s23] =	ssyncadd.s32 $0xFFFFFFFF  }
0xa5: {  	s26 =	simm.s32 $execute0_lowered;
	[smem:$0x3FD2] =	sst s25  }
0xa6: {  	s4 =	sshll.u32 s26, $0x1;
	_ =	strace $0x80000046;
	[dreg:$0x1] =	wrdreg $0xFFFFFFFF  }
0xa7: {  	s28 =	simm.s32 $_size_execute0_lowered;
	s2 =	sadd.s32 s2, s4;
	[dreg:$0x0] =	wrdreg $0x0  }
0xa8: {  	s4 =	sshll.u32 s28, $0x1;
	[dreg:$0x2] =	wrdreg s2  }
0xa9: {  	[dreg:$0x3] =	wrdreg s4  }
0xaa: {  	[dreg:$0x4] =	wrdreg $0xC0  }
0xab: {  	_ =	task [dreg:s6], $0x5FFFF  }
0xac: {  	[dreg:$0x1] =	wrdreg $0xFFFFFFFF  }
0xad: {  	[dreg:$0x0] =	wrdreg $0x60  }
0xae: {  	[dreg:$0x2] =	wrdreg s24  }
0xaf: {  	[dreg:$0x3] =	wrdreg $0x8F000  }
0xb0: {  	[dreg:$0x4] =	wrdreg $0x9  }
0xb1: {  	_ =	task.clear_ibuf [dreg:s6], $0x5FFFF;
	_ =	strace $0x90000046  }
0xb2: {  	s29 =	simm.s32 $0x9;
	_ =	strace $0x80000048  }
0xb3: {  	_ =	swait.ge [sflag:s29], $0x1  }
0xb4: {  	[sflag:s29] =	ssyncadd.s32 $0xFFFFFFFF  }
0xb5: {  	_ =	strace $0x90000048  }
0xb6: {  	_ =	sfence  }
0xb7: {  	s30 =	sld [smem:$0x0];
	_ =	sdelay $0x2  }
0xb8: {  	s31 =	sshll.u32 s1, $0xD;
	s1 =	sshrl.u32 s1, $0x2  }
0xb9: {  	s3 =	sand.u32 $0x4000, s31;
	s1 =	sadd.s32 s1, s30  }
0xba: {  	s0 =	sor.u32 s3, s0;
	s1 =	sshll.u32 s1, $0x11  }
0xbb: {  	s0 =	sor.u32 s1, s0  }
0xbc: {  	s0 =	sadd.s32 $0x8F2B, s0  }
0xbd: {  	[sflag:s0] =	ssyncadd.remote.s32 $0x1  }
0xbe: {  	_ =	sfence.sel $0xFFFF  }
0xbf: {  	[dreg:$0x0] =	wrdreg $0xFFFFFFFF;
	(pc) =	sbr.abs _section_cstart, $3  }
0xc0: {  	[dreg:$0x1] =	wrdreg $0xFFFFFFFF  }
0xc1: {  	_ =	task.clear_ibuf [dreg:s6], $0x2FFFF;
	_ =	strace $0x9FFFFFFF  }
0xc2: {  	(tm) =	ssettm $0x7FFFFFFF  }
0xc3: {  	_ =	shalt  }
tec
execute0_lowered:
.L_overlay_start_1:
0x0: {  	(tag) =	ssettag $0x1  }
0x1: {  	s0 =	srdreg.scid  }
0x2: {  	s12 =	stileid.u32;
	s5 =	rddreg [dreg:$0x0]  }
0x3: {  	s2 =	rddreg [dreg:$0x1];
	s3 =	simm.s32 $0x0;
	s14 =	simm.s32 $0x80  }
0x4: {  	s15 =	simm.s32 $0x4F00;
	s16 =	simm.s32 $0x5F00;
	s18 =	simm.s32 $0x6F00  }
0x5: {  	s20 =	simm.s32 $0x7F00;
	s21 =	simm.s32 $0x1;
	s22 =	simm.s32 $0x2  }
0x6: {  	s23 =	simm.s32 $0x3;
	s24 =	simm.s32 $0x4;
	s29 =	simm.s32 $0x2680  }
0x7: {  	s30 =	simm.s32 $0x4C80;
	s31 =	simm.s32 $0x2700;
	s13 =	simm.s32 $0x4E00  }
0x8: {  	s17 =	simm.s32 $0x4E80;
	s19 =	simm.s32 $0x0;
	s0 =	sand.u32 $0x1, s0  }
0x9: {  	s1 =	sshll.u32 s12, $0x1;
	s6 =	smul.u32 $0x5000, s12;
	[smem:$0x7FF] =	sst s3  }
0xa: {  	s4 =	sadd.s32 $0xE00, s5;
	s28 =	sshll.u32 s12, $0x6;
	s12 =	simm.s32 $0x5  }
0xb: {  	s1 =	sor.u32 s0, s1;
	s7 =	smul.u32 $0x50000, s0;
	_ =	strace $0x80000047  }
0xc: {  	s0 =	ssub.s32 $0x2, s0;
	s1 =	smul.u32 $0x2780, s1;
	s8 =	sshrl.u32 s6, $0x3  }
0xd: {  	s9 =	sshrl.u32 s0, $0x1;
	s11 =	sadd.s32 s6, s2;
	s7 =	sadd.s32 s6, s7  }
0xe: {  	s8 =	sadd.s32 s8, s5;
	s0 =	ssub.s32 s0, s9;
	s6 =	sor.u32 $0x1C05, s28  }
0xf: {  	s11 =	sshrl.u32 s11, $0x3;
	s1 =	sshrl.u32 s1, $0x3;
	s7 =	sshrl.u32 s7, $0x3  }
0x10: {  	s1 =	sadd.s32 s1, s5;
	s10 =	sadd.s32 s7, s5;
	s5 =	sadd.s32 $0x1E800, s8  }
0x11: {  	s7 =	sadd.s32 $0xAC00, s1;
	s8 =	sadd.s32 $0x14A00, s1;
	s9 =	sadd.s32 $0x28800, s10  }
0x12: {  	s10 =	smax.u32 s0, $0x1;
	s1 =	simm.s32 $0x4D00;
	s0 =	simm.s32 $0x4D80  }
.LBB2_1:
0x13: {  	[spmem:s11], [sflag:s6] =	dma.local [hbm:s5], $0xA00  }
0x14: {  	_ =	swait.ge [sflag:s12], $0xA00  }
0x15: {  	[sflag:s12] =	ssyncset.done $0x0  }
0x16: {  	[sflag:s12] =	ssyncadd.s32 $0xFFFFF600  }
0x17: {  	[tilespmem:s3], [sflag:$0x5] =	stream.linear.gather [hbm4b:s7+s3], $0x2780, $0x38;
	[tilespmem:$0xDF00] =	vst v63  }
0x18: {  	_ =	swait.ge [sflag:s12], $0x2780  }
0x19: {  	[sflag:s12] =	ssyncset.done $0x0  }
0x1a: {  	s25 =	simm.s32 $0x2780;
	[sflag:s12] =	ssyncadd.s32 $0xFFFFD880  }
0x1b: {  	[tilespmem:s25], [sflag:$0x5] =	stream.linear.gather [hbm4b:s8+s3], $0x2780, $0x38;
	[tilespmem:$0xDF00] =	vst v63  }
0x1c: {  	_ =	swait.ge [sflag:s12], $0x2780  }
0x1d: {  	[sflag:s12] =	ssyncset.done $0x0  }
0x1e: {  	[sflag:s12] =	ssyncadd.s32 $0xFFFFD880  }
0x1f: {  	[bflag:$0x0] =	sbarrier.arrive $0xFFFF  }
0x20: {  	[tilespmem:s15], [sflag:$0x1] =	stream.indirect.gather [hbm4b:s4+s14], $0x20, s3, s14, $0xb8;
	[tilespmem:$0xDF00] =	vst v63  }
0x21: {  	_ = 	snop  }
0x22: {  	[tilespmem:s16], [sflag:$0x2] =	stream.indirect.gather [hbm4b:s4+s14], $0x20, s14, s14, $0xb8;
	[tilespmem:$0xDF00] =	vst v63  }
0x23: {  	s28 =	simm.s32 $0x100  }
0x24: {  	[tilespmem:s18], [sflag:$0x3] =	stream.indirect.gather [hbm4b:s4+s14], $0x20, s28, s14, $0xb8;
	[tilespmem:$0xDF00] =	vst v63  }
0x25: {  	s26 =	simm.s32 $0x180  }
0x26: {  	[tilespmem:s20], [sflag:$0x4] =	stream.indirect.gather [hbm4b:s4+s14], $0x20, s26, s14, $0xb8;
	[tilespmem:$0xDF00] =	vst v63  }
0x27: {  	_ =	swait.ge [sflag:s21], $0x1000  }
0x28: {  	[sflag:s21] =	ssyncset.done $0x0  }
0x29: {  	s28 =	simm.s32 $0x2780;
	[sflag:s21] =	ssyncadd.s32 $0xFFFFF000  }
0x2a: {  	[spmem:s2] =	stream.indirect.scatter.add.f32 [tilespmem:s15], [sflag:$0x5], $0x20, s28, s14, $0xb8;
	[tilespmem:$0xDF00] =	vst v63  }
0x2b: {  	_ =	swait.ge [sflag:s12], $0x1000  }
0x2c: {  	[sflag:s12] =	ssyncset.done $0x0  }
0x2d: {  	s26 =	simm.s32 $0x200;
	[sflag:s12] =	ssyncadd.s32 $0xFFFFF000  }
0x2e: {  	[tilespmem:s15], [sflag:$0x1] =	stream.indirect.gather [hbm4b:s4+s14], $0x20, s26, s14, $0xb8;
	[tilespmem:$0xDF00] =	vst v63  }
0x2f: {  	_ =	swait.ge [sflag:s22], $0x1000  }
0x30: {  	[sflag:s22] =	ssyncset.done $0x0  }
0x31: {  	s28 =	simm.s32 $0x2800;
	[sflag:s22] =	ssyncadd.s32 $0xFFFFF000  }
0x32: {  	[spmem:s2] =	stream.indirect.scatter.add.f32 [tilespmem:s16], [sflag:$0x5], $0x20, s28, s14, $0xb8;
	[tilespmem:$0xDF00] =	vst v63  }
0x33: {  	_ =	swait.ge [sflag:s12], $0x1000  }
0x34: {  	[sflag:s12] =	ssyncset.done $0x0  }
0x35: {  	s26 =	simm.s32 $0x280;
	[sflag:s12] =	ssyncadd.s32 $0xFFFFF000  }
0x36: {  	[tilespmem:s16], [sflag:$0x2] =	stream.indirect.gather [hbm4b:s4+s14], $0x20, s26, s14, $0xb8;
	[tilespmem:$0xDF00] =	vst v63  }
0x37: {  	_ =	swait.ge [sflag:s23], $0x1000  }
0x38: {  	[sflag:s23] =	ssyncset.done $0x0  }
0x39: {  	s28 =	simm.s32 $0x2880;
	[sflag:s23] =	ssyncadd.s32 $0xFFFFF000  }
0x3a: {  	[spmem:s2] =	stream.indirect.scatter.add.f32 [tilespmem:s18], [sflag:$0x5], $0x20, s28, s14, $0xb8;
	[tilespmem:$0xDF00] =	vst v63  }
0x3b: {  	_ =	swait.ge [sflag:s12], $0x1000  }
0x3c: {  	[sflag:s12] =	ssyncset.done $0x0  }
0x3d: {  	s26 =	simm.s32 $0x300;
	[sflag:s12] =	ssyncadd.s32 $0xFFFFF000  }
0x3e: {  	[tilespmem:s18], [sflag:$0x3] =	stream.indirect.gather [hbm4b:s4+s14], $0x20, s26, s14, $0xb8;
	[tilespmem:$0xDF00] =	vst v63  }
0x3f: {  	_ =	swait.ge [sflag:s24], $0x1000  }
0x40: {  	[sflag:s24] =	ssyncset.done $0x0  }
0x41: {  	s28 =	simm.s32 $0x2900;
	[sflag:s24] =	ssyncadd.s32 $0xFFFFF000  }
0x42: {  	[spmem:s2] =	stream.indirect.scatter.add.f32 [tilespmem:s20], [sflag:$0x5], $0x20, s28, s14, $0xb8;
	[tilespmem:$0xDF00] =	vst v63  }
0x43: {  	_ =	swait.ge [sflag:s12], $0x1000  }
0x44: {  	[sflag:s12] =	ssyncset.done $0x0  }
0x45: {  	s25 =	simm.s32 $0x800;
	s26 =	simm.s32 $0x380;
	[sflag:s12] =	ssyncadd.s32 $0xFFFFF000  }
.LBB2_2:
0x46: {  	[tilespmem:s20], [sflag:$0x4] =	stream.indirect.gather [hbm4b:s4+s14], $0x20, s26, s14, $0xb8;
	[tilespmem:$0xDF00] =	vst v63  }
0x47: {  	s26 =	smov.u32 s25  }
0x48: {  	p0 =	sne.s32 s25, $0x8800;
	s25 =	sadd.s32 $0x800, s25;
	_ =	swait.ge [sflag:s21], $0x1000  }
0x49: {  	s26 =	sshra.s32 s26, $0x2;
	[sflag:s21] =	ssyncset.done $0x0  }
0x4a: {  	s28 =	sadd.s32 $0x2780, s26;
	[sflag:s21] =	ssyncadd.s32 $0xFFFFF000  }
0x4b: {  	[spmem:s2] =	stream.indirect.scatter.add.f32 [tilespmem:s15], [sflag:$0x5], $0x20, s28, s14, $0xb8;
	[tilespmem:$0xDF00] =	vst v63  }
0x4c: {  	_ =	swait.ge [sflag:s12], $0x1000  }
0x4d: {  	[sflag:s12] =	ssyncset.done $0x0  }
0x4e: {  	s28 =	sadd.s32 $0x200, s26;
	[sflag:s12] =	ssyncadd.s32 $0xFFFFF000  }
0x4f: {  	[tilespmem:s15], [sflag:$0x1] =	stream.indirect.gather [hbm4b:s4+s14], $0x20, s28, s14, $0xb8;
	[tilespmem:$0xDF00] =	vst v63  }
0x50: {  	_ =	swait.ge [sflag:s22], $0x1000  }
0x51: {  	[sflag:s22] =	ssyncset.done $0x0  }
0x52: {  	s28 =	sadd.s32 $0x2800, s26;
	[sflag:s22] =	ssyncadd.s32 $0xFFFFF000  }
0x53: {  	[spmem:s2] =	stream.indirect.scatter.add.f32 [tilespmem:s16], [sflag:$0x5], $0x20, s28, s14, $0xb8;
	[tilespmem:$0xDF00] =	vst v63  }
0x54: {  	_ =	swait.ge [sflag:s12], $0x1000  }
0x55: {  	[sflag:s12] =	ssyncset.done $0x0  }
0x56: {  	s28 =	sadd.s32 $0x280, s26;
	[sflag:s12] =	ssyncadd.s32 $0xFFFFF000  }
0x57: {  	[tilespmem:s16], [sflag:$0x2] =	stream.indirect.gather [hbm4b:s4+s14], $0x20, s28, s14, $0xb8;
	[tilespmem:$0xDF00] =	vst v63  }
0x58: {  	_ =	swait.ge [sflag:s23], $0x1000  }
0x59: {  	[sflag:s23] =	ssyncset.done $0x0  }
0x5a: {  	s28 =	sadd.s32 $0x2880, s26;
	[sflag:s23] =	ssyncadd.s32 $0xFFFFF000  }
0x5b: {  	[spmem:s2] =	stream.indirect.scatter.add.f32 [tilespmem:s18], [sflag:$0x5], $0x20, s28, s14, $0xb8;
	[tilespmem:$0xDF00] =	vst v63  }
0x5c: {  	_ =	swait.ge [sflag:s12], $0x1000  }
0x5d: {  	[sflag:s12] =	ssyncset.done $0x0  }
0x5e: {  	s28 =	sadd.s32 $0x300, s26;
	[sflag:s12] =	ssyncadd.s32 $0xFFFFF000  }
0x5f: {  	[tilespmem:s18], [sflag:$0x3] =	stream.indirect.gather [hbm4b:s4+s14], $0x20, s28, s14, $0xb8;
	[tilespmem:$0xDF00] =	vst v63  }
0x60: {  	_ =	swait.ge [sflag:s24], $0x1000  }
0x61: {  	[sflag:s24] =	ssyncset.done $0x0  }
.Ltmp0:
0x62: {  	s28 =	sadd.s32 $0x2900, s26;
	[sflag:s24] =	ssyncadd.s32 $0xFFFFF000;
	(pc) =	sbr.rel @p0 .LBB2_2-.Ltmp0, $4  }
0x63: {  	[spmem:s2] =	stream.indirect.scatter.add.f32 [tilespmem:s20], [sflag:$0x5], $0x20, s28, s14, $0xb8;
	[tilespmem:$0xDF00] =	vst v63  }
0x64: {  	_ =	swait.ge [sflag:s12], $0x1000  }
0x65: {  	[sflag:s12] =	ssyncset.done $0x0  }
0x66: {  	s26 =	sadd.s32 $0x380, s26;
	[sflag:s12] =	ssyncadd.s32 $0xFFFFF000  }
0x67: {  	[tilespmem:s20], [sflag:$0x4] =	stream.indirect.gather [hbm4b:s4+s14], $0x20, s26, s14, $0xb8;
	[tilespmem:$0xDF00] =	vst v63  }
0x68: {  	_ =	swait.ge [sflag:s21], $0x1000  }
0x69: {  	[sflag:s21] =	ssyncset.done $0x0  }
0x6a: {  	s25 =	simm.s32 $0x4B80;
	[sflag:s21] =	ssyncadd.s32 $0xFFFFF000  }
0x6b: {  	[spmem:s2] =	stream.indirect.scatter.add.f32 [tilespmem:s15], [sflag:$0x5], $0x20, s25, s14, $0xb8;
	[tilespmem:$0xDF00] =	vst v63  }
0x6c: {  	_ =	swait.ge [sflag:s12], $0x1000  }
0x6d: {  	[sflag:s12] =	ssyncset.done $0x0  }
0x6e: {  	s26 =	simm.s32 $0x2600;
	[sflag:s12] =	ssyncadd.s32 $0xFFFFF000  }
0x6f: {  	[tilespmem:s15], [sflag:$0x1] =	stream.indirect.gather [hbm4b:s4+s14], $0x20, s26, s14, $0xb8;
	[tilespmem:$0xDF00] =	vst v63  }
0x70: {  	_ =	swait.ge [sflag:s22], $0x1000  }
0x71: {  	[sflag:s22] =	ssyncset.done $0x0  }
0x72: {  	s28 =	simm.s32 $0x4C00;
	[sflag:s22] =	ssyncadd.s32 $0xFFFFF000  }
0x73: {  	[spmem:s2] =	stream.indirect.scatter.add.f32 [tilespmem:s16], [sflag:$0x5], $0x20, s28, s14, $0xb8;
	[tilespmem:$0xDF00] =	vst v63  }
0x74: {  	_ =	swait.ge [sflag:s12], $0x1000  }
0x75: {  	[sflag:s12] =	ssyncset.done $0x0  }
0x76: {  	[sflag:s12] =	ssyncadd.s32 $0xFFFFF000  }
0x77: {  	[tilespmem:s16], [sflag:$0x2] =	stream.indirect.gather [hbm4b:s4+s14], $0x20, s29, s14, $0xb8;
	[tilespmem:$0xDF00] =	vst v63  }
0x78: {  	_ =	swait.ge [sflag:s23], $0x1000  }
0x79: {  	[sflag:s23] =	ssyncset.done $0x0  }
0x7a: {  	[sflag:s23] =	ssyncadd.s32 $0xFFFFF000  }
0x7b: {  	[spmem:s2] =	stream.indirect.scatter.add.f32 [tilespmem:s18], [sflag:$0x5], $0x20, s30, s14, $0xb8;
	[tilespmem:$0xDF00] =	vst v63  }
0x7c: {  	_ =	swait.ge [sflag:s12], $0x1000  }
0x7d: {  	[sflag:s12] =	ssyncset.done $0x0  }
0x7e: {  	[sflag:s12] =	ssyncadd.s32 $0xFFFFF000  }
0x7f: {  	[tilespmem:s18], [sflag:$0x3] =	stream.indirect.gather [hbm4b:s4+s14], $0x20, s31, s14, $0xb8;
	[tilespmem:$0xDF00] =	vst v63  }
0x80: {  	_ =	swait.ge [sflag:s24], $0x1000  }
0x81: {  	[sflag:s24] =	ssyncset.done $0x0  }
0x82: {  	[sflag:s24] =	ssyncadd.s32 $0xFFFFF000  }
0x83: {  	[spmem:s2] =	stream.indirect.scatter.add.f32 [tilespmem:s20], [sflag:$0x5], $0x20, s1, s14, $0xb8;
	[tilespmem:$0xDF00] =	vst v63  }
0x84: {  	_ =	swait.ge [sflag:s12], $0x1000  }
0x85: {  	[sflag:s12] =	ssyncset.done $0x0  }
0x86: {  	[sflag:s12] =	ssyncadd.s32 $0xFFFFF000  }
0x87: {  	_ =	swait.ge [sflag:s21], $0x1000  }
0x88: {  	[sflag:s21] =	ssyncset.done $0x0  }
0x89: {  	[sflag:s21] =	ssyncadd.s32 $0xFFFFF000  }
0x8a: {  	[spmem:s2] =	stream.indirect.scatter.add.f32 [tilespmem:s15], [sflag:$0x5], $0x20, s0, s14, $0xb8;
	[tilespmem:$0xDF00] =	vst v63  }
0x8b: {  	_ =	swait.ge [sflag:s12], $0x1000  }
0x8c: {  	[sflag:s12] =	ssyncset.done $0x0  }
0x8d: {  	[sflag:s12] =	ssyncadd.s32 $0xFFFFF000  }
0x8e: {  	_ =	swait.ge [sflag:s22], $0x1000  }
0x8f: {  	[sflag:s22] =	ssyncset.done $0x0  }
0x90: {  	[sflag:s22] =	ssyncadd.s32 $0xFFFFF000  }
0x91: {  	[spmem:s2] =	stream.indirect.scatter.add.f32 [tilespmem:s16], [sflag:$0x5], $0x20, s13, s14, $0xb8;
	[tilespmem:$0xDF00] =	vst v63  }
0x92: {  	_ =	swait.ge [sflag:s12], $0x1000  }
0x93: {  	[sflag:s12] =	ssyncset.done $0x0  }
0x94: {  	[sflag:s12] =	ssyncadd.s32 $0xFFFFF000  }
0x95: {  	_ =	swait.ge [sflag:s23], $0x1000  }
0x96: {  	[sflag:s23] =	ssyncset.done $0x0  }
0x97: {  	[sflag:s23] =	ssyncadd.s32 $0xFFFFF000  }
0x98: {  	[spmem:s2] =	stream.indirect.scatter.add.f32 [tilespmem:s18], [sflag:$0x5], $0x20, s17, s14, $0xb8;
	[tilespmem:$0xDF00] =	vst v63  }
0x99: {  	_ =	swait.ge [sflag:s12], $0x1000  }
0x9a: {  	s19 =	sadd.s32 $0x1, s19;
	[sflag:s12] =	ssyncset.done $0x0  }
0x9b: {  	p0 =	sne.s32 s19, s10;
	[sflag:s12] =	ssyncadd.s32 $0xFFFFF000  }
.Ltmp1:
0x9c: {  	[bflag:$0x0] =	sbarrier.arrive $0xFFFF;
	(pc) =	sbr.rel @p0 .LBB2_1-.Ltmp1, $4  }
0x9d: {  	[hbm:s9], [sflag:s6] =	dma.local [spmem:s11], $0xA00  }
0x9e: {  	_ =	swait.ge [sflag:s12], $0xA00  }
0x9f: {  	[sflag:s12] =	ssyncset.done $0x0  }
0xa0: {  	[sflag:s12] =	ssyncadd.s32 $0xFFFFF600  }
0xa1: {  	_ =	sfence.sel $0x180000  }
0xa2: {  	[bflag:$0x0] =	sbarrier.arrive $0xFFFF  }
0xa3: {  	_ =	strace $0x90000047  }
0xa4: {  	s0 =	stileid.u32;
	[bflag:$0x2] =	sbarrier.arrive $0xFFFF  }
0xa5: {  	p0 =	sne.s32 s0, $0x0;
	s0 =	rddreg [dreg:$0x2]  }
0xa6: {  	s0 =	sadd.s32 @!p0 $0x100000, s0  }
0xa7: {  	[sflag:s0] =	ssyncadd.tile.s32 @!p0 $0x1;
	_ =	shalt  }
.Lfunc_end2:
_tile_overlayer_lowered:
.L_overlay_start_2:
0xa8: {  	(tag) =	ssettag $0x2  }
0xa9: {  	s0 =	rddreg [dreg:$0x0];
	s2 =	stileid.u32  }
0xaa: {  	s1 =	rddreg [dreg:$0x1];
	p0 =	sne.s32 s2, $0x0  }
0xab: {  	s3 =	rddreg [dreg:$0x2];
	[bflag:$0x3] =	sbarrier.arrive $0xFFFF;
	s2 =	simm.s32 @!p0 $0x1C05  }
0xac: {  	[timem:s3], [sflag:s2] =	dma.local @!p0 [hbm:s0], s1  }
0xad: {  	s0 =	simm.s32 @!p0 $0x5  }
0xae: {  	_ =	swait.ge @!p0 [sflag:s0], s1  }
0xaf: {  	s1 =	ssub.s32 @!p0 $0x0, s1;
	[sflag:s0] =	ssyncset.done @!p0 $0x0  }
0xb0: {  	[sflag:s0] =	ssyncadd.s32 @!p0 s1  }
0xb1: {  	[bflag:$0x3] =	sbarrier.arrive $0xFFFF  }
0xb2: {  	_ =	shalt  }

// kernel: kernel.9.cloned.1.call-start
scs
__scs_entry_jumppad:
0x0: {  	(pc) =	sbr.rel $0x88, $3  }
0x1: {  	(tag) =	ssettag $0x0;
	lr =	simm.s32 $0x1  }
0x2: {  	[smem:$0x3F9D] =	sst lr;
	_ =	strace $0xD0000000  }
0x3: {  	_ = 	snop  }
0x4: {  	_ = 	snop  }
0x5: {  	_ = 	snop  }
0x6: {  	_ = 	snop  }
0x7: {  	_ = 	snop  }
__scs_overlays_trampoline_lowered:
0x8: {  	[smem:$0x3FAC] =	sst s0  }
0x9: {  	[smem:$0x3FAD] =	sst s1  }
0xa: {  	[smem:$0x3FAE] =	sst s2  }
0xb: {  	[smem:$0x3FAF] =	sst s3  }
0xc: {  	[smem:$0x3FB0] =	sst s4  }
0xd: {  	[smem:$0x3FB1] =	sst s5  }
0xe: {  	[smem:$0x3FB2] =	sst s6  }
0xf: {  	[smem:$0x3FB3] =	sst s7  }
0x10: {  	[smem:$0x3FB4] =	sst s8  }
0x11: {  	[smem:$0x3FB5] =	sst s9;
	s0 =	simm.s32 @!p0 $0x0  }
0x12: {  	s1 =	sld [smem:$0x3F9B];
	s0 =	simm.s32 @p0 $0x1  }
0x13: {  	[smem:$0x3FB6] =	sst s0;
	s0 =	simm.s32 @!p1 $0x0  }
0x14: {  	s2 =	sld [smem:$0x3F9A];
	s0 =	simm.s32 @p1 $0x1  }
0x15: {  	[smem:$0x3FB7] =	sst s0;
	s0 =	simm.s32 @!p2 $0x0  }
0x16: {  	s3 =	sld [smem:$0x3FDB];
	s0 =	simm.s32 @p2 $0x1  }
0x17: {  	s4 =	simm.s32 $0x1BF5;
	[smem:$0x3FB9] =	sst s0  }
0x18: {  	s0 =	sld [smem:$0x3F9C];
	_ =	swait.ge [sflag:s4], $0x0  }
0x19: {  	s7 =	sld [smem:$0x3F9D]  }
0x1a: {  	s8 =	sadd.s32 $0xFFFFE003, lr  }
0x1b: {  	s9 =	sadd.s32 $0xFFFFFEF7, lr;
	s5 =	simm.s32 $0xFFFFFFFF;
	p2 =	slt.u32 s8, $0xFFFFF086  }
0x1c: {  	p1 =	slt.u32 s9, $0xF7A;
	s5 =	simm.s32 @!p2 $0x0  }
0x1d: {  	s5 =	simm.s32 @p1 $0x1;
	p0 =	seq.s32 s7, s2  }
0x1e: {  	s7 =	smul.u32 @!p0 $0xF7A, s2;
	p2 =	seq.s32 @!p0 s5, $0x0  }
0x1f: {  	s9 =	smul.u32 $0xF7A, s1;
	s8 =	simm.s32 @!p0 $0x1BF5;
	p2 =	por !p2, p0  }
0x20: {  	[sflag:s8] =	ssyncset.s32 @!p0 $0xFFFFF086;
	s6 =	sadd.s32 @!p0 s3, s7;
	s7 =	simm.s32 @!p0 $0x108  }
0x21: {  	s3 =	sadd.s32 s3, s9;
	s6 =	sadd.s32 @!p0 $0x88, s6;
	s7 =	simm.s32 @p2 $0x1082  }
0x22: {  	[simem:s7], [sflag:s8] =	dma.local @!p0 [hbm:s6], $0xF7A  }
0x23: {  	s9 =	sor.u32 $0xD0000000, s2;
	s6 =	simm.s32 $0x108;
	_ =	swait.ge @!p0 [sflag:s8], $0x0  }
0x24: {  	s3 =	sadd.s32 $0x88, s3;
	s6 =	simm.s32 @!p1 $0x1082;
	[sflag:s4] =	ssyncset.s32 $0xFFFFF086  }
0x25: {  	[simem:s6], [sflag:s4] =	dma.local [hbm:s3], $0xF7A  }
0x26: {  	[smem:$0x3F9D] =	sst s1;
	(tag) =	ssettag s2;
	_ =	strace s9  }
0x27: {  	s1 =	sld [smem:$0x3FAD]  }
0x28: {  	s2 =	sld [smem:$0x3FAE]  }
0x29: {  	s4 =	sld [smem:$0x3FB0]  }
0x2a: {  	p0 =	seq.s32 s5, $0x0;
	s5 =	sld [smem:$0x3FB1]  }
0x2b: {  	s6 =	sld [smem:$0x3FB2]  }
0x2c: {  	s7 =	sld [smem:$0x3FB3]  }
0x2d: {  	s3 =	simm.s32 $0x108;
	s8 =	sld [smem:$0x3FB4]  }
0x2e: {  	s3 =	simm.s32 @!p0 $0x1082;
	s9 =	sld [smem:$0x3FB5]  }
0x2f: {  	lr =	sadd.s32 s0, s3;
	s0 =	sld [smem:$0x3FAC]  }
0x30: {  	s3 =	sld [smem:$0x3FAF]  }
0x31: {  	[smem:$0x3FB8] =	sst s10  }
0x32: {  	s10 =	sld [smem:$0x3FB6];
	_ =	sdelay $0x3  }
0x33: {  	p0 =	seq.s32 s10, $0x1;
	s10 =	sld [smem:$0x3FB8];
	_ =	sdelay $0x3  }
0x34: {  	[smem:$0x3FB8] =	sst s10  }
0x35: {  	s10 =	sld [smem:$0x3FB7];
	_ =	sdelay $0x3  }
0x36: {  	p1 =	seq.s32 s10, $0x1;
	s10 =	sld [smem:$0x3FB8];
	_ =	sdelay $0x3  }
0x37: {  	[smem:$0x3FB8] =	sst s10  }
0x38: {  	s10 =	sld [smem:$0x3FB9]  }
0x39: {  	_ = 	snop;
	(pc) =	sbr.ind lr, $3  }
0x3a: {  	_ = 	snop  }
0x3b: {  	_ = 	snop  }
0x3c: {  	p2 =	seq.s32 s10, $0x1;
	s10 =	sld [smem:$0x3FB8]  }
0x3d: {  	_ =	shalt  }
0x3e: {  	_ =	shalt  }
0x3f: {  	_ =	shalt  }
0x40: {  	_ =	shalt  }
0x41: {  	_ =	shalt  }
0x42: {  	_ =	shalt  }
0x43: {  	_ =	shalt  }
0x44: {  	_ =	shalt  }
0x45: {  	_ =	shalt  }
0x46: {  	_ =	shalt  }
0x47: {  	_ =	shalt  }
0x48: {  	_ =	shalt  }
0x49: {  	_ =	shalt  }
0x4a: {  	_ =	shalt  }
0x4b: {  	_ =	shalt  }
0x4c: {  	_ =	shalt  }
0x4d: {  	_ =	shalt  }
0x4e: {  	_ =	shalt  }
0x4f: {  	_ =	shalt  }
0x50: {  	_ =	shalt  }
0x51: {  	_ =	shalt  }
0x52: {  	_ =	shalt  }
0x53: {  	_ =	shalt  }
0x54: {  	_ =	shalt  }
0x55: {  	_ =	shalt  }
0x56: {  	_ =	shalt  }
0x57: {  	_ =	shalt  }
0x58: {  	_ =	shalt  }
0x59: {  	_ =	shalt  }
0x5a: {  	_ =	shalt  }
0x5b: {  	_ =	shalt  }
0x5c: {  	_ =	shalt  }
0x5d: {  	_ =	shalt  }
0x5e: {  	_ =	shalt  }
0x5f: {  	_ =	shalt  }
0x60: {  	_ =	shalt  }
0x61: {  	_ =	shalt  }
0x62: {  	_ =	shalt  }
0x63: {  	_ =	shalt  }
0x64: {  	_ =	shalt  }
0x65: {  	_ =	shalt  }
0x66: {  	_ =	shalt  }
0x67: {  	_ =	shalt  }
0x68: {  	_ =	shalt  }
0x69: {  	_ =	shalt  }
0x6a: {  	_ =	shalt  }
0x6b: {  	_ =	shalt  }
0x6c: {  	_ =	shalt  }
0x6d: {  	_ =	shalt  }
0x6e: {  	_ =	shalt  }
0x6f: {  	_ =	shalt  }
0x70: {  	_ =	shalt  }
0x71: {  	_ =	shalt  }
0x72: {  	_ =	shalt  }
0x73: {  	_ =	shalt  }
0x74: {  	_ =	shalt  }
0x75: {  	_ =	shalt  }
0x76: {  	_ =	shalt  }
0x77: {  	_ =	shalt  }
0x78: {  	_ =	shalt  }
0x79: {  	_ =	shalt  }
0x7a: {  	_ =	shalt  }
0x7b: {  	_ =	shalt  }
0x7c: {  	_ =	shalt  }
0x7d: {  	_ =	shalt  }
0x7e: {  	_ =	shalt  }
0x7f: {  	_ =	shalt  }
0x80: {  	_ =	shalt  }
0x81: {  	_ =	shalt  }
0x82: {  	_ =	shalt  }
0x83: {  	_ =	shalt  }
0x84: {  	_ =	shalt  }
0x85: {  	_ =	shalt  }
0x86: {  	_ =	shalt  }
0x87: {  	_ =	shalt  }
.Lfunc_end0:
.L_simem_size_0:
called_computation.1_lowered:
.L_overlay_start_0:
0x88: {  	s2 =	sld [smem:$0x3FD9]  }
0x89: {  	s3 =	sld [smem:$0x3FFE];
	_ =	sdelay $0x1  }
0x8a: {  	s1 =	srdreg.scid  }
0x8b: {  	s0 =	sand.u32 $0x1, s1  }
0x8c: {  	s17 =	sshll.u32 s0, $0xA;
	s2 =	sadd.s32 s3, s2  }
0x8d: {  	s2 =	sadd.s32 s2, s17  }
0x8e: {  	[smem:$0x3FC4] =	sst s2  }
0x8f: {  	_ = 	snop  }
0x90: {  	s2 =	sld [smem:$0x3FD0];
	(tm) =	ssettm $0x1  }
0x91: {  	s18 =	sld [smem:$0x3FFB];
	_ =	sdelay $0x3  }
0x92: {  	_ =	strace s18  }
0x93: {  	s3 =	sld [smem:$0x3FFC];
	_ =	sdelay $0x3  }
0x94: {  	_ =	strace s3  }
0x95: {  	s3 =	sld [smem:$0x3FFD];
	_ =	sdelay $0x3  }
0x96: {  	_ =	strace s3  }
0x97: {  	_ =	strace $0x8FFFFFFF  }
0x98: {  	s19 =	sld [smem:$0x3FDB];
	_ =	sdelay $0x1  }
0x99: {  	s4 =	simm.s32 $_scs_section_size  }
0x9a: {  	s5 =	simm.s32 $_size__tile_overlayer_lowered;
	s6 =	simm.s32 $_tile_overlayer_lowered  }
0x9b: {  	s22 =	simm.s32 $0x1BFF;
	s21 =	sshll.u32 s6, $0x1;
	s3 =	sadd.s32 s4, s19  }
0x9c: {  	s7 =	simm.s32 $0x0;
	s20 =	sshll.u32 s5, $0x1;
	s5 =	sadd.s32 s21, s3  }
0x9d: {  	[timem:s7], [sflag:s22] =	dma.local [hbm:s5], s20  }
0x9e: {  	_ =	swait.ge [sflag:s22], s20  }
0x9f: {  	s4 =	ssub.s32 $0x0, s20;
	[sflag:s22] =	ssyncset.done $0x0  }
0xa0: {  	[sflag:s22] =	ssyncadd.s32 s4;
	_ =	sdelay $0x1  }
0xa1: {  	s23 =	simm.s32 $0x1B8B  }
0xa2: {  	_ =	swait.ge [sflag:s23], $0x1  }
0xa3: {  	[sflag:s23] =	ssyncset.done $0x0  }
0xa4: {  	s25 =	simm.s32 $0x1B8E;
	s24 =	sld [smem:$0x3FFE];
	[sflag:s23] =	ssyncadd.s32 $0xFFFFFFFF  }
0xa5: {  	s26 =	simm.s32 $execute0_lowered;
	[smem:$0x3FD2] =	sst s25  }
0xa6: {  	s5 =	sshll.u32 s26, $0x1;
	_ =	strace $0x80000049;
	[dreg:$0x1] =	wrdreg $0xFFFFFFFF  }
0xa7: {  	s28 =	simm.s32 $_size_execute0_lowered;
	s3 =	sadd.s32 s3, s5;
	[dreg:$0x0] =	wrdreg $0x0  }
0xa8: {  	s5 =	sshll.u32 s28, $0x1;
	[dreg:$0x2] =	wrdreg s3  }
0xa9: {  	[dreg:$0x3] =	wrdreg s5  }
0xaa: {  	[dreg:$0x4] =	wrdreg $0xC0  }
0xab: {  	_ =	task [dreg:s7], $0x5FFFF  }
0xac: {  	[dreg:$0x1] =	wrdreg $0xFFFFFFFF  }
0xad: {  	[dreg:$0x0] =	wrdreg $0x60  }
0xae: {  	[dreg:$0x2] =	wrdreg s24  }
0xaf: {  	[dreg:$0x3] =	wrdreg s2  }
0xb0: {  	[dreg:$0x4] =	wrdreg $0x101000  }
0xb1: {  	[dreg:$0x5] =	wrdreg $0x103800  }
0xb2: {  	[dreg:$0x6] =	wrdreg $0xFC000  }
0xb3: {  	[dreg:$0x7] =	wrdreg $0xFE800  }
0xb4: {  	[dreg:$0x8] =	wrdreg $0x9  }
0xb5: {  	_ =	task.clear_ibuf [dreg:s7], $0x9FFFF;
	_ =	strace $0x90000049  }
0xb6: {  	s29 =	simm.s32 $0x9;
	_ =	strace $0x8000004B  }
0xb7: {  	_ =	swait.ge [sflag:s29], $0x1  }
0xb8: {  	[sflag:s29] =	ssyncadd.s32 $0xFFFFFFFF  }
0xb9: {  	_ =	strace $0x9000004B  }
0xba: {  	_ =	sfence  }
0xbb: {  	s30 =	sld [smem:$0x0];
	_ =	sdelay $0x2  }
0xbc: {  	s31 =	sshll.u32 s1, $0xD;
	s1 =	sshrl.u32 s1, $0x2  }
0xbd: {  	s3 =	sand.u32 $0x4000, s31;
	s1 =	sadd.s32 s1, s30  }
0xbe: {  	s0 =	sor.u32 s3, s0;
	s1 =	sshll.u32 s1, $0x11  }
0xbf: {  	s0 =	sor.u32 s1, s0  }
0xc0: {  	s0 =	sadd.s32 $0x8F2B, s0  }
0xc1: {  	[sflag:s0] =	ssyncadd.remote.s32 $0x1  }
0xc2: {  	_ =	sfence.sel $0xFFFF  }
0xc3: {  	[dreg:$0x0] =	wrdreg $0xFFFFFFFF;
	(pc) =	sbr.abs _section_cstart, $3  }
0xc4: {  	[dreg:$0x1] =	wrdreg $0xFFFFFFFF  }
0xc5: {  	_ =	task.clear_ibuf [dreg:s7], $0x2FFFF;
	_ =	strace $0x9FFFFFFF  }
0xc6: {  	(tm) =	ssettm $0x7FFFFFFF  }
0xc7: {  	_ =	shalt  }
tec
execute0_lowered:
.L_overlay_start_1:
0x0: {  	(tag) =	ssettag $0x1  }
0x1: {  	s0 =	rddreg [dreg:$0x0]  }
0x2: {  	s2 =	rddreg [dreg:$0x2]  }
0x3: {  	s13 =	stileid.u32;
	s3 =	rddreg [dreg:$0x3]  }
0x4: {  	s1 =	srdreg.scid;
	s5 =	rddreg [dreg:$0x4]  }
0x5: {  	s6 =	rddreg [dreg:$0x5];
	s7 =	simm.s32 $0x0;
	s28 =	simm.s32 $0xF300  }
0x6: {  	s29 =	simm.s32 $0xF580;
	s30 =	simm.s32 $0x80;
	s31 =	simm.s32 $0xF800  }
0x7: {  	s14 =	simm.s32 $0x5;
	s1 =	sand.u32 $0x1, s1;
	s8 =	smul.u32 $0x5000, s13  }
0x8: {  	s4 =	sshll.u32 s13, $0x1;
	s10 =	smul.u32 $0x280, s13;
	[smem:$0x7FF] =	sst s7  }
0x9: {  	s17 =	sshll.u32 s13, $0x6;
	s13 =	simm.s32 $0x3;
	s4 =	sor.u32 s1, s4  }
0xa: {  	s9 =	smul.u32 $0x5000, s1;
	_ =	strace $0x8000004A;
	s1 =	ssub.s32 $0x2, s1  }
0xb: {  	s17 =	sor.u32 $0x1C09, s17;
	s4 =	smul.u32 $0x2780, s4;
	s8 =	sshrl.u32 s8, $0x3  }
0xc: {  	s11 =	sshrl.u32 s10, $0x3;
	s12 =	sshrl.u32 s1, $0x1;
	s15 =	sadd.s32 s10, s2  }
0xd: {  	s18 =	sadd.s32 s10, s3;
	s23 =	sadd.s32 s10, s5;
	[dreg:$0x8] =	wrdreg s17  }
0xe: {  	s24 =	sadd.s32 s10, s6;
	s8 =	sadd.s32 s8, s0;
	[dreg:$0x9] =	wrdreg s18  }
0xf: {  	s9 =	sadd.s32 s10, s9;
	s11 =	sadd.s32 s11, s0;
	[dreg:$0xf] =	wrdreg s23  }
0x10: {  	s1 =	ssub.s32 s1, s12;
	[dreg:$0x10] =	wrdreg s24;
	s24 =	simm.s32 $0x4F00  }
0x11: {  	s23 =	simm.s32 $0x1;
	s10 =	simm.s32 $0x2;
	s12 =	simm.s32 $0xFB80  }
0x12: {  	s18 =	simm.s32 $0x7;
	s4 =	sshrl.u32 s4, $0x3;
	s16 =	sadd.s32 $0xE00, s11  }
0x13: {  	s9 =	sshrl.u32 s9, $0x3;
	s19 =	sadd.s32 $0x1300, s11;
	[dreg:$0x7] =	wrdreg s16  }
0x14: {  	s21 =	sadd.s32 $0x28800, s8;
	s22 =	sadd.s32 $0x32800, s8;
	[dreg:$0xa] =	wrdreg s19  }
0x15: {  	s26 =	smax.u32 s1, $0x1;
	s1 =	simm.s32 $0xFA80;
	[dreg:$0xd] =	wrdreg s21  }
0x16: {  	s8 =	simm.s32 $0xFB00;
	s11 =	simm.s32 $0xF980;
	[dreg:$0xe] =	wrdreg s22  }
0x17: {  	s4 =	sadd.s32 s4, s0;
	[dreg:$0x13] =	wrdreg s26;
	s19 =	sshrl.u32 s15, $0x3  }
0x18: {  	s0 =	sadd.s32 s9, s0;
	s20 =	sadd.s32 $0xAC00, s4;
	[dreg:$0x14] =	wrdreg s19  }
0x19: {  	s22 =	simm.s32 $0x9;
	s4 =	sadd.s32 $0x14A00, s4;
	[dreg:$0xb] =	wrdreg s20  }
0x1a: {  	s26 =	simm.s32 $0xF900;
	s25 =	sadd.s32 $0x1800, s0;
	[dreg:$0xc] =	wrdreg s4  }
0x1b: {  	s15 =	simm.s32 $0x4;
	s0 =	sadd.s32 $0x1D00, s0;
	[dreg:$0x11] =	wrdreg s25  }
0x1c: {  	s16 =	simm.s32 $0x6;
	[dreg:$0x12] =	wrdreg s0;
	s25 =	simm.s32 $0x9F00  }
0x1d: {  	v40 =	vlaneseq.u32;
	s4 =	simm.s32 $0xFA00;
	s0 =	simm.s32 $0xF880;
	s20 =	simm.s32 $0x0  }
.LBB2_1:
0x1e: {  	s9 =	rddreg [dreg:$0x7]  }
0x1f: {  	[spmem:s19], [sflag:s17] =	dma.local [hbm:s9], $0x50  }
0x20: {  	_ =	swait.ge [sflag:s22], $0x50  }
0x21: {  	s21 =	rddreg [dreg:$0x9]  }
0x22: {  	[sflag:s22] =	ssyncset.done $0x0;
	s9 =	sshrl.u32 s21, $0x3;
	s21 =	rddreg [dreg:$0xa]  }
0x23: {  	[sflag:s22] =	ssyncadd.s32 $0xFFFFFFB0;
	[dreg:$0x15] =	wrdreg s9  }
0x24: {  	[spmem:s9], [sflag:s17] =	dma.local [hbm:s21], $0x50  }
0x25: {  	_ =	swait.ge [sflag:s22], $0x50  }
0x26: {  	[sflag:s22] =	ssyncset.done $0x0  }
0x27: {  	s21 =	rddreg [dreg:$0xb];
	[sflag:s22] =	ssyncadd.s32 $0xFFFFFFB0  }
0x28: {  	[tilespmem:s7], [sflag:$0x9] =	stream.linear.gather [hbm4b:s21+s7], $0x2780, $0x38;
	[tilespmem:$0x10600] =	vst v63  }
0x29: {  	_ =	swait.ge [sflag:s22], $0x2780  }
0x2a: {  	[sflag:s22] =	ssyncset.done $0x0  }
0x2b: {  	s19 =	simm.s32 $0x2780;
	s17 =	rddreg [dreg:$0xc];
	[sflag:s22] =	ssyncadd.s32 $0xFFFFD880  }
0x2c: {  	[tilespmem:s19], [sflag:$0x9] =	stream.linear.gather [hbm4b:s17+s7], $0x2780, $0x38;
	[tilespmem:$0x10600] =	vst v63  }
0x2d: {  	_ =	swait.ge [sflag:s22], $0x2780  }
0x2e: {  	[sflag:s22] =	ssyncset.done $0x0  }
0x2f: {  	s21 =	rddreg [dreg:$0xd];
	[sflag:s22] =	ssyncadd.s32 $0xFFFFD880  }
0x30: {  	[tilespmem:s24], [sflag:$0x9] =	stream.linear.gather [hbm4b:s21+s7], $0x5000, $0x38;
	[tilespmem:$0x10600] =	vst v63  }
0x31: {  	_ =	swait.ge [sflag:s22], $0x5000  }
0x32: {  	[sflag:s22] =	ssyncset.done $0x0  }
0x33: {  	s17 =	rddreg [dreg:$0xe];
	[sflag:s22] =	ssyncadd.s32 $0xFFFFB000  }
0x34: {  	[tilespmem:s25], [sflag:$0x9] =	stream.linear.gather [hbm4b:s17+s7], $0x5000, $0x38;
	[tilespmem:$0x10600] =	vst v63  }
0x35: {  	_ =	swait.ge [sflag:s22], $0x5000  }
0x36: {  	v22 =	vmul.u32 $0x20, v40;
	[sflag:s22] =	ssyncset.done $0x0  }
0x37: {  	[sflag:s22] =	ssyncadd.s32 $0xFFFFB000  }
0x38: {  	v0 =	vor.u32 s7, v22;
	s21 =	simm.s32 $0xEF00;
	s19 =	rddreg [dreg:$0x1]  }
0x39: {  	[tilespmem:s21], [sflag:$0x9] =	stream.linear.gather [hbm4b:s19+s7], $0x400, $0x38;
	[tilespmem:$0x10600] =	vst v63  }
0x3a: {  	_ =	swait.ge [sflag:s22], $0x400  }
0x3b: {  	v2 =	vor.u32 $0x2, v22;
	[sflag:s22] =	ssyncset.done $0x0  }
0x3c: {  	[tilespmem:$0x1FB20] =	vst v2;
	v2 =	vor.u32 s7, v2;
	[sflag:s22] =	ssyncadd.s32 $0xFFFFFC00  }
0x3d: {  	v3 =	vor.u32 $0x3, v22;
	v25 =	vld.idx.msk [tilespmem:v0+s25+$0x0], $0xffff  }
0x3e: {  	v32 =	vld.idx.msk [tilespmem:v0+s24+$0x0], $0xffff;
	v0 =	vor.u32 s7, v3  }
0x3f: {  	[tilespmem:$0x1FB30] =	vst v3;
	v3 =	vor.u32 $0x4, v22  }
0x40: {  	[tilespmem:$0x1FB40] =	vst v3;
	v3 =	vor.u32 s7, v3  }
0x41: {  	v8 =	vor.u32 $0x5, v22;
	v7 =	vld.idx.msk [tilespmem:v2+s24+$0x0], $0xffff  }
0x42: {  	v10 =	vld.idx.msk [tilespmem:v2+s25+$0x0], $0xffff;
	v2 =	vor.u32 s7, v8  }
0x43: {  	[tilespmem:$0x1FB50] =	vst v8;
	v8 =	vor.u32 $0x6, v22;
	v11 =	vld.idx.msk [tilespmem:v0+s24+$0x0], $0xffff  }
0x44: {  	v12 =	vld.idx.msk [tilespmem:v0+s25+$0x0], $0xffff;
	v0 =	vor.u32 s7, v8  }
0x45: {  	[tilespmem:$0x1FB60] =	vst v8;
	v8 =	vor.u32 $0x7, v22;
	v15 =	vld.idx.msk [tilespmem:v3+s24+$0x0], $0xffff  }
0x46: {  	v27 =	vld.idx.msk [tilespmem:v3+s25+$0x0], $0xffff;
	[tilespmem:$0x1FB70] =	vst v8;
	v3 =	vor.u32 s7, v8;
	v8 =	vor.u32 $0x8, v22  }
0x47: {  	[tilespmem:$0x1FB80] =	vst v8;
	v8 =	vor.u32 s7, v8;
	v28 =	vld.idx.msk [tilespmem:v2+s24+$0x0], $0xffff  }
0x48: {  	v57 =	vld.idx.msk [tilespmem:v2+s25+$0x0], $0xffff;
	v2 =	vor.u32 $0x9, v22  }
0x49: {  	v9 =	vor.u32 s7, v2;
	v58 =	vld.idx.msk [tilespmem:v0+s24+$0x0], $0xffff  }
0x4a: {  	v60 =	vld.idx.msk [tilespmem:v0+s25+$0x0], $0xffff;
	v0 =	vor.u32 $0xA, v22  }
0x4b: {  	[tilespmem:$0x1FBA0] =	vst v0;
	v0 =	vor.u32 s7, v0  }
0x4c: {  	v30 =	vld.idx.msk [tilespmem:v8+s24+$0x0], $0xffff  }
0x4d: {  	v55 =	vld.idx.msk [tilespmem:v8+s25+$0x0], $0xffff;
	v8 =	vor.u32 $0xC, v22  }
0x4e: {  	v14 =	vor.u32 s7, v8;
	v21 =	vld.idx.msk [tilespmem:v9+s24+$0x0], $0xffff  }
0x4f: {  	[tilespmem:$0x1FBC0] =	vst v8;
	v8 =	vor.u32 $0xD, v22;
	v23 =	vld.idx.msk [tilespmem:v9+s25+$0x0], $0xffff  }
0x50: {  	v16 =	vor.u32 s7, v8;
	v9 =	vld.idx.msk [tilespmem:v0+s24+$0x0], $0xffff  }
0x51: {  	v20 =	vld.idx.msk [tilespmem:v0+s25+$0x0], $0xffff;
	v0 =	vor.u32 $0xE, v22  }
0x52: {  	[tilespmem:$0x1FBE0] =	vst v0;
	v0 =	vor.u32 s7, v0  }
0x53: {  	v34 =	vld.idx.msk [tilespmem:v14+s24+$0x0], $0xffff  }
0x54: {  	v31 =	vld.idx.msk [tilespmem:v14+s25+$0x0], $0xffff;
	v14 =	vor.u32 $0x10, v22  }
0x55: {  	v52 =	vld.idx.msk [tilespmem:v16+s24+$0x0], $0xffff;
	[tilespmem:$0x1FC00] =	vst v14;
	v14 =	vor.u32 s7, v14  }
0x56: {  	v56 =	vld.idx.msk [tilespmem:v16+s25+$0x0], $0xffff;
	v16 =	vor.u32 $0x11, v22  }
0x57: {  	[tilespmem:$0x1FC10] =	vst v16;
	v16 =	vor.u32 s7, v16;
	v53 =	vld.idx.msk [tilespmem:v0+s24+$0x0], $0xffff  }
0x58: {  	v54 =	vld.idx.msk [tilespmem:v0+s25+$0x0], $0xffff;
	v0 =	vor.u32 $0x12, v22  }
0x59: {  	v1 =	vor.u32 $0x1, v22;
	v17 =	vor.u32 s7, v0  }
0x5a: {  	[tilespmem:$0x1FB10] =	vst v1;
	v47 =	vld.idx.msk [tilespmem:v14+s24+$0x0], $0xffff  }
0x5b: {  	v1 =	vor.u32 s7, v1;
	[tilespmem:$0x1FC20] =	vst v0;
	v0 =	vor.u32 $0x13, v22;
	v48 =	vld.idx.msk [tilespmem:v14+s25+$0x0], $0xffff  }
0x5c: {  	[tilespmem:$0x1FC30] =	vst v0;
	v18 =	vor.u32 s7, v0;
	v0 =	vor.u32 $0x14, v22;
	v35 =	vld.idx.msk [tilespmem:v16+s24+$0x0], $0xffff  }
0x5d: {  	[tilespmem:$0x1FC40] =	vst v0;
	v14 =	vor.u32 s7, v0;
	v46 =	vld.idx.msk [tilespmem:v16+s25+$0x0], $0xffff;
	v0 =	vor.u32 $0x15, v22  }
0x5e: {  	[tilespmem:$0x1FC50] =	vst v0;
	v16 =	vor.u32 s7, v0;
	v0 =	vor.u32 $0x16, v22;
	v36 =	vld.idx.msk [tilespmem:v17+s24+$0x0], $0xffff  }
0x5f: {  	v45 =	vld.idx.msk [tilespmem:v17+s25+$0x0], $0xffff;
	v17 =	vor.u32 s7, v0  }
0x60: {  	v6 =	vld.idx.msk [tilespmem:v1+s24+$0x0], $0xffff  }
0x61: {  	v26 =	vld.idx.msk [tilespmem:v1+s25+$0x0], $0xffff  }
0x62: {  	v41 =	vld.idx.msk [tilespmem:v14+s24+$0x0], $0xffff  }
0x63: {  	[tilespmem:$0x1FC60] =	vst v0;
	v0 =	vor.u32 $0x17, v22;
	v42 =	vld.idx.msk [tilespmem:v14+s25+$0x0], $0xffff  }
0x64: {  	v14 =	vor.u32 s7, v0;
	v1 =	vld.idx.msk [tilespmem:v17+s24+$0x0], $0xffff;
	_ =	sdelay $0x3  }
0x65: {  	[tilespmem:$0x1FC70] =	vst v0;
	v37 =	vld.idx.msk [tilespmem:v16+s24+$0x0], $0xffff  }
0x66: {  	v0 =	vor.u32 $0x18, v22;
	[tilespmem:$0x1FE10] =	vst v1;
	v1 =	vld.idx.msk [tilespmem:v14+s24+$0x0], $0xffff  }
0x67: {  	v39 =	vld.idx.msk [tilespmem:v16+s25+$0x0], $0xffff;
	v16 =	vor.u32 s7, v0;
	_ =	sdelay $0x1  }
0x68: {  	[tilespmem:$0x1FC80] =	vst v0;
	v0 =	vor.u32 $0x19, v22  }
0x69: {  	[tilespmem:$0x1FC90] =	vst v0;
	v59 =	vld.idx.msk [tilespmem:v17+s25+$0x0], $0xffff  }
0x6a: {  	v17 =	vor.u32 s7, v0;
	v0 =	vor.u32 $0x1A, v22;
	[tilespmem:$0x1FE50] =	vst v1;
	v1 =	vld.idx.msk [tilespmem:v14+s25+$0x0], $0xffff  }
0x6b: {  	[tilespmem:$0x1FCA0] =	vst v0;
	v14 =	vor.u32 s7, v0;
	v0 =	vld.idx.msk [tilespmem:v16+s24+$0x0], $0xffff;
	_ =	sdelay $0x4  }
0x6c: {  	[tilespmem:$0x1FE90] =	vst v0;
	v0 =	vld.idx.msk [tilespmem:v16+s25+$0x0], $0xffff;
	_ =	sdelay $0x4  }
0x6d: {  	[tilespmem:$0x1FEA0] =	vst v0;
	v0 =	vld.idx.msk [tilespmem:v17+s24+$0x0], $0xffff  }
0x6e: {  	v61 =	vld.idx.msk [tilespmem:v3+s24+$0x0], $0xffff  }
0x6f: {  	v62 =	vld.idx.msk [tilespmem:v3+s25+$0x0], $0xffff;
	v3 =	vor.u32 $0xB, v22  }
0x70: {  	[tilespmem:$0x1FBB0] =	vst v3;
	v3 =	vor.u32 s7, v3;
	_ =	sdelay $0x1  }
0x71: {  	[tilespmem:$0x1FED0] =	vst v0;
	v0 =	vld.idx.msk [tilespmem:v17+s25+$0x0], $0xffff;
	_ =	sdelay $0x2  }
0x72: {  	v24 =	vld.idx.msk [tilespmem:v3+s24+$0x0], $0xffff  }
0x73: {  	v19 =	vld.idx.msk [tilespmem:v3+s25+$0x0], $0xffff  }
0x74: {  	v3 =	vor.u32 $0xF, v22;
	[tilespmem:$0x1FEE0] =	vst v0;
	v0 =	vld.idx.msk [tilespmem:v14+s24+$0x0], $0xffff  }
0x75: {  	[tilespmem:$0x1FBF0] =	vst v3;
	v3 =	vor.u32 s7, v3;
	_ =	sdelay $0x1  }
0x76: {  	v4 =	vld [tilespmem:$0xEF20]  }
0x77: {  	[tilespmem:$0x1FB90] =	vst v2;
	v2 =	vld [tilespmem:$0xEF10]  }
0x78: {  	[tilespmem:$0x1FF00] =	vst v0;
	v0 =	vld.idx.msk [tilespmem:v14+s25+$0x0], $0xffff  }
0x79: {  	v49 =	vld.idx.msk [tilespmem:v3+s24+$0x0], $0xffff  }
0x7a: {  	v50 =	vld.idx.msk [tilespmem:v3+s25+$0x0], $0xffff  }
0x7b: {  	v3 =	vld [tilespmem:$0xEF00]  }
0x7c: {  	v5 =	vld [tilespmem:$0xEF30];
	[tilespmem:$0x1FBD0] =	vst v8  }
0x7d: {  	v8 =	vld [tilespmem:$0xEF60];
	v14 =	vadd.f32 v26, v6;
	[tilespmem:$0x1FF10] =	vst v0;
	v0 =	vadd.f32 v25, v32  }
0x7e: {  	v43 =	vld.idx.msk [tilespmem:v18+s24+$0x0], $0xffff  }
0x7f: {  	[tilespmem:$0x1FE60] =	vst v1;
	v1 =	vld [tilespmem:$0xEF40];
	v14 =	vmax.f32 v14, $0.0e+00;
	v25 =	vmax.f32 v0, $0.0e+00  }
0x80: {  	v16 =	vld [tilespmem:$0xEF50];
	v0 =	vor.u32 $0x1B, v22;
	v13 =	vmul.f32 v25, v3;
	v26 =	vmul.f32 v25, v2  }
0x81: {  	v7 =	vadd.f32 v10, v7;
	v44 =	vld.idx.msk [tilespmem:v18+s25+$0x0], $0xffff;
	v51 =	vmul.f32 v14, v4;
	v40 =	vor.u32 s7, v0  }
0x82: {  	v18 =	vld [tilespmem:$0xEF70];
	[tilespmem:$0x1FCB0] =	vst v0;
	v0 =	vmul.f32 v14, v5;
	v38 =	vadd.f32 $0.0e+00, v13;
	v63 =	vadd.f32 $0.0e+00, v26  }
0x83: {  	v10 =	vld [tilespmem:$0xEF80];
	v11 =	vadd.f32 v12, v11;
	v15 =	vadd.f32 v27, v15  }
0x84: {  	v7 =	vmax.f32 v7, $0.0e+00;
	v27 =	vld [tilespmem:$0xF000];
	v6 =	vmovc v3;
	v3 =	vmovc v2;
	v12 =	vadd.f32 v51, v38;
	v0 =	vadd.f32 v0, v63  }
0x85: {  	v17 =	vld [tilespmem:$0xEF90];
	v2 =	vmovc v5;
	v5 =	vmovc v1;
	v63 =	vmul.f32 v7, v1;
	v7 =	vmul.f32 v7, v16;
	v1 =	vmax.f32 v11, $0.0e+00  }
0x86: {  	v23 =	vadd.f32 v23, v21;
	v21 =	vld [tilespmem:$0xF050];
	v32 =	vmul.f32 v1, v8  }
0x87: {  	v25 =	vld [tilespmem:$0xEFA0];
	v12 =	vadd.f32 v63, v12;
	v0 =	vadd.f32 v7, v0;
	v7 =	vmul.f32 v1, v18  }
0x88: {  	v33 =	vmovc v4;
	v28 =	vadd.f32 v57, v28;
	v4 =	vld [tilespmem:$0xEFB0];
	v11 =	vmov v8;
	v1 =	vmax.f32 v15, $0.0e+00  }
0x89: {  	v8 =	vmovc v18;
	v18 =	vld [tilespmem:$0xEFC0];
	v51 =	vmul.f32 v1, v10;
	v12 =	vadd.f32 v32, v12;
	v7 =	vadd.f32 v7, v0  }
0x8a: {  	v58 =	vadd.f32 v60, v58;
	v14 =	vmov v17;
	v32 =	vmul.f32 v1, v17;
	v17 =	vld [tilespmem:$0xEFD0]  }
0x8b: {  	v34 =	vadd.f32 v31, v34;
	v31 =	vld [tilespmem:$0xF160];
	v57 =	vadd.f32 v51, v12;
	v12 =	vmax.f32 v28, $0.0e+00  }
0x8c: {  	v26 =	vld [tilespmem:$0xEFE0];
	v51 =	vmul.f32 v12, v25  }
0x8d: {  	v58 =	vmax.f32 v58, $0.0e+00;
	v0 =	vadd.f32 v32, v7;
	v32 =	vmul.f32 v12, v4;
	v7 =	vmovc v25;
	v25 =	vld [tilespmem:$0xEFF0]  }
0x8e: {  	v61 =	vadd.f32 v62, v61;
	v38 =	vld.idx.msk [tilespmem:v40+s24+$0x0], $0xffff;
	v57 =	vadd.f32 v51, v57;
	v51 =	vmul.f32 v58, v18  }
0x8f: {  	v15 =	vmovc v10;
	v10 =	vld [tilespmem:$0xF010];
	v62 =	vadd.f32 v32, v0;
	v0 =	vadd.f32 v55, v30;
	v55 =	vmul.f32 v58, v17  }
0x90: {  	v20 =	vadd.f32 v20, v9;
	v1 =	vmovc v4;
	v4 =	vor.u32 $0x1C, v22;
	v32 =	vld [tilespmem:$0xF020];
	v57 =	vadd.f32 v51, v57  }
0x91: {  	v28 =	vld [tilespmem:$0xF060];
	v51 =	vmax.f32 v61, $0.0e+00;
	v61 =	vor.u32 s7, v4;
	v62 =	vadd.f32 v55, v62  }
0x92: {  	v12 =	vld [tilespmem:$0xF030];
	v0 =	vmax.f32 v0, $0.0e+00;
	v55 =	vmul.f32 v51, v26;
	v58 =	vmul.f32 v51, v25  }
0x93: {  	v13 =	vmovc v16;
	v16 =	vmov v18;
	[tilespmem:$0x1FCC0] =	vst v4;
	v29 =	vmov v17;
	v30 =	vld [tilespmem:$0xF040];
	v51 =	vmul.f32 v0, v27  }
0x94: {  	v4 =	vmovc v26;
	v26 =	vld [tilespmem:$0xF080];
	v0 =	vmul.f32 v0, v10;
	v57 =	vadd.f32 v55, v57;
	v58 =	vadd.f32 v58, v62  }
0x95: {  	v18 =	vmovc v27;
	v17 =	vmovc v25;
	v27 =	vmov v10;
	v55 =	vmax.f32 v23, $0.0e+00;
	v23 =	vld [tilespmem:$0xF070];
	v10 =	vmov v32  }
0x96: {  	v57 =	vadd.f32 v51, v57;
	v51 =	vmul.f32 v55, v32;
	v25 =	vld.idx.msk [tilespmem:v61+s24+$0x0], $0xffff;
	v0 =	vadd.f32 v0, v58  }
0x97: {  	v32 =	vmovc v12;
	v58 =	vmul.f32 v55, v12;
	v55 =	vmax.f32 v20, $0.0e+00;
	v20 =	vld.idx.msk [tilespmem:v61+s25+$0x0], $0xffff;
	v61 =	vadd.f32 v19, v24  }
0x98: {  	v12 =	vmovc v21;
	v57 =	vadd.f32 v51, v57;
	v51 =	vmul.f32 v55, v30;
	v55 =	vmul.f32 v55, v21;
	v21 =	vld [tilespmem:$0xF090]  }
0x99: {  	[tilespmem:$0x1FCD0] =	vst v30;
	v30 =	vld [tilespmem:$0xF0A0];
	v0 =	vadd.f32 v58, v0;
	v9 =	vmax.f32 v61, $0.0e+00  }
0x9a: {  	v56 =	vadd.f32 v56, v52;
	[tilespmem:$0x1FCE0] =	vst v28;
	v57 =	vadd.f32 v51, v57;
	v51 =	vmul.f32 v9, v28;
	v28 =	vld [tilespmem:$0xF0B0]  }
0x9b: {  	v34 =	vmax.f32 v34, $0.0e+00;
	v24 =	vld [tilespmem:$0xF0C0];
	v61 =	vmul.f32 v9, v23;
	v0 =	vadd.f32 v55, v0  }
0x9c: {  	v56 =	vmax.f32 v56, $0.0e+00;
	v53 =	vadd.f32 v54, v53;
	v49 =	vadd.f32 v50, v49;
	v19 =	vld [tilespmem:$0xF0E0]  }
0x9d: {  	[tilespmem:$0x1FCF0] =	vst v23;
	v23 =	vld [tilespmem:$0xF0D0];
	v57 =	vadd.f32 v51, v57;
	v0 =	vadd.f32 v61, v0;
	v61 =	vmul.f32 v34, v26  }
0x9e: {  	v47 =	vadd.f32 v48, v47;
	v49 =	vmax.f32 v49, $0.0e+00;
	v51 =	vld [tilespmem:$0xF0F0];
	v63 =	vmul.f32 v34, v21  }
0x9f: {  	v34 =	vmul.f32 v56, v30;
	v57 =	vadd.f32 v61, v57;
	[tilespmem:$0x1FD30] =	vst v28;
	v56 =	vmul.f32 v56, v28;
	v28 =	vld [tilespmem:$0xF100]  }
0xa0: {  	v46 =	vadd.f32 v46, v35;
	[tilespmem:$0x1FD00] =	vst v26;
	v26 =	vld [tilespmem:$0xF110];
	v0 =	vadd.f32 v63, v0;
	v61 =	vmax.f32 v53, $0.0e+00  }
0xa1: {  	v47 =	vmax.f32 v47, $0.0e+00;
	[tilespmem:$0x1FD10] =	vst v21;
	v21 =	vld [tilespmem:$0xF120];
	v62 =	vadd.f32 v34, v57;
	v34 =	vmul.f32 v61, v24  }
0xa2: {  	v9 =	vor.u32 $0x1D, v22;
	[tilespmem:$0x1FD40] =	vst v24;
	v0 =	vadd.f32 v56, v0;
	v56 =	vmul.f32 v61, v23;
	v24 =	vld [tilespmem:$0xF130]  }
0xa3: {  	v46 =	vmax.f32 v46, $0.0e+00;
	v41 =	vadd.f32 v42, v41;
	[tilespmem:$0x1FD20] =	vst v9;
	v57 =	vadd.f32 v34, v62;
	v62 =	vld [tilespmem:$0xF140]  }
0xa4: {  	v61 =	vmul.f32 v49, v51;
	v0 =	vadd.f32 v56, v0;
	[tilespmem:$0x1FD70] =	vst v28;
	v63 =	vmul.f32 v47, v28;
	v28 =	vld [tilespmem:$0xF180]  }
0xa5: {  	v58 =	vor.u32 s7, v9;
	[tilespmem:$0x1FD50] =	vst v19;
	v60 =	vmul.f32 v49, v19;
	v19 =	vadd.f32 v45, v36;
	v34 =	vld [tilespmem:$0xF150]  }
0xa6: {  	[tilespmem:$0x1FD90] =	vst v21;
	v36 =	vmul.f32 v46, v21;
	v21 =	vld [tilespmem:$0xF1A0];
	v47 =	vmul.f32 v47, v26;
	v0 =	vadd.f32 v61, v0  }
0xa7: {  	v43 =	vadd.f32 v44, v43;
	[tilespmem:$0x1FDA0] =	vst v24;
	v46 =	vmul.f32 v46, v24;
	v24 =	vld [tilespmem:$0xF170]  }
0xa8: {  	v37 =	vadd.f32 v39, v37;
	v9 =	vmovc v30;
	[tilespmem:$0x1FD80] =	vst v26;
	v26 =	vld [tilespmem:$0xF190];
	v61 =	vmax.f32 v41, $0.0e+00;
	v47 =	vadd.f32 v47, v0  }
0xa9: {  	v19 =	vmax.f32 v19, $0.0e+00;
	v30 =	vmovc v23;
	v50 =	vadd.f32 v60, v57;
	[tilespmem:$0x1FE00] =	vst v28;
	v45 =	vmul.f32 v61, v28;
	v28 =	vld [tilespmem:$0x1FE10]  }
0xaa: {  	v23 =	vld.idx.msk [tilespmem:v58+s24+$0x0], $0xffff;
	v55 =	vmul.f32 v19, v62;
	v19 =	vmul.f32 v19, v34;
	v54 =	vadd.f32 v46, v47  }
0xab: {  	v43 =	vmax.f32 v43, $0.0e+00;
	v37 =	vmax.f32 v37, $0.0e+00;
	v57 =	vld [tilespmem:$0xF1B0];
	v35 =	vadd.f32 v63, v50  }
0xac: {  	v49 =	vld.idx.msk [tilespmem:v58+s25+$0x0], $0xffff;
	v60 =	vmul.f32 v43, v31;
	v19 =	vadd.f32 v19, v54;
	v43 =	vmul.f32 v43, v24  }
0xad: {  	v0 =	vor.u32 $0x1E, v22;
	[tilespmem:$0x1FE30] =	vst v21;
	v52 =	vmul.f32 v37, v21;
	v21 =	vld [tilespmem:$0x1FE50];
	v53 =	vadd.f32 v36, v35  }
0xae: {  	v50 =	vmul.f32 v61, v26;
	v19 =	vadd.f32 v43, v19;
	v48 =	vadd.f32 v59, v28;
	v28 =	vld [tilespmem:$0x1FE60]  }
0xaf: {  	[tilespmem:$0x1FDB0] =	vst v62;
	v58 =	vor.u32 s7, v0;
	v62 =	vld [tilespmem:$0xF1D0]  }
0xb0: {  	[tilespmem:$0x1FDD0] =	vst v0;
	v0 =	vld [tilespmem:$0xF1E0];
	v56 =	vadd.f32 v55, v53;
	v53 =	vmul.f32 v37, v57;
	v19 =	vadd.f32 v50, v19  }
0xb1: {  	[tilespmem:$0x1FDF0] =	vst v24;
	v24 =	vld [tilespmem:$0xF1C0]  }
0xb2: {  	v36 =	vadd.f32 v53, v19;
	v19 =	vld [tilespmem:$0x1FE90]  }
0xb3: {  	v21 =	vadd.f32 v28, v21;
	v28 =	vld [tilespmem:$0x1FEA0]  }
0xb4: {  	[tilespmem:$0x1FE20] =	vst v26;
	v26 =	vld [tilespmem:$0xF1F0]  }
0xb5: {  	v40 =	vld.idx.msk [tilespmem:v40+s25+$0x0], $0xffff  }
0xb6: {  	[tilespmem:$0x1FDE0] =	vst v31;
	v31 =	vld [tilespmem:$0xF200];
	v35 =	vmax.f32 v48, $0.0e+00  }
0xb7: {  	v47 =	vld [tilespmem:$0xF2A0];
	v63 =	vadd.f32 v60, v56;
	v55 =	vmul.f32 v35, v24  }
0xb8: {  	[tilespmem:$0x1FE40] =	vst v57;
	v35 =	vmul.f32 v35, v62;
	v56 =	vadd.f32 v28, v19;
	v19 =	vmax.f32 v21, $0.0e+00;
	v28 =	vld [tilespmem:$0x1FEE0]  }
0xb9: {  	[tilespmem:$0x1FEB0] =	vst v0;
	v57 =	vmul.f32 v19, v0;
	v0 =	vmul.f32 v19, v26;
	v19 =	vld [tilespmem:$0x1FED0]  }
0xba: {  	v42 =	vld.idx.msk [tilespmem:v58+s24+$0x0], $0xffff  }
0xbb: {  	v37 =	vld.idx.msk [tilespmem:v58+s25+$0x0], $0xffff;
	v35 =	vadd.f32 v35, v36  }
0xbc: {  	[tilespmem:$0x1FD60] =	vst v51;
	v59 =	vld [tilespmem:$0xF250];
	v51 =	vadd.f32 v45, v63  }
0xbd: {  	v35 =	vadd.f32 v0, v35;
	v0 =	vld [tilespmem:$0x1FF00]  }
0xbe: {  	v54 =	vadd.f32 v52, v51;
	v58 =	vadd.f32 v28, v19;
	v28 =	vld [tilespmem:$0x1FF10]  }
0xbf: {  	[tilespmem:$0x1FE70] =	vst v24;
	v24 =	vld [tilespmem:$0xF210]  }
0xc0: {  	[tilespmem:$0x1FDC0] =	vst v34;
	v34 =	vadd.f32 v55, v54;
	v21 =	vld [tilespmem:$0xF220]  }
0xc1: {  	[tilespmem:$0x1FEC0] =	vst v26;
	v26 =	vld [tilespmem:$0xF230]  }
0xc2: {  	v38 =	vadd.f32 v40, v38;
	[tilespmem:$0x1FEF0] =	vst v31;
	v43 =	vmax.f32 v56, $0.0e+00;
	v34 =	vadd.f32 v57, v34;
	v19 =	vld [tilespmem:$0xF240]  }
0xc3: {  	[tilespmem:$0x1FE80] =	vst v62;
	v62 =	vld [tilespmem:$0xF270];
	v60 =	vmul.f32 v43, v31;
	v61 =	vadd.f32 v28, v0;
	v28 =	vor.u32 $0x1F, v22  }
0xc4: {  	[tilespmem:$0x1FF20] =	vst v24;
	v31 =	vmul.f32 v43, v24;
	v24 =	vmax.f32 v58, $0.0e+00;
	v0 =	vld [tilespmem:$0xF260];
	v63 =	vor.u32 s7, v28  }
0xc5: {  	v54 =	vadd.f32 v49, v23;
	v23 =	vld [tilespmem:$0xF2F0];
	v34 =	vadd.f32 v60, v34;
	[tilespmem:$0x1FF40] =	vst v21;
	v46 =	vmul.f32 v24, v21  }
0xc6: {  	v45 =	vadd.f32 v31, v35;
	[tilespmem:$0x1FF50] =	vst v26;
	v21 =	vmul.f32 v24, v26;
	v26 =	vld [tilespmem:$0xF280];
	v39 =	vmax.f32 v61, $0.0e+00  }
0xc7: {  	v38 =	vmax.f32 v38, $0.0e+00;
	v31 =	vld [tilespmem:$0xF290];
	v34 =	vadd.f32 v46, v34;
	v24 =	vmul.f32 v39, v19  }
0xc8: {  	v21 =	vadd.f32 v21, v45;
	[tilespmem:$0x1FF60] =	vst v19;
	v19 =	vadd.f32 v20, v25;
	v48 =	vmul.f32 v39, v59;
	v25 =	vld [tilespmem:$0xF2B0]  }
0xc9: {  	v24 =	vadd.f32 v24, v34;
	v51 =	vmul.f32 v38, v0;
	v50 =	vld.idx.msk [tilespmem:v63+s24+$0x0], $0xffff  }
0xca: {  	v53 =	vmul.f32 v38, v62;
	[tilespmem:$0x1FF80] =	vst v0;
	v20 =	vadd.f32 v48, v21;
	v0 =	vmax.f32 v19, $0.0e+00;
	v52 =	vld.idx.msk [tilespmem:v63+s25+$0x0], $0xffff  }
0xcb: {  	v21 =	vld [tilespmem:$0xF2C0];
	v55 =	vmul.f32 v0, v26;
	v19 =	vadd.f32 v51, v24  }
0xcc: {  	v37 =	vadd.f32 v37, v42;
	v36 =	vadd.f32 v53, v20;
	v20 =	vld [tilespmem:$0xF2D0]  }
0xcd: {  	[tilespmem:$0x1FFC0] =	vst v47;
	v56 =	vmul.f32 v0, v31;
	v0 =	vmax.f32 v54, $0.0e+00;
	v39 =	vadd.f32 v55, v19;
	v19 =	vld [tilespmem:$0xF2E0]  }
0xce: {  	[tilespmem:$0x1FF70] =	vst v59;
	v58 =	vmax.f32 v37, $0.0e+00;
	v38 =	vmul.f32 v0, v47;
	v57 =	vmul.f32 v0, v25  }
0xcf: {  	[tilespmem:$0x1FF90] =	vst v62;
	v0 =	vlaneseq.u32;
	v36 =	vadd.f32 v56, v36;
	v34 =	vadd.f32 v52, v50  }
0xd0: {  	[tilespmem:$0x1FFF0] =	vst v23;
	v61 =	vor.u32 s7, v0;
	v60 =	vmul.f32 v58, v21;
	v59 =	vadd.f32 v38, v39  }
0xd1: {  	[tilespmem:$0x1FFB0] =	vst v31;
	v36 =	vadd.f32 v57, v36;
	v35 =	vmul.f32 v58, v20;
	v34 =	vmax.f32 v34, $0.0e+00  }
0xd2: {  	[tilespmem:$0x1FF30] =	vst v28;
	v37 =	vadd.f32 v60, v59;
	v62 =	vmul.f32 v34, v19  }
0xd3: {  	[tilespmem:$0x1FFA0] =	vst v26;
	v35 =	vadd.f32 v35, v36;
	v34 =	vmul.f32 v34, v23  }
0xd4: {  	[tilespmem:$0x1FFD0] =	vst v25;
	v63 =	vadd.f32 v62, v37  }
0xd5: {  	[tilespmem:$0x1FFE0] =	vst v19;
	v34 =	vadd.f32 v34, v35  }
0xd6: {  	s19 =	simm.s32 $0x200;
	[tilespmem:v61+s28+$0x0] =	vst.idx.msk $0xffff, v63  }
0xd7: {  	s17 =	simm.s32 $0x400;
	s21 =	simm.s32 $0x0;
	v28 =	vmov v21;
	v31 =	vmov v20;
	v37 =	vor.u32 s19, v22;
	[tilespmem:v61+s29+$0x0] =	vst.idx.msk $0xffff, v34  }
.LBB2_2:
0xd8: {  	v0 =	vld [tilespmem:$0x1FD20];
	_ =	sdelay $0x4  }
0xd9: {  	v36 =	vor.u32 s19, v0;
	v0 =	vld [tilespmem:$0x1FDD0];
	_ =	sdelay $0x4  }
0xda: {  	v35 =	vor.u32 s19, v0;
	v0 =	vld [tilespmem:$0x1FF30];
	_ =	sdelay $0x3  }
0xdb: {  	v34 =	vor.u32 $0x1, v22  }
0xdc: {  	v42 =	vor.u32 s19, v34;
	v34 =	vor.u32 s19, v0;
	v0 =	vld [tilespmem:$0x1FCB0];
	_ =	sdelay $0x3  }
0xdd: {  	v38 =	vor.u32 $0x3, v22  }
0xde: {  	v57 =	vor.u32 s19, v38;
	v38 =	vor.u32 s19, v0;
	v0 =	vld [tilespmem:$0x1FCC0];
	_ =	sdelay $0x2  }
0xdf: {  	v55 =	vld.idx.msk [tilespmem:v37+s25+$0x0], $0xffff  }
0xe0: {  	v56 =	vld.idx.msk [tilespmem:v37+s24+$0x0], $0xffff  }
0xe1: {  	v37 =	vor.u32 s19, v0;
	v0 =	vld [tilespmem:$0x1FC80];
	_ =	sdelay $0x4  }
0xe2: {  	v41 =	vor.u32 s19, v0;
	v0 =	vld [tilespmem:$0x1FC90];
	_ =	sdelay $0x4  }
0xe3: {  	v40 =	vor.u32 s19, v0;
	v0 =	vld [tilespmem:$0x1FCA0];
	_ =	sdelay $0x4  }
0xe4: {  	v39 =	vor.u32 s19, v0;
	v0 =	vld [tilespmem:$0x1FC60];
	_ =	sdelay $0x3  }
0xe5: {  	v43 =	vor.u32 $0x4, v22  }
0xe6: {  	v19 =	vor.u32 s19, v43;
	v43 =	vor.u32 s19, v0;
	v0 =	vld [tilespmem:$0x1FC70];
	_ =	sdelay $0x2  }
0xe7: {  	v58 =	vld.idx.msk [tilespmem:v42+s24+$0x0], $0xffff  }
0xe8: {  	v59 =	vld.idx.msk [tilespmem:v42+s25+$0x0], $0xffff  }
0xe9: {  	v42 =	vor.u32 s19, v0;
	v0 =	vld [tilespmem:$0x1FC30];
	_ =	sdelay $0x4  }
0xea: {  	v60 =	vor.u32 $0x2, v22;
	v46 =	vor.u32 s19, v0;
	v0 =	vld [tilespmem:$0x1FC40]  }
0xeb: {  	v48 =	vor.u32 s19, v60;
	_ =	sdelay $0x3  }
0xec: {  	v45 =	vor.u32 s19, v0;
	v0 =	vld [tilespmem:$0x1FC50]  }
0xed: {  	v20 =	vld.idx.msk [tilespmem:v48+s24+$0x0], $0xffff  }
0xee: {  	v54 =	vor.u32 $0x6, v22;
	v60 =	vld.idx.msk [tilespmem:v48+s25+$0x0], $0xffff  }
0xef: {  	v54 =	vor.u32 s19, v54;
	v62 =	vld.idx.msk [tilespmem:v57+s24+$0x0], $0xffff  }
0xf0: {  	v55 =	vadd.f32 v55, v56;
	v56 =	vld.idx.msk [tilespmem:v57+s25+$0x0], $0xffff  }
0xf1: {  	v44 =	vor.u32 s19, v0;
	v0 =	vld [tilespmem:$0x1FC10]  }
0xf2: {  	v47 =	vor.u32 $0x5, v22;
	v23 =	vld.idx.msk [tilespmem:v19+s24+$0x0], $0xffff  }
0xf3: {  	v61 =	vor.u32 s19, v47;
	v19 =	vld.idx.msk [tilespmem:v19+s25+$0x0], $0xffff  }
0xf4: {  	v52 =	vor.u32 $0x7, v22;
	v26 =	vld.idx.msk [tilespmem:v54+s24+$0x0], $0xffff  }
0xf5: {  	v50 =	vor.u32 $0x9, v22;
	v52 =	vor.u32 s19, v52;
	v54 =	vld.idx.msk [tilespmem:v54+s25+$0x0], $0xffff  }
0xf6: {  	v51 =	vor.u32 $0xA, v22;
	v53 =	vor.u32 $0x8, v22;
	v48 =	vor.u32 s19, v0;
	v0 =	vld [tilespmem:$0x1FC20]  }
0xf7: {  	v51 =	vor.u32 s19, v51;
	v50 =	vor.u32 s19, v50;
	v55 =	vmax.f32 v55, $0.0e+00  }
0xf8: {  	v53 =	vor.u32 s19, v53;
	v25 =	vld.idx.msk [tilespmem:v61+s24+$0x0], $0xffff;
	v58 =	vadd.f32 v59, v58;
	v59 =	vmul.f32 v55, v6  }
0xf9: {  	v55 =	vmul.f32 v55, v3;
	v20 =	vadd.f32 v60, v20;
	v60 =	vld.idx.msk [tilespmem:v61+s25+$0x0], $0xffff;
	v56 =	vadd.f32 v56, v62  }
0xfa: {  	v62 =	vld.idx.msk [tilespmem:v52+s24+$0x0], $0xffff;
	v19 =	vadd.f32 v19, v23;
	v26 =	vadd.f32 v54, v26;
	v58 =	vmax.f32 v58, $0.0e+00  }
0xfb: {  	v59 =	vadd.f32 $0.0e+00, v59;
	v61 =	vmul.f32 v58, v33;
	v47 =	vor.u32 s19, v0;
	v0 =	vld [tilespmem:$0x1FBE0]  }
0xfc: {  	v23 =	vld.idx.msk [tilespmem:v52+s25+$0x0], $0xffff;
	v55 =	vadd.f32 $0.0e+00, v55;
	v20 =	vmax.f32 v20, $0.0e+00;
	v58 =	vmul.f32 v58, v2  }
0xfd: {  	v56 =	vmax.f32 v56, $0.0e+00;
	v59 =	vadd.f32 v61, v59;
	v61 =	vmul.f32 v20, v5  }
0xfe: {  	v19 =	vmax.f32 v19, $0.0e+00;
	v20 =	vmul.f32 v20, v13;
	v55 =	vadd.f32 v58, v55  }
0xff: {  	v25 =	vadd.f32 v60, v25;
	v52 =	vadd.f32 v61, v59;
	v61 =	vmul.f32 v56, v11;
	v59 =	vld.idx.msk [tilespmem:v53+s24+$0x0], $0xffff  }
0x100: {  	v56 =	vmul.f32 v56, v8;
	v20 =	vadd.f32 v20, v55;
	v63 =	vor.u32 s19, v0;
	v0 =	vld [tilespmem:$0x1FBF0]  }
0x101: {  	v23 =	vadd.f32 v23, v62;
	v53 =	vld.idx.msk [tilespmem:v53+s25+$0x0], $0xffff;
	v52 =	vadd.f32 v61, v52;
	v61 =	vmul.f32 v19, v15  }
0x102: {  	v58 =	vld.idx.msk [tilespmem:v50+s24+$0x0], $0xffff;
	v25 =	vmax.f32 v25, $0.0e+00;
	v19 =	vmul.f32 v19, v14;
	v20 =	vadd.f32 v56, v20  }
0x103: {  	v50 =	vld.idx.msk [tilespmem:v50+s25+$0x0], $0xffff;
	v23 =	vmax.f32 v23, $0.0e+00;
	v60 =	vmul.f32 v25, v7;
	v52 =	vadd.f32 v61, v52  }
0x104: {  	v55 =	vld.idx.msk [tilespmem:v51+s24+$0x0], $0xffff;
	v25 =	vmul.f32 v25, v1;
	v19 =	vadd.f32 v19, v20;
	v20 =	vmax.f32 v26, $0.0e+00  }
0x105: {  	v62 =	vmul.f32 v20, v16;
	v61 =	vadd.f32 v60, v52;
	v21 =	vor.u32 s19, v0;
	v0 =	vld [tilespmem:$0x1FC00]  }
0x106: {  	v26 =	vld.idx.msk [tilespmem:v51+s25+$0x0], $0xffff;
	v20 =	vmul.f32 v20, v29;
	v19 =	vadd.f32 v25, v19;
	v25 =	vadd.f32 v53, v59  }
0x107: {  	v56 =	vmul.f32 v23, v4;
	v23 =	vmul.f32 v23, v17;
	v51 =	vadd.f32 v62, v61  }
0x108: {  	v19 =	vadd.f32 v20, v19;
	v20 =	vmax.f32 v25, $0.0e+00;
	v25 =	vadd.f32 v50, v58  }
0x109: {  	v60 =	vmul.f32 v20, v18;
	v20 =	vmul.f32 v20, v27;
	v59 =	vadd.f32 v56, v51;
	v56 =	vld [tilespmem:$0x1FCD0]  }
0x10a: {  	v19 =	vadd.f32 v23, v19;
	v23 =	vmax.f32 v25, $0.0e+00;
	v49 =	vor.u32 s19, v0;
	v0 =	vld [tilespmem:$0x1FBD0]  }
0x10b: {  	v58 =	vld [tilespmem:$0x1FCE0];
	v25 =	vadd.f32 v26, v55;
	v62 =	vmul.f32 v23, v10;
	v50 =	vadd.f32 v60, v59  }
0x10c: {  	v59 =	vld [tilespmem:$0x1FCF0]  }
0x10d: {  	v19 =	vadd.f32 v20, v19;
	v20 =	vmax.f32 v25, $0.0e+00;
	v50 =	vadd.f32 v62, v50;
	v62 =	vld [tilespmem:$0x1FD10]  }
0x10e: {  	v51 =	vmul.f32 v20, v56;
	v56 =	vld [tilespmem:$0x1FD40]  }
0x10f: {  	v57 =	vor.u32 s19, v0;
	v0 =	vld [tilespmem:$0x1FBB0]  }
0x110: {  	v55 =	vld.idx.msk [tilespmem:v63+s24+$0x0], $0xffff  }
0x111: {  	v25 =	vld.idx.msk [tilespmem:v63+s25+$0x0], $0xffff  }
0x112: {  	v63 =	vld.idx.msk [tilespmem:v48+s24+$0x0], $0xffff  }
0x113: {  	v60 =	vld.idx.msk [tilespmem:v49+s24+$0x0], $0xffff  }
0x114: {  	v24 =	vor.u32 s19, v0;
	v0 =	vld [tilespmem:$0x1FBC0]  }
0x115: {  	v61 =	vld.idx.msk [tilespmem:v57+s24+$0x0], $0xffff  }
0x116: {  	v26 =	vld.idx.msk [tilespmem:v57+s25+$0x0], $0xffff  }
0x117: {  	v23 =	vmul.f32 v23, v32;
	v57 =	vld.idx.msk [tilespmem:v21+s24+$0x0], $0xffff  }
0x118: {  	v21 =	vld.idx.msk [tilespmem:v21+s25+$0x0], $0xffff  }
0x119: {  	v19 =	vadd.f32 v23, v19;
	v20 =	vmul.f32 v20, v12;
	v0 =	vor.u32 s19, v0;
	v54 =	vld.idx.msk [tilespmem:v24+s24+$0x0], $0xffff  }
0x11a: {  	v24 =	vld.idx.msk [tilespmem:v24+s25+$0x0], $0xffff  }
0x11b: {  	v19 =	vadd.f32 v20, v19;
	v20 =	vadd.f32 v26, v61;
	v26 =	vld.idx.msk [tilespmem:v49+s25+$0x0], $0xffff  }
0x11c: {  	v61 =	vld [tilespmem:$0x1FD00]  }
0x11d: {  	v21 =	vadd.f32 v21, v57;
	v57 =	vld.idx.msk [tilespmem:v46+s24+$0x0], $0xffff  }
0x11e: {  	v53 =	vld.idx.msk [tilespmem:v0+s24+$0x0], $0xffff  }
0x11f: {  	v0 =	vld.idx.msk [tilespmem:v0+s25+$0x0], $0xffff;
	v24 =	vadd.f32 v24, v54  }
0x120: {  	v54 =	vld [tilespmem:$0x1FDC0]  }
0x121: {  	v23 =	vmax.f32 v24, $0.0e+00;
	v24 =	vadd.f32 v51, v50;
	v51 =	vld [tilespmem:$0x1FDA0]  }
0x122: {  	v50 =	vmul.f32 v23, v58;
	v23 =	vmul.f32 v23, v59;
	v58 =	vld [tilespmem:$0x1FD50]  }
0x123: {  	v59 =	vld [tilespmem:$0x1FD60]  }
0x124: {  	v19 =	vadd.f32 v23, v19;
	v23 =	vadd.f32 v25, v55;
	v25 =	vld.idx.msk [tilespmem:v48+s25+$0x0], $0xffff  }
0x125: {  	v0 =	vadd.f32 v0, v53;
	v53 =	vld [tilespmem:$0x1FD30]  }
0x126: {  	v55 =	vld.idx.msk [tilespmem:v47+s24+$0x0], $0xffff  }
0x127: {  	v24 =	vadd.f32 v50, v24;
	v50 =	vld [tilespmem:$0x1FD90]  }
0x128: {  	v48 =	vld.idx.msk [tilespmem:v38+s24+$0x0], $0xffff;
	v0 =	vmax.f32 v0, $0.0e+00  }
0x129: {  	v49 =	vmul.f32 v0, v61;
	v0 =	vmul.f32 v0, v62;
	v61 =	vld [tilespmem:$0x1FD70]  }
0x12a: {  	v62 =	vld [tilespmem:$0x1FD80]  }
0x12b: {  	v20 =	vmax.f32 v20, $0.0e+00;
	v0 =	vadd.f32 v0, v19;
	v19 =	vmax.f32 v23, $0.0e+00;
	v23 =	vld.idx.msk [tilespmem:v47+s25+$0x0], $0xffff  }
0x12c: {  	v52 =	vmul.f32 v20, v9;
	v20 =	vmul.f32 v20, v53;
	v53 =	vld [tilespmem:$0x1FDB0]  }
0x12d: {  	v24 =	vadd.f32 v49, v24;
	v49 =	vld [tilespmem:$0x1FEB0]  }
0x12e: {  	v47 =	vmul.f32 v19, v56;
	v56 =	vld [tilespmem:$0x1FDE0]  }
0x12f: {  	v0 =	vadd.f32 v20, v0;
	v20 =	vmax.f32 v21, $0.0e+00;
	v21 =	vadd.f32 v26, v60;
	v26 =	vld.idx.msk [tilespmem:v46+s25+$0x0], $0xffff  }
0x130: {  	v60 =	vld.idx.msk [tilespmem:v45+s24+$0x0], $0xffff  }
0x131: {  	v24 =	vadd.f32 v52, v24;
	v52 =	vld.idx.msk [tilespmem:v43+s24+$0x0], $0xffff  }
0x132: {  	v19 =	vmul.f32 v19, v30;
	v46 =	vmul.f32 v20, v58;
	v58 =	vld.idx.msk [tilespmem:v41+s24+$0x0], $0xffff  }
0x133: {  	v20 =	vmul.f32 v20, v59;
	v59 =	vld [tilespmem:$0x1FE00]  }
0x134: {  	v0 =	vadd.f32 v19, v0;
	v19 =	vmax.f32 v21, $0.0e+00;
	v21 =	vadd.f32 v25, v63;
	v25 =	vld.idx.msk [tilespmem:v45+s25+$0x0], $0xffff  }
0x135: {  	v63 =	vld.idx.msk [tilespmem:v44+s24+$0x0], $0xffff  }
0x136: {  	v24 =	vadd.f32 v47, v24;
	v47 =	vld [tilespmem:$0x1FE80]  }
0x137: {  	v45 =	vmul.f32 v19, v61;
	v61 =	vld.idx.msk [tilespmem:v40+s24+$0x0], $0xffff  }
0x138: {  	v19 =	vmul.f32 v19, v62;
	v62 =	vld [tilespmem:$0x1FE30]  }
0x139: {  	v0 =	vadd.f32 v20, v0;
	v20 =	vmax.f32 v21, $0.0e+00;
	v21 =	vadd.f32 v23, v55;
	v23 =	vld.idx.msk [tilespmem:v44+s25+$0x0], $0xffff  }
0x13a: {  	v55 =	vld.idx.msk [tilespmem:v42+s24+$0x0], $0xffff  }
0x13b: {  	v24 =	vadd.f32 v46, v24;
	v46 =	vld [tilespmem:$0x1FE70]  }
0x13c: {  	v44 =	vmul.f32 v20, v50;
	v50 =	vld [tilespmem:$0x1FEC0]  }
0x13d: {  	v20 =	vmul.f32 v20, v51;
	v51 =	vld.idx.msk [tilespmem:v37+s24+$0x0], $0xffff  }
0x13e: {  	v0 =	vadd.f32 v19, v0;
	v19 =	vmax.f32 v21, $0.0e+00;
	v21 =	vadd.f32 v26, v57;
	v26 =	vld.idx.msk [tilespmem:v43+s25+$0x0], $0xffff  }
0x13f: {  	v57 =	vld [tilespmem:$0x1FDF0]  }
0x140: {  	v24 =	vadd.f32 v45, v24;
	v45 =	vld.idx.msk [tilespmem:v39+s24+$0x0], $0xffff;
	v43 =	vmul.f32 v19, v53;
	v19 =	vmul.f32 v19, v54  }
0x141: {  	v0 =	vadd.f32 v20, v0;
	v20 =	vmax.f32 v21, $0.0e+00;
	v21 =	vadd.f32 v25, v60;
	v60 =	vld [tilespmem:$0x1FE20]  }
0x142: {  	v53 =	vld [tilespmem:$0x1FF20]  }
0x143: {  	v0 =	vadd.f32 v19, v0;
	v19 =	vmax.f32 v21, $0.0e+00;
	v21 =	vadd.f32 v23, v63;
	v63 =	vld [tilespmem:$0x1FE40]  }
0x144: {  	v25 =	vld.idx.msk [tilespmem:v42+s25+$0x0], $0xffff  }
0x145: {  	v42 =	vmul.f32 v20, v56;
	v56 =	vld [tilespmem:$0x1FF50];
	v20 =	vmul.f32 v20, v57  }
0x146: {  	v24 =	vadd.f32 v44, v24;
	v23 =	vld.idx.msk [tilespmem:v41+s25+$0x0], $0xffff;
	v41 =	vmul.f32 v19, v59;
	v19 =	vmul.f32 v19, v60  }
0x147: {  	v59 =	vld [tilespmem:$0x1FF70];
	v0 =	vadd.f32 v20, v0;
	v20 =	vmax.f32 v21, $0.0e+00;
	v21 =	vadd.f32 v26, v52  }
0x148: {  	v24 =	vadd.f32 v43, v24;
	v26 =	vld.idx.msk [tilespmem:v40+s25+$0x0], $0xffff;
	v40 =	vmul.f32 v20, v62;
	v20 =	vmul.f32 v20, v63  }
0x149: {  	v52 =	vld [tilespmem:$0x1FEF0];
	v0 =	vadd.f32 v19, v0;
	v19 =	vmax.f32 v21, $0.0e+00;
	v21 =	vadd.f32 v25, v55  }
0x14a: {  	v24 =	vadd.f32 v42, v24;
	v25 =	vld.idx.msk [tilespmem:v39+s25+$0x0], $0xffff;
	v39 =	vmul.f32 v19, v46;
	v19 =	vmul.f32 v19, v47  }
0x14b: {  	v55 =	vld [tilespmem:$0x1FF40];
	v0 =	vadd.f32 v20, v0;
	v20 =	vmax.f32 v21, $0.0e+00;
	v21 =	vadd.f32 v23, v58  }
0x14c: {  	v24 =	vadd.f32 v41, v24;
	v23 =	vld.idx.msk [tilespmem:v38+s25+$0x0], $0xffff;
	v38 =	vmul.f32 v20, v49;
	v20 =	vmul.f32 v20, v50  }
0x14d: {  	v58 =	vld [tilespmem:$0x1FF60];
	v0 =	vadd.f32 v19, v0;
	v19 =	vmax.f32 v21, $0.0e+00;
	v21 =	vadd.f32 v26, v61  }
0x14e: {  	v24 =	vadd.f32 v40, v24;
	v26 =	vld.idx.msk [tilespmem:v37+s25+$0x0], $0xffff;
	v37 =	vmul.f32 v19, v52;
	v19 =	vmul.f32 v19, v53  }
0x14f: {  	v54 =	vld.idx.msk [tilespmem:v36+s24+$0x0], $0xffff;
	v0 =	vadd.f32 v20, v0;
	v20 =	vmax.f32 v21, $0.0e+00;
	v21 =	vadd.f32 v25, v45  }
0x150: {  	v24 =	vadd.f32 v39, v24;
	v25 =	vld.idx.msk [tilespmem:v36+s25+$0x0], $0xffff;
	v36 =	vmul.f32 v20, v55;
	v20 =	vmul.f32 v20, v56  }
0x151: {  	v57 =	vld.idx.msk [tilespmem:v35+s24+$0x0], $0xffff;
	v0 =	vadd.f32 v19, v0;
	v19 =	vmax.f32 v21, $0.0e+00;
	v21 =	vadd.f32 v23, v48  }
0x152: {  	v24 =	vadd.f32 v38, v24;
	v23 =	vld.idx.msk [tilespmem:v35+s25+$0x0], $0xffff;
	v35 =	vmul.f32 v19, v58;
	v19 =	vmul.f32 v19, v59  }
0x153: {  	v61 =	vld [tilespmem:$0x1FF80];
	v0 =	vadd.f32 v20, v0;
	v20 =	vmax.f32 v21, $0.0e+00;
	v21 =	vadd.f32 v26, v51  }
0x154: {  	v62 =	vld [tilespmem:$0x1FF90];
	v24 =	vadd.f32 v37, v24  }
0x155: {  	v0 =	vadd.f32 v19, v0;
	v19 =	vmax.f32 v21, $0.0e+00;
	v21 =	vadd.f32 v25, v54;
	v25 =	vld [tilespmem:$0x1FFA0]  }
0x156: {  	v24 =	vadd.f32 v36, v24  }
0x157: {  	v60 =	vld.idx.msk [tilespmem:v34+s24+$0x0], $0xffff  }
0x158: {  	v26 =	vld.idx.msk [tilespmem:v34+s25+$0x0], $0xffff;
	v24 =	vadd.f32 v35, v24;
	v34 =	vmul.f32 v20, v61  }
0x159: {  	v20 =	vmul.f32 v20, v62  }
0x15a: {  	v24 =	vadd.f32 v34, v24;
	v25 =	vmul.f32 v19, v25  }
0x15b: {  	v63 =	vld [tilespmem:$0x1FFB0];
	v0 =	vadd.f32 v20, v0  }
0x15c: {  	v20 =	vmax.f32 v21, $0.0e+00;
	v21 =	vadd.f32 v23, v57;
	v23 =	vadd.f32 v25, v24;
	v24 =	vld [tilespmem:$0x1FFC0];
	_ =	sdelay $0x3  }
0x15d: {  	v19 =	vmul.f32 v19, v63  }
0x15e: {  	v25 =	vld [tilespmem:$0x1FFD0];
	v24 =	vmul.f32 v20, v24  }
0x15f: {  	v0 =	vadd.f32 v19, v0;
	v19 =	vmax.f32 v21, $0.0e+00  }
0x160: {  	v23 =	vadd.f32 v24, v23;
	v24 =	vmul.f32 v19, v28;
	_ =	sdelay $0x1  }
0x161: {  	v23 =	vadd.f32 v24, v23;
	v24 =	vld [tilespmem:$0x1FFE0]  }
0x162: {  	v20 =	vmul.f32 v20, v25;
	v25 =	vld [tilespmem:$0x1FFF0]  }
0x163: {  	v21 =	vadd.f32 v26, v60  }
0x164: {  	s21 =	sadd.s32 $0x10, s21;
	v40 =	vlaneseq.u32;
	v19 =	vmul.f32 v19, v31  }
0x165: {  	v0 =	vadd.f32 v20, v0;
	v20 =	vmax.f32 v21, $0.0e+00;
	v21 =	vor.u32 s21, v40  }
0x166: {  	p0 =	sne.s32 s17, $0x4E00;
	v24 =	vmul.f32 v20, v24  }
.Ltmp0:
0x167: {  	v0 =	vadd.f32 v19, v0;
	v20 =	vmul.f32 v20, v25;
	(pc) =	sbr.rel @p0 .LBB2_2-.Ltmp0, $4  }
0x168: {  	v19 =	vadd.f32 v24, v23  }
0x169: {  	v0 =	vadd.f32 v20, v0  }
0x16a: {  	s19 =	smov.u32 s17;
	[tilespmem:v21+s28+$0x0] =	vst.idx.msk $0xffff, v19  }
0x16b: {  	s17 =	sadd.s32 $0x200, s17;
	v37 =	vor.u32 s19, v22;
	[tilespmem:v21+s29+$0x0] =	vst.idx.msk $0xffff, v0  }
0x16c: {  	_ =	sdelay $0x1  }
0x16d: {  	v0 =	vld [tilespmem:$0x1FB10]  }
0x16e: {  	v19 =	vld [tilespmem:$0x1FB20]  }
0x16f: {  	v20 =	vld.idx.msk [tilespmem:v37+s25+$0x0], $0xffff  }
0x170: {  	v21 =	vld.idx.msk [tilespmem:v37+s24+$0x0], $0xffff  }
0x171: {  	v22 =	vld [tilespmem:$0x1FB30]  }
0x172: {  	v24 =	vld [tilespmem:$0x1FB40]  }
0x173: {  	v49 =	vld [tilespmem:$0x1FB50]  }
0x174: {  	v50 =	vld [tilespmem:$0x1FB60];
	v0 =	vor.u32 s19, v0  }
0x175: {  	v52 =	vld [tilespmem:$0x1FB70]  }
0x176: {  	v54 =	vld [tilespmem:$0x1FB80];
	v19 =	vor.u32 s19, v19  }
0x177: {  	v62 =	vld [tilespmem:$0x1FB90]  }
0x178: {  	v43 =	vld [tilespmem:$0x1FBA0];
	v22 =	vor.u32 s19, v22  }
0x179: {  	v23 =	vld.idx.msk [tilespmem:v0+s24+$0x0], $0xffff  }
0x17a: {  	v24 =	vor.u32 s19, v24;
	v0 =	vld.idx.msk [tilespmem:v0+s25+$0x0], $0xffff  }
0x17b: {  	v25 =	vld.idx.msk [tilespmem:v19+s24+$0x0], $0xffff  }
0x17c: {  	v19 =	vld.idx.msk [tilespmem:v19+s25+$0x0], $0xffff  }
0x17d: {  	v26 =	vld.idx.msk [tilespmem:v22+s24+$0x0], $0xffff  }
0x17e: {  	v22 =	vld.idx.msk [tilespmem:v22+s25+$0x0], $0xffff  }
0x17f: {  	v20 =	vadd.f32 v20, v21;
	v21 =	vor.u32 s19, v49;
	v34 =	vld.idx.msk [tilespmem:v24+s24+$0x0], $0xffff  }
0x180: {  	v24 =	vld.idx.msk [tilespmem:v24+s25+$0x0], $0xffff  }
0x181: {  	v47 =	vld [tilespmem:$0x1FBB0]  }
0x182: {  	v37 =	vld [tilespmem:$0x1FBF0];
	v20 =	vmax.f32 v20, $0.0e+00  }
0x183: {  	v35 =	vmul.f32 v20, v6;
	v20 =	vmul.f32 v20, v3;
	v3 =	vld [tilespmem:$0x1FCA0];
	v0 =	vadd.f32 v0, v23  }
0x184: {  	v53 =	vld.idx.msk [tilespmem:v21+s24+$0x0], $0xffff;
	v19 =	vadd.f32 v19, v25;
	v22 =	vadd.f32 v22, v26  }
0x185: {  	v21 =	vld.idx.msk [tilespmem:v21+s25+$0x0], $0xffff;
	v23 =	vor.u32 s19, v50;
	v25 =	vor.u32 s19, v52;
	v59 =	vadd.f32 v24, v34  }
0x186: {  	v26 =	vor.u32 s19, v54;
	v54 =	vld [tilespmem:$0x1FBC0];
	v19 =	vmax.f32 v19, $0.0e+00;
	v58 =	vmax.f32 v22, $0.0e+00  }
0x187: {  	v22 =	vmax.f32 v59, $0.0e+00;
	v11 =	vmul.f32 v58, v11;
	v61 =	vmul.f32 v58, v8;
	v58 =	vld [tilespmem:$0x1FBD0]  }
0x188: {  	v41 =	vmul.f32 v22, v15;
	v42 =	vmul.f32 v22, v14;
	v22 =	vor.u32 s19, v43;
	v43 =	vld [tilespmem:$0x1FC00]  }
0x189: {  	v56 =	vmul.f32 v19, v13;
	v13 =	vld [tilespmem:$0x1FE00]  }
0x18a: {  	v55 =	vld.idx.msk [tilespmem:v23+s24+$0x0], $0xffff  }
0x18b: {  	v57 =	vld.idx.msk [tilespmem:v23+s25+$0x0], $0xffff  }
0x18c: {  	v63 =	vld.idx.msk [tilespmem:v25+s24+$0x0], $0xffff  }
0x18d: {  	v38 =	vmul.f32 v19, v5;
	v5 =	vor.u32 s19, v62;
	v39 =	vld.idx.msk [tilespmem:v25+s25+$0x0], $0xffff  }
0x18e: {  	v0 =	vmax.f32 v0, $0.0e+00;
	v44 =	vld.idx.msk [tilespmem:v26+s24+$0x0], $0xffff  }
0x18f: {  	v20 =	vadd.f32 $0.0e+00, v20;
	v51 =	vmul.f32 v0, v33;
	v0 =	vmul.f32 v0, v2;
	v46 =	vld.idx.msk [tilespmem:v26+s25+$0x0], $0xffff  }
0x190: {  	v36 =	vadd.f32 $0.0e+00, v35;
	v23 =	vor.u32 s19, v47;
	v47 =	vld [tilespmem:$0x1FCE0]  }
0x191: {  	v0 =	vadd.f32 v0, v20;
	v20 =	vld [tilespmem:$0x1FE30]  }
0x192: {  	v36 =	vadd.f32 v51, v36;
	v49 =	vld.idx.msk [tilespmem:v5+s24+$0x0], $0xffff  }
0x193: {  	v5 =	vld.idx.msk [tilespmem:v5+s25+$0x0], $0xffff  }
0x194: {  	v60 =	vadd.f32 v38, v36;
	v0 =	vadd.f32 v56, v0;
	v56 =	vld.idx.msk [tilespmem:v22+s25+$0x0], $0xffff  }
0x195: {  	v21 =	vadd.f32 v21, v53;
	v45 =	vadd.f32 v57, v55;
	v55 =	vld.idx.msk [tilespmem:v22+s24+$0x0], $0xffff  }
0x196: {  	v38 =	vadd.f32 v11, v60;
	v19 =	vadd.f32 v46, v44;
	v60 =	vld.idx.msk [tilespmem:v23+s24+$0x0], $0xffff  }
0x197: {  	v21 =	vmax.f32 v21, $0.0e+00;
	v0 =	vadd.f32 v61, v0;
	v61 =	vld.idx.msk [tilespmem:v23+s25+$0x0], $0xffff  }
0x198: {  	v48 =	vmul.f32 v21, v7;
	v44 =	vld [tilespmem:$0x1FCD0];
	v19 =	vmax.f32 v19, $0.0e+00  }
0x199: {  	v50 =	vadd.f32 v39, v63;
	v15 =	vadd.f32 v41, v38;
	v63 =	vmul.f32 v19, v27;
	v27 =	vld [tilespmem:$0x1FBE0]  }
0x19a: {  	v5 =	vadd.f32 v5, v49;
	v49 =	vld [tilespmem:$0x1FCF0]  }
0x19b: {  	v57 =	vmax.f32 v50, $0.0e+00;
	v51 =	vadd.f32 v48, v15;
	v15 =	vor.u32 s19, v54;
	v54 =	vld [tilespmem:$0x1FD00]  }
0x19c: {  	v52 =	vmax.f32 v45, $0.0e+00;
	v59 =	vmul.f32 v57, v4;
	v26 =	vmul.f32 v57, v17;
	v57 =	vld [tilespmem:$0x1FD10]  }
0x19d: {  	v21 =	vmul.f32 v21, v1;
	v0 =	vadd.f32 v42, v0;
	v11 =	vmul.f32 v52, v16;
	v16 =	vld [tilespmem:$0x1FE20]  }
0x19e: {  	v62 =	vmul.f32 v19, v18;
	v19 =	vld [tilespmem:$0x1FCB0]  }
0x19f: {  	v53 =	vmul.f32 v52, v29;
	v0 =	vadd.f32 v21, v0;
	v21 =	vld [tilespmem:$0x1FE40]  }
0x1a0: {  	v34 =	vadd.f32 v11, v51;
	v51 =	vld [tilespmem:$0x1FC10]  }
0x1a1: {  	v0 =	vadd.f32 v53, v0;
	v53 =	vld [tilespmem:$0x1FC20]  }
0x1a2: {  	v33 =	vadd.f32 v56, v55;
	v39 =	vadd.f32 v61, v60;
	v61 =	vld [tilespmem:$0x1FC30]  }
0x1a3: {  	v0 =	vadd.f32 v26, v0;
	v26 =	vld [tilespmem:$0x1FC40]  }
0x1a4: {  	v42 =	vmax.f32 v33, $0.0e+00;
	v33 =	vld [tilespmem:$0x1FC50]  }
0x1a5: {  	v11 =	vor.u32 s19, v58;
	v46 =	vmax.f32 v39, $0.0e+00;
	v39 =	vld [tilespmem:$0x1FD70]  }
0x1a6: {  	v5 =	vmax.f32 v5, $0.0e+00;
	v29 =	vld.idx.msk [tilespmem:v15+s24+$0x0], $0xffff  }
0x1a7: {  	v35 =	vmul.f32 v5, v10;
	v1 =	vadd.f32 v59, v34;
	v34 =	vld.idx.msk [tilespmem:v15+s25+$0x0], $0xffff  }
0x1a8: {  	v48 =	vmul.f32 v46, v47;
	v50 =	vmul.f32 v46, v49;
	v46 =	vld [tilespmem:$0x1FC70]  }
0x1a9: {  	v36 =	vmul.f32 v5, v32;
	v5 =	vor.u32 s19, v37;
	v1 =	vadd.f32 v62, v1;
	v62 =	vld [tilespmem:$0x1FD30]  }
0x1aa: {  	v38 =	vld.idx.msk [tilespmem:v11+s24+$0x0], $0xffff  }
0x1ab: {  	v41 =	vld.idx.msk [tilespmem:v11+s25+$0x0], $0xffff  }
0x1ac: {  	v7 =	vor.u32 s19, v27;
	v18 =	vmul.f32 v42, v44;
	v11 =	vmul.f32 v42, v12;
	v42 =	vld [tilespmem:$0x1FD80]  }
0x1ad: {  	v8 =	vor.u32 s19, v61;
	v61 =	vld [tilespmem:$0x1FDF0]  }
0x1ae: {  	v15 =	vor.u32 s19, v43;
	v0 =	vadd.f32 v63, v0;
	v52 =	vld.idx.msk [tilespmem:v5+s24+$0x0], $0xffff  }
0x1af: {  	v5 =	vld.idx.msk [tilespmem:v5+s25+$0x0], $0xffff  }
0x1b0: {  	v0 =	vadd.f32 v36, v0;
	v36 =	vld [tilespmem:$0x1FD60]  }
0x1b1: {  	v45 =	vld.idx.msk [tilespmem:v7+s24+$0x0], $0xffff  }
0x1b2: {  	v7 =	vld.idx.msk [tilespmem:v7+s25+$0x0], $0xffff  }
0x1b3: {  	v56 =	vld.idx.msk [tilespmem:v15+s24+$0x0], $0xffff  }
0x1b4: {  	v58 =	vld.idx.msk [tilespmem:v15+s25+$0x0], $0xffff  }
0x1b5: {  	v4 =	vadd.f32 v34, v29;
	v29 =	vld [tilespmem:$0x1FD40]  }
0x1b6: {  	v34 =	vld [tilespmem:$0x1FD50]  }
0x1b7: {  	v1 =	vadd.f32 v35, v1;
	v0 =	vadd.f32 v11, v0;
	v11 =	vor.u32 s19, v53;
	v53 =	vld [tilespmem:$0x1FDB0]  }
0x1b8: {  	v37 =	vld.idx.msk [tilespmem:v8+s24+$0x0], $0xffff  }
0x1b9: {  	v12 =	vor.u32 s19, v26;
	v1 =	vadd.f32 v18, v1;
	v10 =	vadd.f32 v41, v38;
	v38 =	vld [tilespmem:$0x1FC60]  }
0x1ba: {  	v18 =	vor.u32 s19, v51;
	v8 =	vld.idx.msk [tilespmem:v8+s25+$0x0], $0xffff  }
0x1bb: {  	v1 =	vadd.f32 v48, v1;
	v48 =	vld [tilespmem:$0x1FD90]  }
0x1bc: {  	v4 =	vmax.f32 v4, $0.0e+00;
	v0 =	vadd.f32 v50, v0;
	v50 =	vld [tilespmem:$0x1FDA0]  }
0x1bd: {  	v55 =	vmul.f32 v4, v54;
	v54 =	vld [tilespmem:$0x1FDC0]  }
0x1be: {  	v43 =	vld.idx.msk [tilespmem:v12+s24+$0x0], $0xffff  }
0x1bf: {  	v63 =	vld.idx.msk [tilespmem:v18+s24+$0x0], $0xffff  }
0x1c0: {  	v24 =	vld.idx.msk [tilespmem:v18+s25+$0x0], $0xffff  }
0x1c1: {  	v27 =	vld.idx.msk [tilespmem:v11+s24+$0x0], $0xffff  }
0x1c2: {  	v32 =	vld.idx.msk [tilespmem:v11+s25+$0x0], $0xffff  }
0x1c3: {  	v59 =	vadd.f32 v7, v45;
	v45 =	vld.idx.msk [tilespmem:v12+s25+$0x0], $0xffff  }
0x1c4: {  	v4 =	vmul.f32 v4, v57;
	v23 =	vadd.f32 v5, v52;
	v6 =	vadd.f32 v58, v56;
	v56 =	vld [tilespmem:$0x1FC80]  }
0x1c5: {  	v58 =	vld [tilespmem:$0x1FC90]  }
0x1c6: {  	v0 =	vadd.f32 v4, v0;
	v4 =	vmax.f32 v23, $0.0e+00;
	v23 =	vld [tilespmem:$0x1FCC0]  }
0x1c7: {  	v11 =	vor.u32 s19, v33;
	v33 =	vld [tilespmem:$0x1FDD0]  }
0x1c8: {  	v60 =	vmax.f32 v10, $0.0e+00;
	v35 =	vmul.f32 v4, v34;
	v4 =	vmul.f32 v4, v36;
	v36 =	vld [tilespmem:$0x1FF20]  }
0x1c9: {  	v1 =	vadd.f32 v55, v1;
	v10 =	vmul.f32 v60, v9;
	v25 =	vmax.f32 v59, $0.0e+00;
	v59 =	vld [tilespmem:$0x1FDE0]  }
0x1ca: {  	v2 =	vadd.f32 v8, v37;
	v37 =	vld [tilespmem:$0x1FF30]  }
0x1cb: {  	v1 =	vadd.f32 v10, v1;
	v10 =	vor.u32 s19, v46;
	v46 =	vld [tilespmem:$0x1FF60]  }
0x1cc: {  	v6 =	vmax.f32 v6, $0.0e+00;
	v15 =	vmul.f32 v25, v29;
	v30 =	vmul.f32 v25, v30;
	v25 =	vld [tilespmem:$0x1FE80]  }
0x1cd: {  	v41 =	vmul.f32 v6, v39;
	v6 =	vmul.f32 v6, v42;
	v42 =	vld [tilespmem:$0x1FF40]  }
0x1ce: {  	v7 =	vmul.f32 v60, v62;
	v47 =	vld.idx.msk [tilespmem:v11+s24+$0x0], $0xffff  }
0x1cf: {  	v51 =	vld.idx.msk [tilespmem:v11+s25+$0x0], $0xffff  }
0x1d0: {  	v0 =	vadd.f32 v7, v0;
	v9 =	vor.u32 s19, v38;
	v5 =	vadd.f32 v24, v63;
	v24 =	vld [tilespmem:$0x1FE70]  }
0x1d1: {  	v44 =	vadd.f32 v32, v27;
	v27 =	vld [tilespmem:$0x1FD20]  }
0x1d2: {  	v0 =	vadd.f32 v30, v0;
	v30 =	vld [tilespmem:$0x1FEB0]  }
0x1d3: {  	v32 =	vld [tilespmem:$0x1FEC0]  }
0x1d4: {  	v8 =	vor.u32 s19, v19;
	v7 =	vadd.f32 v45, v43;
	v43 =	vld [tilespmem:$0x1FF50]  }
0x1d5: {  	v52 =	vld.idx.msk [tilespmem:v9+s24+$0x0], $0xffff  }
0x1d6: {  	v57 =	vld.idx.msk [tilespmem:v9+s25+$0x0], $0xffff  }
0x1d7: {  	v1 =	vadd.f32 v15, v1;
	v62 =	vld.idx.msk [tilespmem:v10+s24+$0x0], $0xffff  }
0x1d8: {  	v2 =	vmax.f32 v2, $0.0e+00;
	v63 =	vld.idx.msk [tilespmem:v10+s25+$0x0], $0xffff  }
0x1d9: {  	v1 =	vadd.f32 v35, v1;
	v0 =	vadd.f32 v4, v0;
	v5 =	vmax.f32 v5, $0.0e+00;
	v29 =	vld.idx.msk [tilespmem:v8+s24+$0x0], $0xffff  }
0x1da: {  	v4 =	vmax.f32 v44, $0.0e+00;
	v9 =	vor.u32 s19, v58;
	v8 =	vld.idx.msk [tilespmem:v8+s25+$0x0], $0xffff;
	v49 =	vmul.f32 v5, v48  }
0x1db: {  	v35 =	vld [tilespmem:$0x1FEF0];
	v5 =	vmul.f32 v5, v50;
	v11 =	vmul.f32 v4, v53;
	v1 =	vadd.f32 v41, v1  }
0x1dc: {  	v55 =	vmul.f32 v4, v54;
	v4 =	vor.u32 s19, v56;
	v50 =	vld [tilespmem:$0x1FF80];
	v0 =	vadd.f32 v6, v0  }
0x1dd: {  	v60 =	vmul.f32 v2, v59;
	v54 =	vld [tilespmem:$0x1FFA0];
	v1 =	vadd.f32 v49, v1  }
0x1de: {  	v2 =	vmul.f32 v2, v61;
	v7 =	vmax.f32 v7, $0.0e+00;
	v56 =	vld [tilespmem:$0x1FFC0];
	v0 =	vadd.f32 v5, v0  }
0x1df: {  	v10 =	vor.u32 s19, v3;
	v12 =	vadd.f32 v51, v47;
	v47 =	vld [tilespmem:$0x1FF70];
	v1 =	vadd.f32 v11, v1  }
0x1e0: {  	v38 =	vor.u32 s19, v37;
	v14 =	vmul.f32 v7, v13;
	v22 =	vld.idx.msk [tilespmem:v9+s24+$0x0], $0xffff;
	v0 =	vadd.f32 v55, v0  }
0x1e1: {  	v7 =	vmul.f32 v7, v16;
	v12 =	vmax.f32 v12, $0.0e+00;
	v18 =	vld.idx.msk [tilespmem:v4+s24+$0x0], $0xffff;
	v1 =	vadd.f32 v60, v1  }
0x1e2: {  	v17 =	vadd.f32 v57, v52;
	v4 =	vld.idx.msk [tilespmem:v4+s25+$0x0], $0xffff;
	v11 =	vmul.f32 v12, v20;
	v0 =	vadd.f32 v2, v0  }
0x1e3: {  	v9 =	vld.idx.msk [tilespmem:v9+s25+$0x0], $0xffff;
	v3 =	vmul.f32 v12, v21;
	v12 =	vor.u32 s19, v23;
	v1 =	vadd.f32 v14, v1  }
0x1e4: {  	v26 =	vld.idx.msk [tilespmem:v10+s24+$0x0], $0xffff;
	v2 =	vmax.f32 v17, $0.0e+00;
	v0 =	vadd.f32 v7, v0  }
0x1e5: {  	v6 =	vadd.f32 v63, v62;
	v10 =	vld.idx.msk [tilespmem:v10+s25+$0x0], $0xffff;
	v1 =	vadd.f32 v11, v1;
	v11 =	vmul.f32 v2, v24  }
0x1e6: {  	v51 =	vld [tilespmem:$0x1FF90];
	v2 =	vmul.f32 v2, v25;
	v0 =	vadd.f32 v3, v0;
	v3 =	vor.u32 s19, v27  }
0x1e7: {  	v49 =	vld.idx.msk [tilespmem:v38+s24+$0x0], $0xffff;
	v6 =	vmax.f32 v6, $0.0e+00;
	v4 =	vadd.f32 v4, v18;
	v1 =	vadd.f32 v11, v1  }
0x1e8: {  	v34 =	vld.idx.msk [tilespmem:v12+s24+$0x0], $0xffff;
	v11 =	vmul.f32 v6, v30;
	v0 =	vadd.f32 v2, v0;
	v2 =	vor.u32 s19, v33  }
0x1e9: {  	v7 =	vadd.f32 v9, v22;
	v12 =	vld.idx.msk [tilespmem:v12+s25+$0x0], $0xffff;
	v4 =	vmax.f32 v4, $0.0e+00;
	v6 =	vmul.f32 v6, v32  }
0x1ea: {  	v55 =	vld [tilespmem:$0x1FFB0];
	v39 =	vadd.f32 v10, v26;
	v1 =	vadd.f32 v11, v1;
	v11 =	vmul.f32 v4, v35  }
0x1eb: {  	v7 =	vmax.f32 v7, $0.0e+00;
	v4 =	vmul.f32 v4, v36;
	v0 =	vadd.f32 v6, v0;
	v41 =	vld.idx.msk [tilespmem:v3+s24+$0x0], $0xffff  }
0x1ec: {  	v44 =	vadd.f32 v8, v29;
	v3 =	vld.idx.msk [tilespmem:v3+s25+$0x0], $0xffff;
	v1 =	vadd.f32 v11, v1;
	v11 =	vmul.f32 v7, v42  }
0x1ed: {  	v6 =	vmax.f32 v39, $0.0e+00;
	v7 =	vmul.f32 v7, v43;
	v0 =	vadd.f32 v4, v0;
	v45 =	vld.idx.msk [tilespmem:v2+s24+$0x0], $0xffff  }
0x1ee: {  	v48 =	vadd.f32 v12, v34;
	v8 =	vmul.f32 v6, v46;
	v2 =	vld.idx.msk [tilespmem:v2+s25+$0x0], $0xffff;
	v1 =	vadd.f32 v11, v1  }
0x1ef: {  	v52 =	vld.idx.msk [tilespmem:v38+s25+$0x0], $0xffff;
	v6 =	vmul.f32 v6, v47;
	v4 =	vmax.f32 v44, $0.0e+00;
	v0 =	vadd.f32 v7, v0  }
0x1f0: {  	v57 =	vld [tilespmem:$0x1FFD0];
	v53 =	vmax.f32 v48, $0.0e+00;
	v1 =	vadd.f32 v8, v1;
	v8 =	vmul.f32 v4, v50  }
0x1f1: {  	v4 =	vmul.f32 v4, v51;
	v0 =	vadd.f32 v6, v0;
	v3 =	vadd.f32 v3, v41  }
0x1f2: {  	v7 =	vmul.f32 v53, v54;
	v6 =	vmul.f32 v53, v55;
	v1 =	vadd.f32 v8, v1  }
0x1f3: {  	v62 =	vld [tilespmem:$0x1FFE0];
	v0 =	vadd.f32 v4, v0;
	v2 =	vadd.f32 v2, v45;
	v3 =	vmax.f32 v3, $0.0e+00  }
0x1f4: {  	v63 =	vld [tilespmem:$0x1FFF0];
	v58 =	vadd.f32 v52, v49;
	v4 =	vmul.f32 v3, v56;
	v1 =	vadd.f32 v7, v1  }
0x1f5: {  	s17 =	sadd.s32 $0x10, s21;
	v3 =	vmul.f32 v3, v57;
	v0 =	vadd.f32 v6, v0;
	v2 =	vmax.f32 v2, $0.0e+00  }
0x1f6: {  	v61 =	vor.u32 s17, v40;
	v59 =	vmul.f32 v2, v28;
	v1 =	vadd.f32 v4, v1  }
0x1f7: {  	v60 =	vmax.f32 v58, $0.0e+00;
	v2 =	vmul.f32 v2, v31;
	v0 =	vadd.f32 v3, v0  }
0x1f8: {  	v4 =	vmul.f32 v60, v62;
	v1 =	vadd.f32 v59, v1  }
0x1f9: {  	v3 =	vmul.f32 v60, v63;
	v0 =	vadd.f32 v2, v0  }
0x1fa: {  	v1 =	vadd.f32 v4, v1  }
0x1fb: {  	v0 =	vadd.f32 v3, v0  }
0x1fc: {  	[tilespmem:v61+s28+$0x0] =	vst.idx.msk $0xffff, v1  }
0x1fd: {  	s9 =	rddreg [dreg:$0xf];
	[tilespmem:v61+s29+$0x0] =	vst.idx.msk $0xffff, v0  }
0x1fe: {  	[spmem:s9] =	stream.linear.scatter [tilespmem:s28], [sflag:$0x9], $0x280, $0x38;
	[tilespmem:$0x10600] =	vst v63  }
0x1ff: {  	_ =	swait.ge [sflag:s22], $0x280  }
0x200: {  	[sflag:s22] =	ssyncset.done $0x0  }
0x201: {  	s21 =	rddreg [dreg:$0x10];
	[sflag:s22] =	ssyncadd.s32 $0xFFFFFD80  }
0x202: {  	[spmem:s21] =	stream.linear.scatter [tilespmem:s29], [sflag:$0x9], $0x280, $0x38;
	[tilespmem:$0x10600] =	vst v63  }
0x203: {  	_ =	swait.ge [sflag:s22], $0x280  }
0x204: {  	[sflag:s22] =	ssyncset.done $0x0  }
0x205: {  	[sflag:s22] =	ssyncadd.s32 $0xFFFFFD80  }
0x206: {  	s9 =	simm.s32 $0x0;
	[bflag:$0x0] =	sbarrier.arrive $0xFFFF  }
0x207: {  	[tilespmem:s31], [sflag:$0x1] =	stream.indirect.gather [spmem:s5], $0x1, s9, s30, $0xb8;
	[tilespmem:$0x10600] =	vst v63  }
0x208: {  	_ = 	snop  }
0x209: {  	[tilespmem:s4], [sflag:$0x1] =	stream.indirect.gather [spmem:s6], $0x1, s9, s30, $0xb8;
	[tilespmem:$0x10600] =	vst v63  }
0x20a: {  	_ = 	snop  }
0x20b: {  	[tilespmem:s0], [sflag:$0x2] =	stream.indirect.gather [spmem:s5], $0x1, s30, s30, $0xb8;
	[tilespmem:$0x10600] =	vst v63  }
0x20c: {  	_ = 	snop  }
0x20d: {  	[tilespmem:s1], [sflag:$0x2] =	stream.indirect.gather [spmem:s6], $0x1, s30, s30, $0xb8;
	[tilespmem:$0x10600] =	vst v63  }
0x20e: {  	_ =	swait.ge [sflag:s23], $0x80  }
0x20f: {  	[sflag:s23] =	ssyncset.done $0x0  }
0x210: {  	[sflag:s23] =	ssyncadd.s32 $0xFFFFFF80  }
0x211: {  	_ =	swait.ge [sflag:s23], $0x80  }
0x212: {  	[sflag:s23] =	ssyncset.done $0x0  }
0x213: {  	p0 =	por $0x1, $0x1;
	s19 =	simm.s32 $0x2780;
	[sflag:s23] =	ssyncadd.s32 $0xFFFFFF80  }
0x214: {  	[spmem:s2] =	stream.indirect.scatter.add.f32 [tilespmem:s31], [sflag:$0x5], $0x1, s19, s30, $0xb8;
	[tilespmem:$0x10600] =	vst v63  }
0x215: {  	s17 =	simm.s32 @!p0 $0x7  }
0x216: {  	[spmem:s3] =	stream.indirect.scatter.add.f32 [tilespmem:s4], [sflag:$0x5], $0x1, s19, s30, $0xb8;
	[tilespmem:$0x10600] =	vst v63  }
0x217: {  	_ =	swait.ge @!p0 [sflag:s17], $0x80  }
0x218: {  	[sflag:s17] =	ssyncset.done @!p0 $0x0  }
0x219: {  	[sflag:s17] =	ssyncadd.s32 @!p0 $0xFFFFFF80  }
0x21a: {  	_ =	swait.ge @!p0 [sflag:s17], $0x80  }
0x21b: {  	[sflag:s17] =	ssyncset.done @!p0 $0x0  }
0x21c: {  	s21 =	simm.s32 $0x100;
	[sflag:s17] =	ssyncadd.s32 @!p0 $0xFFFFFF80  }
0x21d: {  	[tilespmem:s26], [sflag:$0x3] =	stream.indirect.gather [spmem:s5], $0x1, s21, s30, $0xb8;
	[tilespmem:$0x10600] =	vst v63  }
0x21e: {  	_ = 	snop  }
0x21f: {  	[tilespmem:s8], [sflag:$0x3] =	stream.indirect.gather [spmem:s6], $0x1, s21, s30, $0xb8;
	[tilespmem:$0x10600] =	vst v63  }
0x220: {  	_ =	swait.ge [sflag:s10], $0x80  }
0x221: {  	[sflag:s10] =	ssyncset.done $0x0  }
0x222: {  	[sflag:s10] =	ssyncadd.s32 $0xFFFFFF80  }
0x223: {  	_ =	swait.ge [sflag:s10], $0x80  }
0x224: {  	[sflag:s10] =	ssyncset.done $0x0  }
0x225: {  	s9 =	simm.s32 $0x2800;
	[sflag:s10] =	ssyncadd.s32 $0xFFFFFF80  }
0x226: {  	[spmem:s2] =	stream.indirect.scatter.add.f32 [tilespmem:s0], [sflag:$0x6], $0x1, s9, s30, $0xb8;
	[tilespmem:$0x10600] =	vst v63  }
0x227: {  	s19 =	simm.s32 @!p0 $0x8  }
0x228: {  	[spmem:s3] =	stream.indirect.scatter.add.f32 [tilespmem:s1], [sflag:$0x6], $0x1, s9, s30, $0xb8;
	[tilespmem:$0x10600] =	vst v63  }
0x229: {  	_ =	swait.ge @!p0 [sflag:s19], $0x80  }
0x22a: {  	[sflag:s19] =	ssyncset.done @!p0 $0x0  }
0x22b: {  	[sflag:s19] =	ssyncadd.s32 @!p0 $0xFFFFFF80  }
0x22c: {  	_ =	swait.ge @!p0 [sflag:s19], $0x80  }
0x22d: {  	[sflag:s19] =	ssyncset.done @!p0 $0x0  }
0x22e: {  	s21 =	simm.s32 $0x180;
	[sflag:s19] =	ssyncadd.s32 @!p0 $0xFFFFFF80  }
0x22f: {  	[tilespmem:s11], [sflag:$0x4] =	stream.indirect.gather [spmem:s5], $0x1, s21, s30, $0xb8;
	[tilespmem:$0x10600] =	vst v63  }
0x230: {  	_ = 	snop  }
0x231: {  	[tilespmem:s12], [sflag:$0x4] =	stream.indirect.gather [spmem:s6], $0x1, s21, s30, $0xb8;
	[tilespmem:$0x10600] =	vst v63  }
0x232: {  	_ =	swait.ge [sflag:s13], $0x80  }
0x233: {  	[sflag:s13] =	ssyncset.done $0x0  }
0x234: {  	[sflag:s13] =	ssyncadd.s32 $0xFFFFFF80  }
0x235: {  	_ =	swait.ge [sflag:s13], $0x80  }
0x236: {  	[sflag:s13] =	ssyncset.done $0x0  }
0x237: {  	s9 =	simm.s32 $0x2880;
	[sflag:s13] =	ssyncadd.s32 $0xFFFFFF80  }
0x238: {  	[spmem:s2] =	stream.indirect.scatter.add.f32 [tilespmem:s26], [sflag:$0x7], $0x1, s9, s30, $0xb8;
	[tilespmem:$0x10600] =	vst v63  }
0x239: {  	_ = 	snop  }
0x23a: {  	[spmem:s3] =	stream.indirect.scatter.add.f32 [tilespmem:s8], [sflag:$0x7], $0x1, s9, s30, $0xb8;
	[tilespmem:$0x10600] =	vst v63  }
0x23b: {  	_ =	swait.ge [sflag:s14], $0x80  }
0x23c: {  	[sflag:s14] =	ssyncset.done $0x0  }
0x23d: {  	[sflag:s14] =	ssyncadd.s32 $0xFFFFFF80  }
0x23e: {  	_ =	swait.ge [sflag:s14], $0x80  }
0x23f: {  	[sflag:s14] =	ssyncset.done $0x0  }
0x240: {  	s19 =	simm.s32 $0x200;
	[sflag:s14] =	ssyncadd.s32 $0xFFFFFF80  }
0x241: {  	[tilespmem:s31], [sflag:$0x1] =	stream.indirect.gather [spmem:s5], $0x1, s19, s30, $0xb8;
	[tilespmem:$0x10600] =	vst v63  }
0x242: {  	_ = 	snop  }
0x243: {  	[tilespmem:s4], [sflag:$0x1] =	stream.indirect.gather [spmem:s6], $0x1, s19, s30, $0xb8;
	[tilespmem:$0x10600] =	vst v63  }
0x244: {  	_ =	swait.ge [sflag:s15], $0x80  }
0x245: {  	[sflag:s15] =	ssyncset.done $0x0  }
0x246: {  	[sflag:s15] =	ssyncadd.s32 $0xFFFFFF80  }
0x247: {  	_ =	swait.ge [sflag:s15], $0x80  }
0x248: {  	[sflag:s15] =	ssyncset.done $0x0  }
0x249: {  	s21 =	simm.s32 $0x2900;
	[sflag:s15] =	ssyncadd.s32 $0xFFFFFF80  }
0x24a: {  	[spmem:s2] =	stream.indirect.scatter.add.f32 [tilespmem:s11], [sflag:$0x8], $0x1, s21, s30, $0xb8;
	[tilespmem:$0x10600] =	vst v63  }
0x24b: {  	_ = 	snop  }
0x24c: {  	[spmem:s3] =	stream.indirect.scatter.add.f32 [tilespmem:s12], [sflag:$0x8], $0x1, s21, s30, $0xb8;
	[tilespmem:$0x10600] =	vst v63  }
0x24d: {  	_ =	swait.ge [sflag:s16], $0x80  }
0x24e: {  	[sflag:s16] =	ssyncset.done $0x0  }
0x24f: {  	[sflag:s16] =	ssyncadd.s32 $0xFFFFFF80  }
0x250: {  	_ =	swait.ge [sflag:s16], $0x80  }
0x251: {  	[sflag:s16] =	ssyncset.done $0x0  }
0x252: {  	s17 =	simm.s32 $0x800;
	s19 =	simm.s32 $0x280;
	[sflag:s16] =	ssyncadd.s32 $0xFFFFFF80  }
0x253: {  	[tilespmem:s0], [sflag:$0x2] =	stream.indirect.gather [spmem:s5], $0x1, s19, s30, $0xb8;
	[tilespmem:$0x10600] =	vst v63  }
.LBB2_4:
0x254: {  	s21 =	smov.u32 s17;
	s17 =	sadd.s32 $0x800, s17  }
0x255: {  	[tilespmem:s1], [sflag:$0x2] =	stream.indirect.gather [spmem:s6], $0x1, s19, s30, $0xb8;
	[tilespmem:$0x10600] =	vst v63  }
0x256: {  	p0 =	sne.s32 s17, $0x9800;
	_ =	swait.ge [sflag:s23], $0x80  }
0x257: {  	[sflag:s23] =	ssyncset.done $0x0  }
0x258: {  	[sflag:s23] =	ssyncadd.s32 $0xFFFFFF80  }
0x259: {  	_ =	swait.ge [sflag:s23], $0x80  }
0x25a: {  	s19 =	sshra.s32 s21, $0x2;
	[sflag:s23] =	ssyncset.done $0x0  }
0x25b: {  	s9 =	sadd.s32 $0x2780, s19;
	[sflag:s23] =	ssyncadd.s32 $0xFFFFFF80  }
0x25c: {  	[spmem:s2] =	stream.indirect.scatter.add.f32 [tilespmem:s31], [sflag:$0x5], $0x1, s9, s30, $0xb8;
	[tilespmem:$0x10600] =	vst v63  }
0x25d: {  	p1 =	seq.s32 s21, $0x0  }
0x25e: {  	[spmem:s3] =	stream.indirect.scatter.add.f32 [tilespmem:s4], [sflag:$0x5], $0x1, s9, s30, $0xb8;
	[tilespmem:$0x10600] =	vst v63  }
0x25f: {  	s9 =	simm.s32 @!p1 $0x7  }
0x260: {  	_ =	swait.ge @!p1 [sflag:s9], $0x80  }
0x261: {  	[sflag:s9] =	ssyncset.done @!p1 $0x0  }
0x262: {  	[sflag:s9] =	ssyncadd.s32 @!p1 $0xFFFFFF80  }
0x263: {  	_ =	swait.ge @!p1 [sflag:s9], $0x80  }
0x264: {  	s21 =	sadd.s32 $0x100, s19;
	[sflag:s9] =	ssyncset.done @!p1 $0x0  }
0x265: {  	[sflag:s9] =	ssyncadd.s32 @!p1 $0xFFFFFF80  }
0x266: {  	[tilespmem:s26], [sflag:$0x3] =	stream.indirect.gather [spmem:s5], $0x1, s21, s30, $0xb8;
	[tilespmem:$0x10600] =	vst v63  }
0x267: {  	_ = 	snop  }
0x268: {  	[tilespmem:s8], [sflag:$0x3] =	stream.indirect.gather [spmem:s6], $0x1, s21, s30, $0xb8;
	[tilespmem:$0x10600] =	vst v63  }
0x269: {  	_ =	swait.ge [sflag:s10], $0x80  }
0x26a: {  	[sflag:s10] =	ssyncset.done $0x0  }
0x26b: {  	[sflag:s10] =	ssyncadd.s32 $0xFFFFFF80  }
0x26c: {  	_ =	swait.ge [sflag:s10], $0x80  }
0x26d: {  	s9 =	sadd.s32 $0x2800, s19;
	[sflag:s10] =	ssyncset.done $0x0  }
0x26e: {  	[sflag:s10] =	ssyncadd.s32 $0xFFFFFF80  }
0x26f: {  	[spmem:s2] =	stream.indirect.scatter.add.f32 [tilespmem:s0], [sflag:$0x6], $0x1, s9, s30, $0xb8;
	[tilespmem:$0x10600] =	vst v63  }
0x270: {  	s21 =	simm.s32 @!p1 $0x8  }
0x271: {  	[spmem:s3] =	stream.indirect.scatter.add.f32 [tilespmem:s1], [sflag:$0x6], $0x1, s9, s30, $0xb8;
	[tilespmem:$0x10600] =	vst v63  }
0x272: {  	_ =	swait.ge @!p1 [sflag:s21], $0x80  }
0x273: {  	[sflag:s21] =	ssyncset.done @!p1 $0x0  }
0x274: {  	[sflag:s21] =	ssyncadd.s32 @!p1 $0xFFFFFF80  }
0x275: {  	_ =	swait.ge @!p1 [sflag:s21], $0x80  }
0x276: {  	s9 =	sadd.s32 $0x180, s19;
	[sflag:s21] =	ssyncset.done @!p1 $0x0  }
0x277: {  	[sflag:s21] =	ssyncadd.s32 @!p1 $0xFFFFFF80  }
0x278: {  	[tilespmem:s11], [sflag:$0x4] =	stream.indirect.gather [spmem:s5], $0x1, s9, s30, $0xb8;
	[tilespmem:$0x10600] =	vst v63  }
0x279: {  	_ = 	snop  }
0x27a: {  	[tilespmem:s12], [sflag:$0x4] =	stream.indirect.gather [spmem:s6], $0x1, s9, s30, $0xb8;
	[tilespmem:$0x10600] =	vst v63  }
0x27b: {  	_ =	swait.ge [sflag:s13], $0x80  }
0x27c: {  	[sflag:s13] =	ssyncset.done $0x0  }
0x27d: {  	[sflag:s13] =	ssyncadd.s32 $0xFFFFFF80  }
0x27e: {  	_ =	swait.ge [sflag:s13], $0x80  }
0x27f: {  	s9 =	sadd.s32 $0x2880, s19;
	[sflag:s13] =	ssyncset.done $0x0  }
0x280: {  	[sflag:s13] =	ssyncadd.s32 $0xFFFFFF80  }
0x281: {  	[spmem:s2] =	stream.indirect.scatter.add.f32 [tilespmem:s26], [sflag:$0x7], $0x1, s9, s30, $0xb8;
	[tilespmem:$0x10600] =	vst v63  }
0x282: {  	_ = 	snop  }
0x283: {  	[spmem:s3] =	stream.indirect.scatter.add.f32 [tilespmem:s8], [sflag:$0x7], $0x1, s9, s30, $0xb8;
	[tilespmem:$0x10600] =	vst v63  }
0x284: {  	_ =	swait.ge [sflag:s14], $0x80  }
0x285: {  	[sflag:s14] =	ssyncset.done $0x0  }
0x286: {  	[sflag:s14] =	ssyncadd.s32 $0xFFFFFF80  }
0x287: {  	_ =	swait.ge [sflag:s14], $0x80  }
0x288: {  	s9 =	sadd.s32 $0x200, s19;
	[sflag:s14] =	ssyncset.done $0x0  }
0x289: {  	[sflag:s14] =	ssyncadd.s32 $0xFFFFFF80  }
0x28a: {  	[tilespmem:s31], [sflag:$0x1] =	stream.indirect.gather [spmem:s5], $0x1, s9, s30, $0xb8;
	[tilespmem:$0x10600] =	vst v63  }
0x28b: {  	_ = 	snop  }
0x28c: {  	[tilespmem:s4], [sflag:$0x1] =	stream.indirect.gather [spmem:s6], $0x1, s9, s30, $0xb8;
	[tilespmem:$0x10600] =	vst v63  }
0x28d: {  	_ =	swait.ge [sflag:s15], $0x80  }
0x28e: {  	[sflag:s15] =	ssyncset.done $0x0  }
0x28f: {  	[sflag:s15] =	ssyncadd.s32 $0xFFFFFF80  }
0x290: {  	_ =	swait.ge [sflag:s15], $0x80  }
0x291: {  	s9 =	sadd.s32 $0x2900, s19;
	[sflag:s15] =	ssyncset.done $0x0  }
0x292: {  	[sflag:s15] =	ssyncadd.s32 $0xFFFFFF80  }
0x293: {  	[spmem:s2] =	stream.indirect.scatter.add.f32 [tilespmem:s11], [sflag:$0x8], $0x1, s9, s30, $0xb8;
	[tilespmem:$0x10600] =	vst v63  }
0x294: {  	_ = 	snop  }
0x295: {  	[spmem:s3] =	stream.indirect.scatter.add.f32 [tilespmem:s12], [sflag:$0x8], $0x1, s9, s30, $0xb8;
	[tilespmem:$0x10600] =	vst v63  }
0x296: {  	_ =	swait.ge [sflag:s16], $0x80  }
0x297: {  	[sflag:s16] =	ssyncset.done $0x0  }
.Ltmp1:
0x298: {  	[sflag:s16] =	ssyncadd.s32 $0xFFFFFF80;
	(pc) =	sbr.rel @p0 .LBB2_4-.Ltmp1, $4  }
0x299: {  	_ =	swait.ge [sflag:s16], $0x80  }
0x29a: {  	s19 =	sadd.s32 $0x280, s19;
	[sflag:s16] =	ssyncset.done $0x0  }
0x29b: {  	[sflag:s16] =	ssyncadd.s32 $0xFFFFFF80  }
0x29c: {  	[tilespmem:s0], [sflag:$0x2] =	stream.indirect.gather [spmem:s5], $0x1, s19, s30, $0xb8;
	[tilespmem:$0x10600] =	vst v63  }
0x29d: {  	[tilespmem:s1], [sflag:$0x2] =	stream.indirect.gather [spmem:s6], $0x1, s19, s30, $0xb8;
	[tilespmem:$0x10600] =	vst v63  }
0x29e: {  	_ =	swait.ge [sflag:s23], $0x80  }
0x29f: {  	[sflag:s23] =	ssyncset.done $0x0  }
0x2a0: {  	[sflag:s23] =	ssyncadd.s32 $0xFFFFFF80  }
0x2a1: {  	_ =	swait.ge [sflag:s23], $0x80  }
0x2a2: {  	[sflag:s23] =	ssyncset.done $0x0  }
0x2a3: {  	s9 =	simm.s32 $0x4D80;
	[sflag:s23] =	ssyncadd.s32 $0xFFFFFF80  }
0x2a4: {  	[spmem:s2] =	stream.indirect.scatter.add.f32 [tilespmem:s31], [sflag:$0x5], $0x1, s9, s30, $0xb8;
	[tilespmem:$0x10600] =	vst v63  }
0x2a5: {  	_ = 	snop  }
0x2a6: {  	[spmem:s3] =	stream.indirect.scatter.add.f32 [tilespmem:s4], [sflag:$0x5], $0x1, s9, s30, $0xb8;
	[tilespmem:$0x10600] =	vst v63  }
0x2a7: {  	_ =	swait.ge [sflag:s18], $0x80  }
0x2a8: {  	[sflag:s18] =	ssyncset.done $0x0  }
0x2a9: {  	[sflag:s18] =	ssyncadd.s32 $0xFFFFFF80  }
0x2aa: {  	_ =	swait.ge [sflag:s18], $0x80  }
0x2ab: {  	[sflag:s18] =	ssyncset.done $0x0  }
0x2ac: {  	s19 =	simm.s32 $0x2700;
	[sflag:s18] =	ssyncadd.s32 $0xFFFFFF80  }
0x2ad: {  	[tilespmem:s26], [sflag:$0x3] =	stream.indirect.gather [spmem:s5], $0x1, s19, s30, $0xb8;
	[tilespmem:$0x10600] =	vst v63  }
0x2ae: {  	_ = 	snop  }
0x2af: {  	[tilespmem:s8], [sflag:$0x3] =	stream.indirect.gather [spmem:s6], $0x1, s19, s30, $0xb8;
	[tilespmem:$0x10600] =	vst v63  }
0x2b0: {  	_ =	swait.ge [sflag:s10], $0x80  }
0x2b1: {  	[sflag:s10] =	ssyncset.done $0x0  }
0x2b2: {  	[sflag:s10] =	ssyncadd.s32 $0xFFFFFF80  }
0x2b3: {  	_ =	swait.ge [sflag:s10], $0x80  }
0x2b4: {  	[sflag:s10] =	ssyncset.done $0x0  }
0x2b5: {  	s21 =	simm.s32 $0x4E00;
	[sflag:s10] =	ssyncadd.s32 $0xFFFFFF80  }
0x2b6: {  	[spmem:s2] =	stream.indirect.scatter.add.f32 [tilespmem:s0], [sflag:$0x6], $0x1, s21, s30, $0xb8;
	[tilespmem:$0x10600] =	vst v63  }
0x2b7: {  	_ = 	snop  }
0x2b8: {  	[spmem:s3] =	stream.indirect.scatter.add.f32 [tilespmem:s1], [sflag:$0x6], $0x1, s21, s30, $0xb8;
	[tilespmem:$0x10600] =	vst v63  }
0x2b9: {  	_ =	swait.ge [sflag:s13], $0x80  }
0x2ba: {  	[sflag:s13] =	ssyncset.done $0x0  }
0x2bb: {  	[sflag:s13] =	ssyncadd.s32 $0xFFFFFF80  }
0x2bc: {  	_ =	swait.ge [sflag:s13], $0x80  }
0x2bd: {  	[sflag:s13] =	ssyncset.done $0x0  }
0x2be: {  	s17 =	simm.s32 $0x4E80;
	[sflag:s13] =	ssyncadd.s32 $0xFFFFFF80  }
0x2bf: {  	[spmem:s2] =	stream.indirect.scatter.add.f32 [tilespmem:s26], [sflag:$0x7], $0x1, s17, s30, $0xb8;
	[tilespmem:$0x10600] =	vst v63  }
0x2c0: {  	s19 =	simm.s32 $0x8  }
0x2c1: {  	[spmem:s3] =	stream.indirect.scatter.add.f32 [tilespmem:s8], [sflag:$0x7], $0x1, s17, s30, $0xb8;
	[tilespmem:$0x10600] =	vst v63  }
0x2c2: {  	_ =	swait.ge [sflag:s19], $0x80  }
0x2c3: {  	[sflag:s19] =	ssyncset.done $0x0  }
0x2c4: {  	[sflag:s19] =	ssyncadd.s32 $0xFFFFFF80  }
0x2c5: {  	_ =	swait.ge [sflag:s19], $0x80  }
0x2c6: {  	[sflag:s19] =	ssyncset.done $0x0  }
0x2c7: {  	[sflag:s19] =	ssyncadd.s32 $0xFFFFFF80  }
0x2c8: {  	_ =	swait.ge [sflag:s14], $0x80  }
0x2c9: {  	[sflag:s14] =	ssyncset.done $0x0  }
0x2ca: {  	[sflag:s14] =	ssyncadd.s32 $0xFFFFFF80  }
0x2cb: {  	_ =	swait.ge [sflag:s14], $0x80  }
0x2cc: {  	[sflag:s14] =	ssyncset.done $0x0  }
0x2cd: {  	[sflag:s14] =	ssyncadd.s32 $0xFFFFFF80  }
0x2ce: {  	_ =	swait.ge [sflag:s16], $0x80  }
0x2cf: {  	[sflag:s16] =	ssyncset.done $0x0  }
0x2d0: {  	[sflag:s16] =	ssyncadd.s32 $0xFFFFFF80  }
0x2d1: {  	_ =	swait.ge [sflag:s16], $0x80  }
0x2d2: {  	[sflag:s16] =	ssyncset.done $0x0  }
0x2d3: {  	[sflag:s16] =	ssyncadd.s32 $0xFFFFFF80  }
0x2d4: {  	_ =	swait.ge [sflag:s18], $0x80  }
0x2d5: {  	[sflag:s18] =	ssyncset.done $0x0  }
0x2d6: {  	[sflag:s18] =	ssyncadd.s32 $0xFFFFFF80  }
0x2d7: {  	_ =	swait.ge [sflag:s18], $0x80  }
0x2d8: {  	[sflag:s18] =	ssyncset.done $0x0  }
0x2d9: {  	[sflag:s18] =	ssyncadd.s32 $0xFFFFFF80  }
0x2da: {  	[bflag:$0x0] =	sbarrier.arrive $0xFFFF  }
0x2db: {  	s17 =	rddreg [dreg:$0x8]  }
0x2dc: {  	s21 =	rddreg [dreg:$0x11]  }
0x2dd: {  	s19 =	rddreg [dreg:$0x14]  }
0x2de: {  	[hbm:s21], [sflag:s17] =	dma.local [spmem:s19], $0x50  }
0x2df: {  	_ =	swait.ge [sflag:s22], $0x50  }
0x2e0: {  	[sflag:s22] =	ssyncset.done $0x0;
	s9 =	rddreg [dreg:$0x12]  }
0x2e1: {  	s21 =	rddreg [dreg:$0x15];
	[sflag:s22] =	ssyncadd.s32 $0xFFFFFFB0  }
0x2e2: {  	[hbm:s9], [sflag:s17] =	dma.local [spmem:s21], $0x50  }
0x2e3: {  	_ =	swait.ge [sflag:s22], $0x50  }
0x2e4: {  	s20 =	sadd.s32 $0x1, s20;
	s21 =	rddreg [dreg:$0x13]  }
0x2e5: {  	p0 =	sne.s32 s20, s21  }
.Ltmp2:
0x2e6: {  	_ = 	snop;
	(pc) =	sbr.rel @p0 .LBB2_1-.Ltmp2, $3  }
0x2e7: {  	_ =	sdelay $0x1  }
0x2e8: {  	[sflag:s22] =	ssyncset.done $0x0  }
0x2e9: {  	[sflag:s22] =	ssyncadd.s32 $0xFFFFFFB0  }
0x2ea: {  	_ =	sfence.sel $0x180000  }
0x2eb: {  	[bflag:$0x0] =	sbarrier.arrive $0xFFFF  }
0x2ec: {  	_ =	strace $0x9000004A  }
0x2ed: {  	s0 =	stileid.u32;
	[bflag:$0x2] =	sbarrier.arrive $0xFFFF  }
0x2ee: {  	p0 =	sne.s32 s0, $0x0;
	s0 =	rddreg [dreg:$0x6]  }
0x2ef: {  	s0 =	sadd.s32 @!p0 $0x100000, s0  }
0x2f0: {  	[sflag:s0] =	ssyncadd.tile.s32 @!p0 $0x1;
	_ =	shalt  }
.Lfunc_end2:
_tile_overlayer_lowered:
.L_overlay_start_2:
0x2f1: {  	(tag) =	ssettag $0x2  }
0x2f2: {  	s0 =	rddreg [dreg:$0x0];
	s2 =	stileid.u32  }
0x2f3: {  	s1 =	rddreg [dreg:$0x1];
	p0 =	sne.s32 s2, $0x0  }
0x2f4: {  	s3 =	rddreg [dreg:$0x2];
	[bflag:$0x3] =	sbarrier.arrive $0xFFFF;
	s2 =	simm.s32 @!p0 $0x1C09  }
0x2f5: {  	[timem:s3], [sflag:s2] =	dma.local @!p0 [hbm:s0], s1  }
0x2f6: {  	s0 =	simm.s32 @!p0 $0x9  }
0x2f7: {  	_ =	swait.ge @!p0 [sflag:s0], s1  }
0x2f8: {  	s1 =	ssub.s32 @!p0 $0x0, s1;
	[sflag:s0] =	ssyncset.done @!p0 $0x0  }
0x2f9: {  	[sflag:s0] =	ssyncadd.s32 @!p0 s1  }
0x2fa: {  	[bflag:$0x3] =	sbarrier.arrive $0xFFFF  }
0x2fb: {  	_ =	shalt  }

</sc_bundles>
